<compile_context>
chip_gen: v7x
topology: tpu7x:2x2x1
jax: 0.10.2.dev20260603
libtpu: 0.0.44.dev20260713+nightly
codegen_flags: <defaults>
</compile_context>

<pallas_src>
import functools

import jax
import jax.numpy as jnp
from jax import lax
from jax.experimental import pallas as pl
from jax.experimental.pallas import tpu as pltpu
from jax.experimental.pallas import tpu_sc as plsc

N = 10000
E = 320000
D = 128

NUM_CORES = 2
NUM_SUBCORES = 16
NW = NUM_CORES * NUM_SUBCORES
CHUNK = 128
K = 80
EW = K * CHUNK
PE = NW * EW
NP = 10240
NBUF = 2
DEPTH = NBUF // 2
PH = 2
KP = K // PH

ROWS_PER_TILE = NP // NUM_SUBCORES


def _sc_segment_sum(with_deg: bool):
    mesh = plsc.VectorSubcoreMesh(core_axis_name="c", subcore_axis_name="s")
    out_type = [jax.ShapeDtypeStruct((NUM_CORES, NP, D), jnp.float32)]
    if with_deg:
        out_type.append(jax.ShapeDtypeStruct((NUM_CORES, NP), jnp.float32))

    scratch = [
        pltpu.VMEM((KP, CHUNK), jnp.int32),
        pltpu.VMEM((KP, CHUNK), jnp.int32),
        pltpu.VMEM((NBUF, CHUNK, D), jnp.float32),
        pltpu.VMEM((CHUNK,), jnp.float32),
        pltpu.VMEM((ROWS_PER_TILE,), jnp.float32),
        pltpu.VMEM_SHARED((NP, D), jnp.float32),
        pltpu.VMEM_SHARED((NP,), jnp.float32),
    ] + [pltpu.SemaphoreType.DMA] * (2 * NBUF)

    @functools.partial(pl.kernel, mesh=mesh, out_type=out_type,
                       scratch_types=scratch)
    def body(x_hbm, src_hbm, dst_hbm, sums_out, *rest):
        if with_deg:
            deg_out = rest[0]
            rest = rest[1:]
        (src_v, dst_v, rows_v, ones_v, zdeg_v, acc_sh, deg_sh) = rest[:7]
        sem_g = rest[7:7 + NBUF]
        sem_s = rest[7 + NBUF:7 + 2 * NBUF]

        cid = lax.axis_index("c")
        sid = lax.axis_index("s")
        wid = cid * NUM_SUBCORES + sid

        zeros16 = jnp.zeros((16,), jnp.float32)

        def zero_row(i, _):
            for j in range(D // 16):
                rows_v[0, i, pl.ds(j * 16, 16)] = zeros16
            return 0

        lax.fori_loop(0, CHUNK, zero_row, 0)

        def zero_deg(i, _):
            zdeg_v[pl.ds(i * 16, 16)] = zeros16
            return 0

        lax.fori_loop(0, ROWS_PER_TILE // 16, zero_deg, 0)

        def fill_ones(i, _):
            ones_v[pl.ds(i * 16, 16)] = zeros16 + 1.0
            return 0

        lax.fori_loop(0, CHUNK // 16, fill_ones, 0)

        row0 = sid * ROWS_PER_TILE
        for t in range(ROWS_PER_TILE // CHUNK):
            pltpu.sync_copy(rows_v.at[0],
                            acc_sh.at[pl.ds(row0 + t * CHUNK, CHUNK)])
        pltpu.sync_copy(zdeg_v, deg_sh.at[pl.ds(row0, ROWS_PER_TILE)])

        plsc.subcore_barrier()

        for p in range(PH):
            pltpu.sync_copy(src_hbm.at[pl.ds(wid * K + p * KP, KP)], src_v)
            pltpu.sync_copy(dst_hbm.at[pl.ds(wid * K + p * KP, KP)], dst_v)
            for b in range(DEPTH):
                pltpu.async_copy(x_hbm.at[src_v.at[b]], rows_v.at[b], sem_g[b])

            def step(jj, _):
                j = jj * NBUF
                for u in range(NBUF):
                    c = j + u
                    bn = (u + DEPTH) % NBUF
                    pltpu.make_async_copy(
                        x_hbm.at[src_v.at[c]], rows_v.at[u], sem_g[u]).wait()

                    @pl.when(c >= DEPTH)
                    def _():
                        pltpu.make_async_copy(
                            rows_v.at[bn], acc_sh.at[dst_v.at[c - DEPTH]],
                            sem_s[bn]).wait()
                        if with_deg:
                            pltpu.make_async_copy(
                                ones_v, deg_sh.at[dst_v.at[c - DEPTH]],
                                sem_s[bn]).wait()

                    pltpu.async_copy(
                        rows_v.at[u], acc_sh.at[dst_v.at[c]], sem_s[u],
                        add=True)
                    if with_deg:
                        pltpu.async_copy(
                            ones_v, deg_sh.at[dst_v.at[c]], sem_s[u], add=True)

                    @pl.when(c + DEPTH < KP)
                    def _():
                        pltpu.async_copy(
                            x_hbm.at[src_v.at[c + DEPTH]], rows_v.at[bn],
                            sem_g[bn])
                return 0

            lax.fori_loop(0, KP // NBUF, step, 0)

            for u in range(DEPTH):
                c = KP - DEPTH + u
                b = c % NBUF
                pltpu.make_async_copy(
                    rows_v.at[b], acc_sh.at[dst_v.at[c]], sem_s[b]).wait()
                if with_deg:
                    pltpu.make_async_copy(
                        ones_v, deg_sh.at[dst_v.at[c]], sem_s[b]).wait()

        plsc.subcore_barrier()

        pltpu.sync_copy(acc_sh.at[pl.ds(row0, ROWS_PER_TILE)],
                        sums_out.at[cid, pl.ds(row0, ROWS_PER_TILE)])
        if with_deg:
            pltpu.sync_copy(deg_sh.at[pl.ds(row0, ROWS_PER_TILE)],
                            deg_out.at[cid, pl.ds(row0, ROWS_PER_TILE)])

    return body


_sc_sum_deg = _sc_segment_sum(True)
_sc_sum = _sc_segment_sum(False)

BN = 1280


def _tc_layer_body(do_relu, sums_ref, deg_ref, x_ref, wl_ref, b_ref, wr_ref,
                   out_ref):
    s = sums_ref[0] + sums_ref[1]
    d = deg_ref[0] + deg_ref[1]
    inv = 1.0 / jnp.maximum(d, 1.0)
    agg = s * inv[:, None]
    r = (jnp.dot(agg, wl_ref[...], preferred_element_type=jnp.float32)
         + b_ref[...]
         + jnp.dot(x_ref[...], wr_ref[...], preferred_element_type=jnp.float32))
    if do_relu:
        r = jnp.maximum(r, 0.0)
    out_ref[...] = r


def _tc_layer(sums, deg, x, wl_t, b, wr_t, do_relu):
    grid = (NP // BN,)
    return pl.pallas_call(
        functools.partial(_tc_layer_body, do_relu),
        grid=grid,
        in_specs=[
            pl.BlockSpec((NUM_CORES, BN, D), lambda i: (0, i, 0)),
            pl.BlockSpec((NUM_CORES, BN), lambda i: (0, i)),
            pl.BlockSpec((BN, D), lambda i: (i, 0)),
            pl.BlockSpec((D, D), lambda i: (0, 0)),
            pl.BlockSpec((1, D), lambda i: (0, 0)),
            pl.BlockSpec((D, D), lambda i: (0, 0)),
        ],
        out_specs=pl.BlockSpec((BN, D), lambda i: (i, 0)),
        out_shape=jax.ShapeDtypeStruct((NP, D), jnp.float32),
    )(sums, deg, x, wl_t, b, wr_t)


def kernel(x, edge_index, W_l1, b_l1, W_r1, W_l2, b_l2, W_r2):
    src = edge_index[0]
    dst = edge_index[1]

    pad_n = PE - E
    pad_ar = jnp.arange(pad_n, dtype=jnp.int32)
    src_p = jnp.concatenate([src, pad_ar % N]).reshape(NW * K, CHUNK)
    dst_p = jnp.concatenate([dst, N + pad_ar % (NP - N)]).reshape(NW * K, CHUNK)

    x_p = jnp.concatenate([x, jnp.zeros((NP - N, D), jnp.float32)], axis=0)

    sums1, deg = _sc_sum_deg(x_p, src_p, dst_p)
    h = _tc_layer(sums1, deg, x_p, W_l1.T, b_l1.reshape(1, D), W_r1.T, True)
    (sums2,) = _sc_sum(h, src_p, dst_p)
    out = _tc_layer(sums2, deg, h, W_l2.T, b_l2.reshape(1, D), W_r2.T, False)
    return out[:N]

# --- scband reference (transcript-rebuilt; emitter-appended) ---
"""Pipeline reference for scband-graph-sage-5626407158206 (READ-ONLY COPY).

The authoritative reference and input builder live on the scoring server;
editing this copy changes nothing except your own understanding.
"""

import jax, jax.numpy as jnp
import numpy as np

N = 10000
E = 320000
D_IN = 128
D_HID = 128
D_OUT = 128


def setup_inputs(seed: int = 0) -> dict:
    key = jax.random.key(seed)
    ks = jax.random.split(key, 10)
    x = jax.random.normal(ks[0], (N, D_IN), dtype=jnp.float32)
    edge_index = jax.random.randint(ks[1], (2, E), 0, N, dtype=jnp.int32)
    s1 = 1.0 / np.sqrt(D_IN)
    s2 = 1.0 / np.sqrt(D_HID)
    W_l1 = jax.random.uniform(ks[2], (D_HID, D_IN), jnp.float32, -s1, s1)
    b_l1 = jax.random.uniform(ks[3], (D_HID,), jnp.float32, -s1, s1)
    W_r1 = jax.random.uniform(ks[4], (D_HID, D_IN), jnp.float32, -s1, s1)
    W_l2 = jax.random.uniform(ks[5], (D_OUT, D_HID), jnp.float32, -s2, s2)
    b_l2 = jax.random.uniform(ks[6], (D_OUT,), jnp.float32, -s2, s2)
    W_r2 = jax.random.uniform(ks[7], (D_OUT, D_HID), jnp.float32, -s2, s2)
    return {"x": x, "edge_index": edge_index, "W_l1": W_l1, "b_l1": b_l1,
            "W_r1": W_r1, "W_l2": W_l2, "b_l2": b_l2, "W_r2": W_r2}


def _sage_conv(x, src, dst, W_l, b_l, W_r, n_nodes):
    # PyG SAGEConv: out = lin_l(mean_{j in N(i)} x_j) + lin_r(x_i)
    msgs = jnp.take(x, src, axis=0)                      # gather (SparseCore)
    agg = jax.ops.segment_sum(msgs, dst, num_segments=n_nodes)  # scatter-add
    deg = jax.ops.segment_sum(jnp.ones((src.shape[0],), dtype=x.dtype), dst,
                              num_segments=n_nodes)
    agg = agg / jnp.maximum(deg, 1.0)[:, None]           # mean aggregation
    return agg @ W_l.T + b_l + x @ W_r.T


def reference(x, edge_index, W_l1, b_l1, W_r1, W_l2, b_l2, W_r2):
    src = edge_index[0]
    dst = edge_index[1]
    h = _sage_conv(x, src, dst, W_l1, b_l1, W_r1, N)
    h = jax.nn.relu(h)
    # dropout p=0.0 -> identity
    h = _sage_conv(h, src, dst, W_l2, b_l2, W_r2, N)
    return h

if __name__ == "__main__":
    import jax
    _d = setup_inputs()
    print(jax.jit(kernel)(*tuple(_d.values())))

</pallas_src>

<mosaic_0001>
#map = affine_map<(d0, d1) -> (0, 0)>
#map1 = affine_map<(d0, d1) -> (0, 0, 0)>
module attributes {stable_mosaic.version = 14 : i64} {
  func.func @body(%arg0: i32, %arg1: i32, %arg2: memref<10240x128xf32, #tpu.memory_space<hbm>>, %arg3: memref<2560x128xi32, #tpu.memory_space<hbm>>, %arg4: memref<2560x128xi32, #tpu.memory_space<hbm>>, %arg5: memref<2x10240x128xf32, #tpu.memory_space<hbm>>, %arg6: memref<2x10240xf32, #tpu.memory_space<hbm>>, %arg7: memref<40x128xi32, #tpu.memory_space<vmem>>, %arg8: memref<40x128xi32, #tpu.memory_space<vmem>>, %arg9: memref<2x128x128xf32, #tpu.memory_space<vmem>>, %arg10: memref<128xf32, #tpu.memory_space<vmem>>, %arg11: memref<640xf32, #tpu.memory_space<vmem>>, %arg12: memref<10240x128xf32, #tpu.memory_space<vmem_shared>>, %arg13: memref<10240xf32, #tpu.memory_space<vmem_shared>>, %arg14: memref<!tpu.dma_semaphore, #tpu.memory_space<semaphore_mem>>, %arg15: memref<!tpu.dma_semaphore, #tpu.memory_space<semaphore_mem>>, %arg16: memref<!tpu.dma_semaphore, #tpu.memory_space<semaphore_mem>>, %arg17: memref<!tpu.dma_semaphore, #tpu.memory_space<semaphore_mem>>) attributes {dimension_semantics = [#tpu.dimension_semantics<core_parallel>, #tpu.dimension_semantics<subcore_parallel>], iteration_bounds = array<i64: 2, 16>, scalar_prefetch = 0 : i64, scratch_operands = 11 : i64, tpu.core_type = #tpu.core_type<sc_vector_subcore>, window_params = [{transform_indices = #map}, {transform_indices = #map}, {transform_indices = #map}, {transform_indices = #map1}, {transform_indices = #map}]} {
    %mul3A = arith.constant 16 : i32
    %mul3A_0 = arith.muli %arg0, %mul3A : i32
    %add3A = arith.addi %mul3A_0, %arg1 : i32
    %broadcast_in_dim3A = arith.constant 0.000000e+00 : f32
    %broadcast_in_dim3A_1 = vector.broadcast %broadcast_in_dim3A : f32 to vector<16xf32>
    %scan3A = arith.constant 0 : i32
    %scan3A_2 = arith.constant 0 : i32
    %scan3A_3 = arith.constant 128 : i32
    %scan3A_4 = arith.addi %scan3A_2, %scan3A_3 : i32
    %scan3A_5 = arith.constant 1 : i32
    %scan3A_6 = scf.for %scan3A_127 = %scan3A_2 to %scan3A_4 step %scan3A_5 iter_args(%scan3A_128 = %scan3A) -> (i32)  : i32 {
      %swap3A = arith.constant 0 : i32
      %swap3A_129 = arith.index_cast %swap3A : i32 to index
      %swap3A_130 = arith.index_cast %scan3A_127 : i32 to index
      %swap3A_131 = arith.constant 0 : index
      %swap3A_132 = tpu.vector_load %arg9[%swap3A_129, %swap3A_130, %swap3A_131] {strides = array<i32>} : memref<2x128x128xf32, #tpu.memory_space<vmem>>, vector<1x1x16xf32>,
      %swap3A_133 = vector.shape_cast %swap3A_132 : vector<1x1x16xf32> to vector<16xf32>
      %swap3A_134 = vector.shape_cast %broadcast_in_dim3A_1 : vector<16xf32> to vector<1x1x16xf32>
      tpu.vector_store %arg9[%swap3A_129, %swap3A_130, %swap3A_131], %swap3A_134 {strides = array<i32>} : memref<2x128x128xf32, #tpu.memory_space<vmem>>, vector<1x1x16xf32>,
      %swap3A_135 = arith.constant 0 : i32
      %swap3A_136 = arith.index_cast %swap3A_135 : i32 to index
      %swap3A_137 = arith.index_cast %scan3A_127 : i32 to index
      %swap3A_138 = arith.constant 16 : index
      %swap3A_139 = tpu.vector_load %arg9[%swap3A_136, %swap3A_137, %swap3A_138] {strides = array<i32>} : memref<2x128x128xf32, #tpu.memory_space<vmem>>, vector<1x1x16xf32>,
      %swap3A_140 = vector.shape_cast %swap3A_139 : vector<1x1x16xf32> to vector<16xf32>
      %swap3A_141 = vector.shape_cast %broadcast_in_dim3A_1 : vector<16xf32> to vector<1x1x16xf32>
      tpu.vector_store %arg9[%swap3A_136, %swap3A_137, %swap3A_138], %swap3A_141 {strides = array<i32>} : memref<2x128x128xf32, #tpu.memory_space<vmem>>, vector<1x1x16xf32>,
      %swap3A_142 = arith.constant 0 : i32
      %swap3A_143 = arith.index_cast %swap3A_142 : i32 to index
      %swap3A_144 = arith.index_cast %scan3A_127 : i32 to index
      %swap3A_145 = arith.constant 32 : index
      %swap3A_146 = tpu.vector_load %arg9[%swap3A_143, %swap3A_144, %swap3A_145] {strides = array<i32>} : memref<2x128x128xf32, #tpu.memory_space<vmem>>, vector<1x1x16xf32>,
      %swap3A_147 = vector.shape_cast %swap3A_146 : vector<1x1x16xf32> to vector<16xf32>
      %swap3A_148 = vector.shape_cast %broadcast_in_dim3A_1 : vector<16xf32> to vector<1x1x16xf32>
      tpu.vector_store %arg9[%swap3A_143, %swap3A_144, %swap3A_145], %swap3A_148 {strides = array<i32>} : memref<2x128x128xf32, #tpu.memory_space<vmem>>, vector<1x1x16xf32>,
      %swap3A_149 = arith.constant 0 : i32
      %swap3A_150 = arith.index_cast %swap3A_149 : i32 to index
      %swap3A_151 = arith.index_cast %scan3A_127 : i32 to index
      %swap3A_152 = arith.constant 48 : index
      %swap3A_153 = tpu.vector_load %arg9[%swap3A_150, %swap3A_151, %swap3A_152] {strides = array<i32>} : memref<2x128x128xf32, #tpu.memory_space<vmem>>, vector<1x1x16xf32>,
      %swap3A_154 = vector.shape_cast %swap3A_153 : vector<1x1x16xf32> to vector<16xf32>
      %swap3A_155 = vector.shape_cast %broadcast_in_dim3A_1 : vector<16xf32> to vector<1x1x16xf32>
      tpu.vector_store %arg9[%swap3A_150, %swap3A_151, %swap3A_152], %swap3A_155 {strides = array<i32>} : memref<2x128x128xf32, #tpu.memory_space<vmem>>, vector<1x1x16xf32>,
      %swap3A_156 = arith.constant 0 : i32
      %swap3A_157 = arith.index_cast %swap3A_156 : i32 to index
      %swap3A_158 = arith.index_cast %scan3A_127 : i32 to index
      %swap3A_159 = arith.constant 64 : index
      %swap3A_160 = tpu.vector_load %arg9[%swap3A_157, %swap3A_158, %swap3A_159] {strides = array<i32>} : memref<2x128x128xf32, #tpu.memory_space<vmem>>, vector<1x1x16xf32>,
      %swap3A_161 = vector.shape_cast %swap3A_160 : vector<1x1x16xf32> to vector<16xf32>
      %swap3A_162 = vector.shape_cast %broadcast_in_dim3A_1 : vector<16xf32> to vector<1x1x16xf32>
      tpu.vector_store %arg9[%swap3A_157, %swap3A_158, %swap3A_159], %swap3A_162 {strides = array<i32>} : memref<2x128x128xf32, #tpu.memory_space<vmem>>, vector<1x1x16xf32>,
      %swap3A_163 = arith.constant 0 : i32
      %swap3A_164 = arith.index_cast %swap3A_163 : i32 to index
      %swap3A_165 = arith.index_cast %scan3A_127 : i32 to index
      %swap3A_166 = arith.constant 80 : index
      %swap3A_167 = tpu.vector_load %arg9[%swap3A_164, %swap3A_165, %swap3A_166] {strides = array<i32>} : memref<2x128x128xf32, #tpu.memory_space<vmem>>, vector<1x1x16xf32>,
      %swap3A_168 = vector.shape_cast %swap3A_167 : vector<1x1x16xf32> to vector<16xf32>
      %swap3A_169 = vector.shape_cast %broadcast_in_dim3A_1 : vector<16xf32> to vector<1x1x16xf32>
      tpu.vector_store %arg9[%swap3A_164, %swap3A_165, %swap3A_166], %swap3A_169 {strides = array<i32>} : memref<2x128x128xf32, #tpu.memory_space<vmem>>, vector<1x1x16xf32>,
      %swap3A_170 = arith.constant 0 : i32
      %swap3A_171 = arith.index_cast %swap3A_170 : i32 to index
      %swap3A_172 = arith.index_cast %scan3A_127 : i32 to index
      %swap3A_173 = arith.constant 96 : index
      %swap3A_174 = tpu.vector_load %arg9[%swap3A_171, %swap3A_172, %swap3A_173] {strides = array<i32>} : memref<2x128x128xf32, #tpu.memory_space<vmem>>, vector<1x1x16xf32>,
      %swap3A_175 = vector.shape_cast %swap3A_174 : vector<1x1x16xf32> to vector<16xf32>
      %swap3A_176 = vector.shape_cast %broadcast_in_dim3A_1 : vector<16xf32> to vector<1x1x16xf32>
      tpu.vector_store %arg9[%swap3A_171, %swap3A_172, %swap3A_173], %swap3A_176 {strides = array<i32>} : memref<2x128x128xf32, #tpu.memory_space<vmem>>, vector<1x1x16xf32>,
      %swap3A_177 = arith.constant 0 : i32
      %swap3A_178 = arith.index_cast %swap3A_177 : i32 to index
      %swap3A_179 = arith.index_cast %scan3A_127 : i32 to index
      %swap3A_180 = arith.constant 112 : index
      %swap3A_181 = tpu.vector_load %arg9[%swap3A_178, %swap3A_179, %swap3A_180] {strides = array<i32>} : memref<2x128x128xf32, #tpu.memory_space<vmem>>, vector<1x1x16xf32>,
      %swap3A_182 = vector.shape_cast %swap3A_181 : vector<1x1x16xf32> to vector<16xf32>
      %swap3A_183 = vector.shape_cast %broadcast_in_dim3A_1 : vector<16xf32> to vector<1x1x16xf32>
      tpu.vector_store %arg9[%swap3A_178, %swap3A_179, %swap3A_180], %swap3A_183 {strides = array<i32>} : memref<2x128x128xf32, #tpu.memory_space<vmem>>, vector<1x1x16xf32>,
      %scan3A_184 = arith.constant 0 : i32
      scf.yield %scan3A_184 : i32
    }
    %scan3A_7 = arith.constant 128 : i32
    %scan3A_8 = arith.constant 0 : i32
    %scan3A_9 = arith.constant 0 : i32
    %scan3A_10 = arith.constant 40 : i32
    %scan3A_11 = arith.addi %scan3A_9, %scan3A_10 : i32
    %scan3A_12 = arith.constant 1 : i32
    %scan3A_13 = scf.for %scan3A_127 = %scan3A_9 to %scan3A_11 step %scan3A_12 iter_args(%scan3A_128 = %scan3A_8) -> (i32)  : i32 {
      %mul3A_129 = arith.constant 16 : i32
      %mul3A_130 = arith.muli %scan3A_127, %mul3A_129 : i32
      %swap3A = arith.index_cast %mul3A_130 : i32 to index
      %swap3A_131 = tpu.vector_load %arg11[%swap3A] {strides = array<i32>} : memref<640xf32, #tpu.memory_space<vmem>>, vector<16xf32>,
      %swap3A_132 = vector.shape_cast %swap3A_131 : vector<16xf32> to vector<16xf32>
      %swap3A_133 = vector.shape_cast %broadcast_in_dim3A_1 : vector<16xf32> to vector<16xf32>
      tpu.vector_store %arg11[%swap3A], %swap3A_133 {strides = array<i32>} : memref<640xf32, #tpu.memory_space<vmem>>, vector<16xf32>,
      %scan3A_134 = arith.constant 0 : i32
      scf.yield %scan3A_134 : i32
    }
    %scan3A_14 = arith.constant 40 : i32
    %scan3A_15 = arith.constant 0 : i32
    %scan3A_16 = arith.constant 0 : i32
    %scan3A_17 = arith.constant 8 : i32
    %scan3A_18 = arith.addi %scan3A_16, %scan3A_17 : i32
    %scan3A_19 = arith.constant 1 : i32
    %scan3A_20 = scf.for %scan3A_127 = %scan3A_16 to %scan3A_18 step %scan3A_19 iter_args(%scan3A_128 = %scan3A_15) -> (i32)  : i32 {
      %add3A_129 = arith.constant 1.000000e+00 : f32
      %add3A_130 = vector.broadcast %add3A_129 : f32 to vector<16xf32>
      %add3A_131 = arith.addf %broadcast_in_dim3A_1, %add3A_130 : vector<16xf32>
      %mul3A_132 = arith.constant 16 : i32
      %mul3A_133 = arith.muli %scan3A_127, %mul3A_132 : i32
      %swap3A = arith.index_cast %mul3A_133 : i32 to index
      %swap3A_134 = tpu.vector_load %arg10[%swap3A] {strides = array<i32>} : memref<128xf32, #tpu.memory_space<vmem>>, vector<16xf32>,
      %swap3A_135 = vector.shape_cast %swap3A_134 : vector<16xf32> to vector<16xf32>
      %swap3A_136 = vector.shape_cast %add3A_131 : vector<16xf32> to vector<16xf32>
      tpu.vector_store %arg10[%swap3A], %swap3A_136 {strides = array<i32>} : memref<128xf32, #tpu.memory_space<vmem>>, vector<16xf32>,
      %scan3A_137 = arith.constant 0 : i32
      scf.yield %scan3A_137 : i32
    }
    %scan3A_21 = arith.constant 8 : i32
    %mul3A_22 = arith.constant 640 : i32
    %mul3A_23 = arith.muli %arg1, %mul3A_22 : i32
    %add3A_24 = arith.constant 0 : i32
    %add3A_25 = arith.addi %mul3A_23, %add3A_24 : i32
    %run_scoped3A = arith.constant 0 : i32
    "tpu.region"() ({
      %run_scoped3A_127 = tpu.sem_alloc : memref<!tpu.dma_semaphore, #tpu.memory_space<semaphore_mem>>
      %dma_start3A_128 = arith.constant 0 : i32
      %dma_start3A_129 = arith.constant 0 : i32
      %dma_start3A_130 = tpu.memref_slice %arg9[%run_scoped3A, %dma_start3A_128, %dma_start3A_129] : memref<2x128x128xf32, #tpu.memory_space<vmem>> -> memref<1x128x128xf32, #tpu.memory_space<vmem>>
      %dma_start3A_131 = tpu.memref_squeeze %dma_start3A_130 : memref<1x128x128xf32, #tpu.memory_space<vmem>> -> memref<128x128xf32, #tpu.memory_space<vmem>>
      %dma_start3A_132 = arith.constant 0 : i32
      %dma_start3A_133 = tpu.memref_slice %arg12[%add3A_25, %dma_start3A_132] : memref<10240x128xf32, #tpu.memory_space<vmem_shared>> -> memref<128x128xf32, #tpu.memory_space<vmem_shared>>
      %dma_start3A_134 = arith.constant 0 : i32
      %dma_start3A_135 = tpu.memref_slice %arg12[%add3A_25, %dma_start3A_134] : memref<10240x128xf32, #tpu.memory_space<vmem_shared>> -> memref<128x128xf32, #tpu.memory_space<vmem_shared>>
      %dma_start3A_136 = arith.constant 0 : i32
      %dma_start3A_137 = arith.constant 0 : i32
      %dma_start3A_138 = tpu.memref_slice %arg9[%run_scoped3A, %dma_start3A_136, %dma_start3A_137] : memref<2x128x128xf32, #tpu.memory_space<vmem>> -> memref<1x128x128xf32, #tpu.memory_space<vmem>>
      %dma_start3A_139 = tpu.memref_squeeze %dma_start3A_138 : memref<1x128x128xf32, #tpu.memory_space<vmem>> -> memref<128x128xf32, #tpu.memory_space<vmem>>
      tpu.enqueue_dma source(%dma_start3A_139 : memref<128x128xf32, #tpu.memory_space<vmem>>) target(%dma_start3A_135 : memref<128x128xf32, #tpu.memory_space<vmem_shared>>) target_semaphore(%run_scoped3A_127 : memref<!tpu.dma_semaphore, #tpu.memory_space<semaphore_mem>>)
      %dma_wait3A_140 = arith.constant 0 : i32
      %dma_wait3A_141 = arith.constant 0 : i32
      %dma_wait3A_142 = tpu.memref_slice %arg9[%run_scoped3A, %dma_wait3A_140, %dma_wait3A_141] : memref<2x128x128xf32, #tpu.memory_space<vmem>> -> memref<1x128x128xf32, #tpu.memory_space<vmem>>
      %dma_wait3A_143 = tpu.memref_squeeze %dma_wait3A_142 : memref<1x128x128xf32, #tpu.memory_space<vmem>> -> memref<128x128xf32, #tpu.memory_space<vmem>>
      %dma_wait3A_144 = arith.constant 0 : i32
      %dma_wait3A_145 = tpu.memref_slice %arg12[%add3A_25, %dma_wait3A_144] : memref<10240x128xf32, #tpu.memory_space<vmem_shared>> -> memref<128x128xf32, #tpu.memory_space<vmem_shared>>
      %dma_wait3A_146 = arith.constant 0 : i32
      %dma_wait3A_147 = tpu.memref_slice %arg12[%add3A_25, %dma_wait3A_146] : memref<10240x128xf32, #tpu.memory_space<vmem_shared>> -> memref<128x128xf32, #tpu.memory_space<vmem_shared>>
      %dma_wait3A_148 = arith.constant 0 : i32
      %dma_wait3A_149 = arith.constant 0 : i32
      %dma_wait3A_150 = tpu.memref_slice %arg9[%run_scoped3A, %dma_wait3A_148, %dma_wait3A_149] : memref<2x128x128xf32, #tpu.memory_space<vmem>> -> memref<1x128x128xf32, #tpu.memory_space<vmem>>
      %dma_wait3A_151 = tpu.memref_squeeze %dma_wait3A_150 : memref<1x128x128xf32, #tpu.memory_space<vmem>> -> memref<128x128xf32, #tpu.memory_space<vmem>>
      tpu.wait_dma2 semaphore(%run_scoped3A_127 : memref<!tpu.dma_semaphore, #tpu.memory_space<semaphore_mem>>) src(%dma_wait3A_151 : memref<128x128xf32, #tpu.memory_space<vmem>>) dst(%dma_wait3A_147 : memref<128x128xf32, #tpu.memory_space<vmem_shared>>)
      tpu.yield
    }) : () -> ()
    %add3A_26 = arith.constant 128 : i32
    %add3A_27 = arith.addi %mul3A_23, %add3A_26 : i32
    %run_scoped3A_28 = arith.constant 0 : i32
    "tpu.region"() ({
      %run_scoped3A_127 = tpu.sem_alloc : memref<!tpu.dma_semaphore, #tpu.memory_space<semaphore_mem>>
      %dma_start3A_128 = arith.constant 0 : i32
      %dma_start3A_129 = arith.constant 0 : i32
      %dma_start3A_130 = tpu.memref_slice %arg9[%run_scoped3A_28, %dma_start3A_128, %dma_start3A_129] : memref<2x128x128xf32, #tpu.memory_space<vmem>> -> memref<1x128x128xf32, #tpu.memory_space<vmem>>
      %dma_start3A_131 = tpu.memref_squeeze %dma_start3A_130 : memref<1x128x128xf32, #tpu.memory_space<vmem>> -> memref<128x128xf32, #tpu.memory_space<vmem>>
      %dma_start3A_132 = arith.constant 0 : i32
      %dma_start3A_133 = tpu.memref_slice %arg12[%add3A_27, %dma_start3A_132] : memref<10240x128xf32, #tpu.memory_space<vmem_shared>> -> memref<128x128xf32, #tpu.memory_space<vmem_shared>>
      %dma_start3A_134 = arith.constant 0 : i32
      %dma_start3A_135 = tpu.memref_slice %arg12[%add3A_27, %dma_start3A_134] : memref<10240x128xf32, #tpu.memory_space<vmem_shared>> -> memref<128x128xf32, #tpu.memory_space<vmem_shared>>
      %dma_start3A_136 = arith.constant 0 : i32
      %dma_start3A_137 = arith.constant 0 : i32
      %dma_start3A_138 = tpu.memref_slice %arg9[%run_scoped3A_28, %dma_start3A_136, %dma_start3A_137] : memref<2x128x128xf32, #tpu.memory_space<vmem>> -> memref<1x128x128xf32, #tpu.memory_space<vmem>>
      %dma_start3A_139 = tpu.memref_squeeze %dma_start3A_138 : memref<1x128x128xf32, #tpu.memory_space<vmem>> -> memref<128x128xf32, #tpu.memory_space<vmem>>
      tpu.enqueue_dma source(%dma_start3A_139 : memref<128x128xf32, #tpu.memory_space<vmem>>) target(%dma_start3A_135 : memref<128x128xf32, #tpu.memory_space<vmem_shared>>) target_semaphore(%run_scoped3A_127 : memref<!tpu.dma_semaphore, #tpu.memory_space<semaphore_mem>>)
      %dma_wait3A_140 = arith.constant 0 : i32
      %dma_wait3A_141 = arith.constant 0 : i32
      %dma_wait3A_142 = tpu.memref_slice %arg9[%run_scoped3A_28, %dma_wait3A_140, %dma_wait3A_141] : memref<2x128x128xf32, #tpu.memory_space<vmem>> -> memref<1x128x128xf32, #tpu.memory_space<vmem>>
      %dma_wait3A_143 = tpu.memref_squeeze %dma_wait3A_142 : memref<1x128x128xf32, #tpu.memory_space<vmem>> -> memref<128x128xf32, #tpu.memory_space<vmem>>
      %dma_wait3A_144 = arith.constant 0 : i32
      %dma_wait3A_145 = tpu.memref_slice %arg12[%add3A_27, %dma_wait3A_144] : memref<10240x128xf32, #tpu.memory_space<vmem_shared>> -> memref<128x128xf32, #tpu.memory_space<vmem_shared>>
      %dma_wait3A_146 = arith.constant 0 : i32
      %dma_wait3A_147 = tpu.memref_slice %arg12[%add3A_27, %dma_wait3A_146] : memref<10240x128xf32, #tpu.memory_space<vmem_shared>> -> memref<128x128xf32, #tpu.memory_space<vmem_shared>>
      %dma_wait3A_148 = arith.constant 0 : i32
      %dma_wait3A_149 = arith.constant 0 : i32
      %dma_wait3A_150 = tpu.memref_slice %arg9[%run_scoped3A_28, %dma_wait3A_148, %dma_wait3A_149] : memref<2x128x128xf32, #tpu.memory_space<vmem>> -> memref<1x128x128xf32, #tpu.memory_space<vmem>>
      %dma_wait3A_151 = tpu.memref_squeeze %dma_wait3A_150 : memref<1x128x128xf32, #tpu.memory_space<vmem>> -> memref<128x128xf32, #tpu.memory_space<vmem>>
      tpu.wait_dma2 semaphore(%run_scoped3A_127 : memref<!tpu.dma_semaphore, #tpu.memory_space<semaphore_mem>>) src(%dma_wait3A_151 : memref<128x128xf32, #tpu.memory_space<vmem>>) dst(%dma_wait3A_147 : memref<128x128xf32, #tpu.memory_space<vmem_shared>>)
      tpu.yield
    }) : () -> ()
    %add3A_29 = arith.constant 256 : i32
    %add3A_30 = arith.addi %mul3A_23, %add3A_29 : i32
    %run_scoped3A_31 = arith.constant 0 : i32
    "tpu.region"() ({
      %run_scoped3A_127 = tpu.sem_alloc : memref<!tpu.dma_semaphore, #tpu.memory_space<semaphore_mem>>
      %dma_start3A_128 = arith.constant 0 : i32
      %dma_start3A_129 = arith.constant 0 : i32
      %dma_start3A_130 = tpu.memref_slice %arg9[%run_scoped3A_31, %dma_start3A_128, %dma_start3A_129] : memref<2x128x128xf32, #tpu.memory_space<vmem>> -> memref<1x128x128xf32, #tpu.memory_space<vmem>>
      %dma_start3A_131 = tpu.memref_squeeze %dma_start3A_130 : memref<1x128x128xf32, #tpu.memory_space<vmem>> -> memref<128x128xf32, #tpu.memory_space<vmem>>
      %dma_start3A_132 = arith.constant 0 : i32
      %dma_start3A_133 = tpu.memref_slice %arg12[%add3A_30, %dma_start3A_132] : memref<10240x128xf32, #tpu.memory_space<vmem_shared>> -> memref<128x128xf32, #tpu.memory_space<vmem_shared>>
      %dma_start3A_134 = arith.constant 0 : i32
      %dma_start3A_135 = tpu.memref_slice %arg12[%add3A_30, %dma_start3A_134] : memref<10240x128xf32, #tpu.memory_space<vmem_shared>> -> memref<128x128xf32, #tpu.memory_space<vmem_shared>>
      %dma_start3A_136 = arith.constant 0 : i32
      %dma_start3A_137 = arith.constant 0 : i32
      %dma_start3A_138 = tpu.memref_slice %arg9[%run_scoped3A_31, %dma_start3A_136, %dma_start3A_137] : memref<2x128x128xf32, #tpu.memory_space<vmem>> -> memref<1x128x128xf32, #tpu.memory_space<vmem>>
      %dma_start3A_139 = tpu.memref_squeeze %dma_start3A_138 : memref<1x128x128xf32, #tpu.memory_space<vmem>> -> memref<128x128xf32, #tpu.memory_space<vmem>>
      tpu.enqueue_dma source(%dma_start3A_139 : memref<128x128xf32, #tpu.memory_space<vmem>>) target(%dma_start3A_135 : memref<128x128xf32, #tpu.memory_space<vmem_shared>>) target_semaphore(%run_scoped3A_127 : memref<!tpu.dma_semaphore, #tpu.memory_space<semaphore_mem>>)
      %dma_wait3A_140 = arith.constant 0 : i32
      %dma_wait3A_141 = arith.constant 0 : i32
      %dma_wait3A_142 = tpu.memref_slice %arg9[%run_scoped3A_31, %dma_wait3A_140, %dma_wait3A_141] : memref<2x128x128xf32, #tpu.memory_space<vmem>> -> memref<1x128x128xf32, #tpu.memory_space<vmem>>
      %dma_wait3A_143 = tpu.memref_squeeze %dma_wait3A_142 : memref<1x128x128xf32, #tpu.memory_space<vmem>> -> memref<128x128xf32, #tpu.memory_space<vmem>>
      %dma_wait3A_144 = arith.constant 0 : i32
      %dma_wait3A_145 = tpu.memref_slice %arg12[%add3A_30, %dma_wait3A_144] : memref<10240x128xf32, #tpu.memory_space<vmem_shared>> -> memref<128x128xf32, #tpu.memory_space<vmem_shared>>
      %dma_wait3A_146 = arith.constant 0 : i32
      %dma_wait3A_147 = tpu.memref_slice %arg12[%add3A_30, %dma_wait3A_146] : memref<10240x128xf32, #tpu.memory_space<vmem_shared>> -> memref<128x128xf32, #tpu.memory_space<vmem_shared>>
      %dma_wait3A_148 = arith.constant 0 : i32
      %dma_wait3A_149 = arith.constant 0 : i32
      %dma_wait3A_150 = tpu.memref_slice %arg9[%run_scoped3A_31, %dma_wait3A_148, %dma_wait3A_149] : memref<2x128x128xf32, #tpu.memory_space<vmem>> -> memref<1x128x128xf32, #tpu.memory_space<vmem>>
      %dma_wait3A_151 = tpu.memref_squeeze %dma_wait3A_150 : memref<1x128x128xf32, #tpu.memory_space<vmem>> -> memref<128x128xf32, #tpu.memory_space<vmem>>
      tpu.wait_dma2 semaphore(%run_scoped3A_127 : memref<!tpu.dma_semaphore, #tpu.memory_space<semaphore_mem>>) src(%dma_wait3A_151 : memref<128x128xf32, #tpu.memory_space<vmem>>) dst(%dma_wait3A_147 : memref<128x128xf32, #tpu.memory_space<vmem_shared>>)
      tpu.yield
    }) : () -> ()
    %add3A_32 = arith.constant 384 : i32
    %add3A_33 = arith.addi %mul3A_23, %add3A_32 : i32
    %run_scoped3A_34 = arith.constant 0 : i32
    "tpu.region"() ({
      %run_scoped3A_127 = tpu.sem_alloc : memref<!tpu.dma_semaphore, #tpu.memory_space<semaphore_mem>>
      %dma_start3A_128 = arith.constant 0 : i32
      %dma_start3A_129 = arith.constant 0 : i32
      %dma_start3A_130 = tpu.memref_slice %arg9[%run_scoped3A_34, %dma_start3A_128, %dma_start3A_129] : memref<2x128x128xf32, #tpu.memory_space<vmem>> -> memref<1x128x128xf32, #tpu.memory_space<vmem>>
      %dma_start3A_131 = tpu.memref_squeeze %dma_start3A_130 : memref<1x128x128xf32, #tpu.memory_space<vmem>> -> memref<128x128xf32, #tpu.memory_space<vmem>>
      %dma_start3A_132 = arith.constant 0 : i32
      %dma_start3A_133 = tpu.memref_slice %arg12[%add3A_33, %dma_start3A_132] : memref<10240x128xf32, #tpu.memory_space<vmem_shared>> -> memref<128x128xf32, #tpu.memory_space<vmem_shared>>
      %dma_start3A_134 = arith.constant 0 : i32
      %dma_start3A_135 = tpu.memref_slice %arg12[%add3A_33, %dma_start3A_134] : memref<10240x128xf32, #tpu.memory_space<vmem_shared>> -> memref<128x128xf32, #tpu.memory_space<vmem_shared>>
      %dma_start3A_136 = arith.constant 0 : i32
      %dma_start3A_137 = arith.constant 0 : i32
      %dma_start3A_138 = tpu.memref_slice %arg9[%run_scoped3A_34, %dma_start3A_136, %dma_start3A_137] : memref<2x128x128xf32, #tpu.memory_space<vmem>> -> memref<1x128x128xf32, #tpu.memory_space<vmem>>
      %dma_start3A_139 = tpu.memref_squeeze %dma_start3A_138 : memref<1x128x128xf32, #tpu.memory_space<vmem>> -> memref<128x128xf32, #tpu.memory_space<vmem>>
      tpu.enqueue_dma source(%dma_start3A_139 : memref<128x128xf32, #tpu.memory_space<vmem>>) target(%dma_start3A_135 : memref<128x128xf32, #tpu.memory_space<vmem_shared>>) target_semaphore(%run_scoped3A_127 : memref<!tpu.dma_semaphore, #tpu.memory_space<semaphore_mem>>)
      %dma_wait3A_140 = arith.constant 0 : i32
      %dma_wait3A_141 = arith.constant 0 : i32
      %dma_wait3A_142 = tpu.memref_slice %arg9[%run_scoped3A_34, %dma_wait3A_140, %dma_wait3A_141] : memref<2x128x128xf32, #tpu.memory_space<vmem>> -> memref<1x128x128xf32, #tpu.memory_space<vmem>>
      %dma_wait3A_143 = tpu.memref_squeeze %dma_wait3A_142 : memref<1x128x128xf32, #tpu.memory_space<vmem>> -> memref<128x128xf32, #tpu.memory_space<vmem>>
      %dma_wait3A_144 = arith.constant 0 : i32
      %dma_wait3A_145 = tpu.memref_slice %arg12[%add3A_33, %dma_wait3A_144] : memref<10240x128xf32, #tpu.memory_space<vmem_shared>> -> memref<128x128xf32, #tpu.memory_space<vmem_shared>>
      %dma_wait3A_146 = arith.constant 0 : i32
      %dma_wait3A_147 = tpu.memref_slice %arg12[%add3A_33, %dma_wait3A_146] : memref<10240x128xf32, #tpu.memory_space<vmem_shared>> -> memref<128x128xf32, #tpu.memory_space<vmem_shared>>
      %dma_wait3A_148 = arith.constant 0 : i32
      %dma_wait3A_149 = arith.constant 0 : i32
      %dma_wait3A_150 = tpu.memref_slice %arg9[%run_scoped3A_34, %dma_wait3A_148, %dma_wait3A_149] : memref<2x128x128xf32, #tpu.memory_space<vmem>> -> memref<1x128x128xf32, #tpu.memory_space<vmem>>
      %dma_wait3A_151 = tpu.memref_squeeze %dma_wait3A_150 : memref<1x128x128xf32, #tpu.memory_space<vmem>> -> memref<128x128xf32, #tpu.memory_space<vmem>>
      tpu.wait_dma2 semaphore(%run_scoped3A_127 : memref<!tpu.dma_semaphore, #tpu.memory_space<semaphore_mem>>) src(%dma_wait3A_151 : memref<128x128xf32, #tpu.memory_space<vmem>>) dst(%dma_wait3A_147 : memref<128x128xf32, #tpu.memory_space<vmem_shared>>)
      tpu.yield
    }) : () -> ()
    %add3A_35 = arith.constant 512 : i32
    %add3A_36 = arith.addi %mul3A_23, %add3A_35 : i32
    %run_scoped3A_37 = arith.constant 0 : i32
    "tpu.region"() ({
      %run_scoped3A_127 = tpu.sem_alloc : memref<!tpu.dma_semaphore, #tpu.memory_space<semaphore_mem>>
      %dma_start3A_128 = arith.constant 0 : i32
      %dma_start3A_129 = arith.constant 0 : i32
      %dma_start3A_130 = tpu.memref_slice %arg9[%run_scoped3A_37, %dma_start3A_128, %dma_start3A_129] : memref<2x128x128xf32, #tpu.memory_space<vmem>> -> memref<1x128x128xf32, #tpu.memory_space<vmem>>
      %dma_start3A_131 = tpu.memref_squeeze %dma_start3A_130 : memref<1x128x128xf32, #tpu.memory_space<vmem>> -> memref<128x128xf32, #tpu.memory_space<vmem>>
      %dma_start3A_132 = arith.constant 0 : i32
      %dma_start3A_133 = tpu.memref_slice %arg12[%add3A_36, %dma_start3A_132] : memref<10240x128xf32, #tpu.memory_space<vmem_shared>> -> memref<128x128xf32, #tpu.memory_space<vmem_shared>>
      %dma_start3A_134 = arith.constant 0 : i32
      %dma_start3A_135 = tpu.memref_slice %arg12[%add3A_36, %dma_start3A_134] : memref<10240x128xf32, #tpu.memory_space<vmem_shared>> -> memref<128x128xf32, #tpu.memory_space<vmem_shared>>
      %dma_start3A_136 = arith.constant 0 : i32
      %dma_start3A_137 = arith.constant 0 : i32
      %dma_start3A_138 = tpu.memref_slice %arg9[%run_scoped3A_37, %dma_start3A_136, %dma_start3A_137] : memref<2x128x128xf32, #tpu.memory_space<vmem>> -> memref<1x128x128xf32, #tpu.memory_space<vmem>>
      %dma_start3A_139 = tpu.memref_squeeze %dma_start3A_138 : memref<1x128x128xf32, #tpu.memory_space<vmem>> -> memref<128x128xf32, #tpu.memory_space<vmem>>
      tpu.enqueue_dma source(%dma_start3A_139 : memref<128x128xf32, #tpu.memory_space<vmem>>) target(%dma_start3A_135 : memref<128x128xf32, #tpu.memory_space<vmem_shared>>) target_semaphore(%run_scoped3A_127 : memref<!tpu.dma_semaphore, #tpu.memory_space<semaphore_mem>>)
      %dma_wait3A_140 = arith.constant 0 : i32
      %dma_wait3A_141 = arith.constant 0 : i32
      %dma_wait3A_142 = tpu.memref_slice %arg9[%run_scoped3A_37, %dma_wait3A_140, %dma_wait3A_141] : memref<2x128x128xf32, #tpu.memory_space<vmem>> -> memref<1x128x128xf32, #tpu.memory_space<vmem>>
      %dma_wait3A_143 = tpu.memref_squeeze %dma_wait3A_142 : memref<1x128x128xf32, #tpu.memory_space<vmem>> -> memref<128x128xf32, #tpu.memory_space<vmem>>
      %dma_wait3A_144 = arith.constant 0 : i32
      %dma_wait3A_145 = tpu.memref_slice %arg12[%add3A_36, %dma_wait3A_144] : memref<10240x128xf32, #tpu.memory_space<vmem_shared>> -> memref<128x128xf32, #tpu.memory_space<vmem_shared>>
      %dma_wait3A_146 = arith.constant 0 : i32
      %dma_wait3A_147 = tpu.memref_slice %arg12[%add3A_36, %dma_wait3A_146] : memref<10240x128xf32, #tpu.memory_space<vmem_shared>> -> memref<128x128xf32, #tpu.memory_space<vmem_shared>>
      %dma_wait3A_148 = arith.constant 0 : i32
      %dma_wait3A_149 = arith.constant 0 : i32
      %dma_wait3A_150 = tpu.memref_slice %arg9[%run_scoped3A_37, %dma_wait3A_148, %dma_wait3A_149] : memref<2x128x128xf32, #tpu.memory_space<vmem>> -> memref<1x128x128xf32, #tpu.memory_space<vmem>>
      %dma_wait3A_151 = tpu.memref_squeeze %dma_wait3A_150 : memref<1x128x128xf32, #tpu.memory_space<vmem>> -> memref<128x128xf32, #tpu.memory_space<vmem>>
      tpu.wait_dma2 semaphore(%run_scoped3A_127 : memref<!tpu.dma_semaphore, #tpu.memory_space<semaphore_mem>>) src(%dma_wait3A_151 : memref<128x128xf32, #tpu.memory_space<vmem>>) dst(%dma_wait3A_147 : memref<128x128xf32, #tpu.memory_space<vmem_shared>>)
      tpu.yield
    }) : () -> ()
    "tpu.region"() ({
      %run_scoped3A_127 = tpu.sem_alloc : memref<!tpu.dma_semaphore, #tpu.memory_space<semaphore_mem>>
      %dma_start3A_128 = tpu.memref_slice %arg13[%mul3A_23] : memref<10240xf32, #tpu.memory_space<vmem_shared>> -> memref<640xf32, #tpu.memory_space<vmem_shared>>
      %dma_start3A_129 = tpu.memref_slice %arg13[%mul3A_23] : memref<10240xf32, #tpu.memory_space<vmem_shared>> -> memref<640xf32, #tpu.memory_space<vmem_shared>>
      tpu.enqueue_dma source(%arg11 : memref<640xf32, #tpu.memory_space<vmem>>) target(%dma_start3A_129 : memref<640xf32, #tpu.memory_space<vmem_shared>>) target_semaphore(%run_scoped3A_127 : memref<!tpu.dma_semaphore, #tpu.memory_space<semaphore_mem>>)
      %dma_wait3A_130 = tpu.memref_slice %arg13[%mul3A_23] : memref<10240xf32, #tpu.memory_space<vmem_shared>> -> memref<640xf32, #tpu.memory_space<vmem_shared>>
      %dma_wait3A_131 = tpu.memref_slice %arg13[%mul3A_23] : memref<10240xf32, #tpu.memory_space<vmem_shared>> -> memref<640xf32, #tpu.memory_space<vmem_shared>>
      tpu.wait_dma2 semaphore(%run_scoped3A_127 : memref<!tpu.dma_semaphore, #tpu.memory_space<semaphore_mem>>) src(%arg11 : memref<640xf32, #tpu.memory_space<vmem>>) dst(%dma_wait3A_131 : memref<640xf32, #tpu.memory_space<vmem_shared>>)
      tpu.yield
    }) : () -> ()
    %barrier3A = arith.constant 0 : index
    tpu.barrier barrier_id(%barrier3A)
    %mul3A_38 = arith.constant 80 : i32
    %mul3A_39 = arith.muli %add3A, %mul3A_38 : i32
    %add3A_40 = arith.constant 0 : i32
    %add3A_41 = arith.addi %mul3A_39, %add3A_40 : i32
    "tpu.region"() ({
      %run_scoped3A_127 = tpu.sem_alloc : memref<!tpu.dma_semaphore, #tpu.memory_space<semaphore_mem>>
      %dma_start3A_128 = arith.constant 0 : i32
      %dma_start3A_129 = tpu.memref_slice %arg3[%add3A_41, %dma_start3A_128] : memref<2560x128xi32, #tpu.memory_space<hbm>> -> memref<40x128xi32, #tpu.memory_space<hbm>>
      %dma_start3A_130 = arith.constant 0 : i32
      %dma_start3A_131 = tpu.memref_slice %arg3[%add3A_41, %dma_start3A_130] : memref<2560x128xi32, #tpu.memory_space<hbm>> -> memref<40x128xi32, #tpu.memory_space<hbm>>
      tpu.enqueue_dma source(%dma_start3A_131 : memref<40x128xi32, #tpu.memory_space<hbm>>) target(%arg7 : memref<40x128xi32, #tpu.memory_space<vmem>>) target_semaphore(%run_scoped3A_127 : memref<!tpu.dma_semaphore, #tpu.memory_space<semaphore_mem>>)
      %dma_wait3A_132 = arith.constant 0 : i32
      %dma_wait3A_133 = tpu.memref_slice %arg3[%add3A_41, %dma_wait3A_132] : memref<2560x128xi32, #tpu.memory_space<hbm>> -> memref<40x128xi32, #tpu.memory_space<hbm>>
      %dma_wait3A_134 = arith.constant 0 : i32
      %dma_wait3A_135 = tpu.memref_slice %arg3[%add3A_41, %dma_wait3A_134] : memref<2560x128xi32, #tpu.memory_space<hbm>> -> memref<40x128xi32, #tpu.memory_space<hbm>>
      tpu.wait_dma2 semaphore(%run_scoped3A_127 : memref<!tpu.dma_semaphore, #tpu.memory_space<semaphore_mem>>) src(%dma_wait3A_135 : memref<40x128xi32, #tpu.memory_space<hbm>>) dst(%arg7 : memref<40x128xi32, #tpu.memory_space<vmem>>)
      tpu.yield
    }) : () -> ()
    %mul3A_42 = arith.constant 80 : i32
    %mul3A_43 = arith.muli %add3A, %mul3A_42 : i32
    %add3A_44 = arith.constant 0 : i32
    %add3A_45 = arith.addi %mul3A_43, %add3A_44 : i32
    "tpu.region"() ({
      %run_scoped3A_127 = tpu.sem_alloc : memref<!tpu.dma_semaphore, #tpu.memory_space<semaphore_mem>>
      %dma_start3A_128 = arith.constant 0 : i32
      %dma_start3A_129 = tpu.memref_slice %arg4[%add3A_45, %dma_start3A_128] : memref<2560x128xi32, #tpu.memory_space<hbm>> -> memref<40x128xi32, #tpu.memory_space<hbm>>
      %dma_start3A_130 = arith.constant 0 : i32
      %dma_start3A_131 = tpu.memref_slice %arg4[%add3A_45, %dma_start3A_130] : memref<2560x128xi32, #tpu.memory_space<hbm>> -> memref<40x128xi32, #tpu.memory_space<hbm>>
      tpu.enqueue_dma source(%dma_start3A_131 : memref<40x128xi32, #tpu.memory_space<hbm>>) target(%arg8 : memref<40x128xi32, #tpu.memory_space<vmem>>) target_semaphore(%run_scoped3A_127 : memref<!tpu.dma_semaphore, #tpu.memory_space<semaphore_mem>>)
      %dma_wait3A_132 = arith.constant 0 : i32
      %dma_wait3A_133 = tpu.memref_slice %arg4[%add3A_45, %dma_wait3A_132] : memref<2560x128xi32, #tpu.memory_space<hbm>> -> memref<40x128xi32, #tpu.memory_space<hbm>>
      %dma_wait3A_134 = arith.constant 0 : i32
      %dma_wait3A_135 = tpu.memref_slice %arg4[%add3A_45, %dma_wait3A_134] : memref<2560x128xi32, #tpu.memory_space<hbm>> -> memref<40x128xi32, #tpu.memory_space<hbm>>
      tpu.wait_dma2 semaphore(%run_scoped3A_127 : memref<!tpu.dma_semaphore, #tpu.memory_space<semaphore_mem>>) src(%dma_wait3A_135 : memref<40x128xi32, #tpu.memory_space<hbm>>) dst(%arg8 : memref<40x128xi32, #tpu.memory_space<vmem>>)
      tpu.yield
    }) : () -> ()
    %dma_start3A = arith.constant 0 : i32
    %dma_start3A_46 = arith.constant 0 : i32
    %dma_start3A_47 = arith.constant 0 : i32
    %dma_start3A_48 = arith.constant 0 : i32
    %dma_start3A_49 = tpu.memref_slice %arg9[%dma_start3A_46, %dma_start3A_47, %dma_start3A_48] : memref<2x128x128xf32, #tpu.memory_space<vmem>> -> memref<1x128x128xf32, #tpu.memory_space<vmem>>
    %dma_start3A_50 = tpu.memref_squeeze %dma_start3A_49 : memref<1x128x128xf32, #tpu.memory_space<vmem>> -> memref<128x128xf32, #tpu.memory_space<vmem>>
    %dma_start3A_51 = arith.constant 0 : i32
    %dma_start3A_52 = tpu.memref_slice %arg7[%dma_start3A, %dma_start3A_51] : memref<40x128xi32, #tpu.memory_space<vmem>> -> memref<1x128xi32, #tpu.memory_space<vmem>>
    %dma_start3A_53 = tpu.memref_squeeze %dma_start3A_52 : memref<1x128xi32, #tpu.memory_space<vmem>> -> memref<128xi32, #tpu.memory_space<vmem>>
    %dma_start3A_54 = arith.constant 0 : i32
    %dma_start3A_55 = arith.constant 0 : i32
    %dma_start3A_56 = tpu.memref_slice %arg2[%dma_start3A_54, %dma_start3A_55] : memref<10240x128xf32, #tpu.memory_space<hbm>> -> memref<10240x128xf32, #tpu.memory_space<hbm>>
    tpu.enqueue_indirect_dma source(%dma_start3A_56 : memref<10240x128xf32, #tpu.memory_space<hbm>>) target(%dma_start3A_50 : memref<128x128xf32, #tpu.memory_space<vmem>>) offsets(%dma_start3A_53 : memref<128xi32, #tpu.memory_space<vmem>>) semaphore(%arg14 : memref<!tpu.dma_semaphore, #tpu.memory_space<semaphore_mem>>)
    %scan3A_57 = arith.constant 0 : i32
    %scan3A_58 = arith.constant 0 : i32
    %scan3A_59 = arith.constant 20 : i32
    %scan3A_60 = arith.addi %scan3A_58, %scan3A_59 : i32
    %scan3A_61 = arith.constant 1 : i32
    %scan3A_62 = scf.for %scan3A_127 = %scan3A_58 to %scan3A_60 step %scan3A_61 iter_args(%scan3A_128 = %scan3A_57) -> (i32)  : i32 {
      %mul3A_129 = arith.constant 2 : i32
      %mul3A_130 = arith.muli %scan3A_127, %mul3A_129 : i32
      %add3A_131 = arith.constant 0 : i32
      %add3A_132 = arith.addi %mul3A_130, %add3A_131 : i32
      %dma_wait3A_133 = arith.constant 0 : i32
      %dma_wait3A_134 = arith.constant 0 : i32
      %dma_wait3A_135 = arith.constant 0 : i32
      %dma_wait3A_136 = tpu.memref_slice %arg9[%dma_wait3A_133, %dma_wait3A_134, %dma_wait3A_135] : memref<2x128x128xf32, #tpu.memory_space<vmem>> -> memref<1x128x128xf32, #tpu.memory_space<vmem>>
      %dma_wait3A_137 = tpu.memref_squeeze %dma_wait3A_136 : memref<1x128x128xf32, #tpu.memory_space<vmem>> -> memref<128x128xf32, #tpu.memory_space<vmem>>
      %dma_wait3A_138 = arith.constant 0 : i32
      %dma_wait3A_139 = tpu.memref_slice %arg7[%add3A_132, %dma_wait3A_138] : memref<40x128xi32, #tpu.memory_space<vmem>> -> memref<1x128xi32, #tpu.memory_space<vmem>>
      %dma_wait3A_140 = tpu.memref_squeeze %dma_wait3A_139 : memref<1x128xi32, #tpu.memory_space<vmem>> -> memref<128xi32, #tpu.memory_space<vmem>>
      %dma_wait3A_141 = arith.constant 0 : i32
      %dma_wait3A_142 = arith.constant 0 : i32
      %dma_wait3A_143 = tpu.memref_slice %arg2[%dma_wait3A_141, %dma_wait3A_142] : memref<10240x128xf32, #tpu.memory_space<hbm>> -> memref<10240x128xf32, #tpu.memory_space<hbm>>
      tpu.wait_indirect_dma semaphore(%arg14 : memref<!tpu.dma_semaphore, #tpu.memory_space<semaphore_mem>>) src(%dma_wait3A_143 : memref<10240x128xf32, #tpu.memory_space<hbm>>) dst(%dma_wait3A_137 : memref<128x128xf32, #tpu.memory_space<vmem>>)
      %ge3A = arith.constant 1 : i32
      %ge3A_144 = arith.cmpi sge, %add3A_132, %ge3A : i32
      %convert_element_type3A = arith.extui %ge3A_144 : i1 to i32
      %cond3A = arith.constant 0 : i32
      %cond3A_145 = arith.cmpi ne, %convert_element_type3A, %cond3A : i32
      scf.if %cond3A_145 {
        %sub3A = arith.constant 1 : i32
        %sub3A_210 = arith.subi %add3A_132, %sub3A : i32
        %dma_wait3A_211 = arith.constant 1 : i32
        %dma_wait3A_212 = arith.constant 0 : i32
        %dma_wait3A_213 = arith.constant 0 : i32
        %dma_wait3A_214 = tpu.memref_slice %arg9[%dma_wait3A_211, %dma_wait3A_212, %dma_wait3A_213] : memref<2x128x128xf32, #tpu.memory_space<vmem>> -> memref<1x128x128xf32, #tpu.memory_space<vmem>>
        %dma_wait3A_215 = tpu.memref_squeeze %dma_wait3A_214 : memref<1x128x128xf32, #tpu.memory_space<vmem>> -> memref<128x128xf32, #tpu.memory_space<vmem>>
        %dma_wait3A_216 = arith.constant 0 : i32
        %dma_wait3A_217 = tpu.memref_slice %arg8[%sub3A_210, %dma_wait3A_216] : memref<40x128xi32, #tpu.memory_space<vmem>> -> memref<1x128xi32, #tpu.memory_space<vmem>>
        %dma_wait3A_218 = tpu.memref_squeeze %dma_wait3A_217 : memref<1x128xi32, #tpu.memory_space<vmem>> -> memref<128xi32, #tpu.memory_space<vmem>>
        %dma_wait3A_219 = arith.constant 0 : i32
        %dma_wait3A_220 = arith.constant 0 : i32
        %dma_wait3A_221 = tpu.memref_slice %arg12[%dma_wait3A_219, %dma_wait3A_220] : memref<10240x128xf32, #tpu.memory_space<vmem_shared>> -> memref<10240x128xf32, #tpu.memory_space<vmem_shared>>
        tpu.wait_indirect_dma semaphore(%arg17 : memref<!tpu.dma_semaphore, #tpu.memory_space<semaphore_mem>>) src(%dma_wait3A_215 : memref<128x128xf32, #tpu.memory_space<vmem>>) dst(%dma_wait3A_221 : memref<10240x128xf32, #tpu.memory_space<vmem_shared>>)
        %sub3A_222 = arith.constant 1 : i32
        %sub3A_223 = arith.subi %add3A_132, %sub3A_222 : i32
        %dma_wait3A_224 = arith.constant 0 : i32
        %dma_wait3A_225 = tpu.memref_slice %arg8[%sub3A_223, %dma_wait3A_224] : memref<40x128xi32, #tpu.memory_space<vmem>> -> memref<1x128xi32, #tpu.memory_space<vmem>>
        %dma_wait3A_226 = tpu.memref_squeeze %dma_wait3A_225 : memref<1x128xi32, #tpu.memory_space<vmem>> -> memref<128xi32, #tpu.memory_space<vmem>>
        %dma_wait3A_227 = arith.constant 0 : i32
        %dma_wait3A_228 = tpu.memref_slice %arg13[%dma_wait3A_227] : memref<10240xf32, #tpu.memory_space<vmem_shared>> -> memref<10240xf32, #tpu.memory_space<vmem_shared>>
        tpu.wait_indirect_dma semaphore(%arg17 : memref<!tpu.dma_semaphore, #tpu.memory_space<semaphore_mem>>) src(%arg10 : memref<128xf32, #tpu.memory_space<vmem>>) dst(%dma_wait3A_228 : memref<10240xf32, #tpu.memory_space<vmem_shared>>)
      } else {
      }
      %dma_start3A_146 = arith.constant 0 : i32
      %dma_start3A_147 = arith.constant 0 : i32
      %dma_start3A_148 = arith.constant 0 : i32
      %dma_start3A_149 = tpu.memref_slice %arg9[%dma_start3A_146, %dma_start3A_147, %dma_start3A_148] : memref<2x128x128xf32, #tpu.memory_space<vmem>> -> memref<1x128x128xf32, #tpu.memory_space<vmem>>
      %dma_start3A_150 = tpu.memref_squeeze %dma_start3A_149 : memref<1x128x128xf32, #tpu.memory_space<vmem>> -> memref<128x128xf32, #tpu.memory_space<vmem>>
      %dma_start3A_151 = arith.constant 0 : i32
      %dma_start3A_152 = tpu.memref_slice %arg8[%add3A_132, %dma_start3A_151] : memref<40x128xi32, #tpu.memory_space<vmem>> -> memref<1x128xi32, #tpu.memory_space<vmem>>
      %dma_start3A_153 = tpu.memref_squeeze %dma_start3A_152 : memref<1x128xi32, #tpu.memory_space<vmem>> -> memref<128xi32, #tpu.memory_space<vmem>>
      %dma_start3A_154 = arith.constant 0 : i32
      %dma_start3A_155 = arith.constant 0 : i32
      %dma_start3A_156 = tpu.memref_slice %arg12[%dma_start3A_154, %dma_start3A_155] : memref<10240x128xf32, #tpu.memory_space<vmem_shared>> -> memref<10240x128xf32, #tpu.memory_space<vmem_shared>>
      tpu.enqueue_indirect_dma source(%dma_start3A_150 : memref<128x128xf32, #tpu.memory_space<vmem>>) target(%dma_start3A_156 : memref<10240x128xf32, #tpu.memory_space<vmem_shared>>) offsets(%dma_start3A_153 : memref<128xi32, #tpu.memory_space<vmem>>) semaphore(%arg16 : memref<!tpu.dma_semaphore, #tpu.memory_space<semaphore_mem>>) {add = true}
      %dma_start3A_157 = arith.constant 0 : i32
      %dma_start3A_158 = tpu.memref_slice %arg8[%add3A_132, %dma_start3A_157] : memref<40x128xi32, #tpu.memory_space<vmem>> -> memref<1x128xi32, #tpu.memory_space<vmem>>
      %dma_start3A_159 = tpu.memref_squeeze %dma_start3A_158 : memref<1x128xi32, #tpu.memory_space<vmem>> -> memref<128xi32, #tpu.memory_space<vmem>>
      %dma_start3A_160 = arith.constant 0 : i32
      %dma_start3A_161 = tpu.memref_slice %arg13[%dma_start3A_160] : memref<10240xf32, #tpu.memory_space<vmem_shared>> -> memref<10240xf32, #tpu.memory_space<vmem_shared>>
      tpu.enqueue_indirect_dma source(%arg10 : memref<128xf32, #tpu.memory_space<vmem>>) target(%dma_start3A_161 : memref<10240xf32, #tpu.memory_space<vmem_shared>>) offsets(%dma_start3A_159 : memref<128xi32, #tpu.memory_space<vmem>>) semaphore(%arg16 : memref<!tpu.dma_semaphore, #tpu.memory_space<semaphore_mem>>) {add = true}
      %add3A_162 = arith.constant 1 : i32
      %add3A_163 = arith.addi %add3A_132, %add3A_162 : i32
      %lt3A = arith.constant 40 : i32
      %lt3A_164 = arith.cmpi slt, %add3A_163, %lt3A : i32
      %convert_element_type3A_165 = arith.extui %lt3A_164 : i1 to i32
      %cond3A_166 = arith.constant 0 : i32
      %cond3A_167 = arith.cmpi ne, %convert_element_type3A_165, %cond3A_166 : i32
      scf.if %cond3A_167 {
        %add3A_210 = arith.constant 1 : i32
        %add3A_211 = arith.addi %add3A_132, %add3A_210 : i32
        %dma_start3A_212 = arith.constant 1 : i32
        %dma_start3A_213 = arith.constant 0 : i32
        %dma_start3A_214 = arith.constant 0 : i32
        %dma_start3A_215 = tpu.memref_slice %arg9[%dma_start3A_212, %dma_start3A_213, %dma_start3A_214] : memref<2x128x128xf32, #tpu.memory_space<vmem>> -> memref<1x128x128xf32, #tpu.memory_space<vmem>>
        %dma_start3A_216 = tpu.memref_squeeze %dma_start3A_215 : memref<1x128x128xf32, #tpu.memory_space<vmem>> -> memref<128x128xf32, #tpu.memory_space<vmem>>
        %dma_start3A_217 = arith.constant 0 : i32
        %dma_start3A_218 = tpu.memref_slice %arg7[%add3A_211, %dma_start3A_217] : memref<40x128xi32, #tpu.memory_space<vmem>> -> memref<1x128xi32, #tpu.memory_space<vmem>>
        %dma_start3A_219 = tpu.memref_squeeze %dma_start3A_218 : memref<1x128xi32, #tpu.memory_space<vmem>> -> memref<128xi32, #tpu.memory_space<vmem>>
        %dma_start3A_220 = arith.constant 0 : i32
        %dma_start3A_221 = arith.constant 0 : i32
        %dma_start3A_222 = tpu.memref_slice %arg2[%dma_start3A_220, %dma_start3A_221] : memref<10240x128xf32, #tpu.memory_space<hbm>> -> memref<10240x128xf32, #tpu.memory_space<hbm>>
        tpu.enqueue_indirect_dma source(%dma_start3A_222 : memref<10240x128xf32, #tpu.memory_space<hbm>>) target(%dma_start3A_216 : memref<128x128xf32, #tpu.memory_space<vmem>>) offsets(%dma_start3A_219 : memref<128xi32, #tpu.memory_space<vmem>>) semaphore(%arg15 : memref<!tpu.dma_semaphore, #tpu.memory_space<semaphore_mem>>)
      } else {
      }
      %add3A_168 = arith.constant 1 : i32
      %add3A_169 = arith.addi %mul3A_130, %add3A_168 : i32
      %dma_wait3A_170 = arith.constant 1 : i32
      %dma_wait3A_171 = arith.constant 0 : i32
      %dma_wait3A_172 = arith.constant 0 : i32
      %dma_wait3A_173 = tpu.memref_slice %arg9[%dma_wait3A_170, %dma_wait3A_171, %dma_wait3A_172] : memref<2x128x128xf32, #tpu.memory_space<vmem>> -> memref<1x128x128xf32, #tpu.memory_space<vmem>>
      %dma_wait3A_174 = tpu.memref_squeeze %dma_wait3A_173 : memref<1x128x128xf32, #tpu.memory_space<vmem>> -> memref<128x128xf32, #tpu.memory_space<vmem>>
      %dma_wait3A_175 = arith.constant 0 : i32
      %dma_wait3A_176 = tpu.memref_slice %arg7[%add3A_169, %dma_wait3A_175] : memref<40x128xi32, #tpu.memory_space<vmem>> -> memref<1x128xi32, #tpu.memory_space<vmem>>
      %dma_wait3A_177 = tpu.memref_squeeze %dma_wait3A_176 : memref<1x128xi32, #tpu.memory_space<vmem>> -> memref<128xi32, #tpu.memory_space<vmem>>
      %dma_wait3A_178 = arith.constant 0 : i32
      %dma_wait3A_179 = arith.constant 0 : i32
      %dma_wait3A_180 = tpu.memref_slice %arg2[%dma_wait3A_178, %dma_wait3A_179] : memref<10240x128xf32, #tpu.memory_space<hbm>> -> memref<10240x128xf32, #tpu.memory_space<hbm>>
      tpu.wait_indirect_dma semaphore(%arg15 : memref<!tpu.dma_semaphore, #tpu.memory_space<semaphore_mem>>) src(%dma_wait3A_180 : memref<10240x128xf32, #tpu.memory_space<hbm>>) dst(%dma_wait3A_174 : memref<128x128xf32, #tpu.memory_space<vmem>>)
      %ge3A_181 = arith.constant 1 : i32
      %ge3A_182 = arith.cmpi sge, %add3A_169, %ge3A_181 : i32
      %convert_element_type3A_183 = arith.extui %ge3A_182 : i1 to i32
      %cond3A_184 = arith.constant 0 : i32
      %cond3A_185 = arith.cmpi ne, %convert_element_type3A_183, %cond3A_184 : i32
      scf.if %cond3A_185 {
        %sub3A = arith.constant 1 : i32
        %sub3A_210 = arith.subi %add3A_169, %sub3A : i32
        %dma_wait3A_211 = arith.constant 0 : i32
        %dma_wait3A_212 = arith.constant 0 : i32
        %dma_wait3A_213 = arith.constant 0 : i32
        %dma_wait3A_214 = tpu.memref_slice %arg9[%dma_wait3A_211, %dma_wait3A_212, %dma_wait3A_213] : memref<2x128x128xf32, #tpu.memory_space<vmem>> -> memref<1x128x128xf32, #tpu.memory_space<vmem>>
        %dma_wait3A_215 = tpu.memref_squeeze %dma_wait3A_214 : memref<1x128x128xf32, #tpu.memory_space<vmem>> -> memref<128x128xf32, #tpu.memory_space<vmem>>
        %dma_wait3A_216 = arith.constant 0 : i32
        %dma_wait3A_217 = tpu.memref_slice %arg8[%sub3A_210, %dma_wait3A_216] : memref<40x128xi32, #tpu.memory_space<vmem>> -> memref<1x128xi32, #tpu.memory_space<vmem>>
        %dma_wait3A_218 = tpu.memref_squeeze %dma_wait3A_217 : memref<1x128xi32, #tpu.memory_space<vmem>> -> memref<128xi32, #tpu.memory_space<vmem>>
        %dma_wait3A_219 = arith.constant 0 : i32
        %dma_wait3A_220 = arith.constant 0 : i32
        %dma_wait3A_221 = tpu.memref_slice %arg12[%dma_wait3A_219, %dma_wait3A_220] : memref<10240x128xf32, #tpu.memory_space<vmem_shared>> -> memref<10240x128xf32, #tpu.memory_space<vmem_shared>>
        tpu.wait_indirect_dma semaphore(%arg16 : memref<!tpu.dma_semaphore, #tpu.memory_space<semaphore_mem>>) src(%dma_wait3A_215 : memref<128x128xf32, #tpu.memory_space<vmem>>) dst(%dma_wait3A_221 : memref<10240x128xf32, #tpu.memory_space<vmem_shared>>)
        %sub3A_222 = arith.constant 1 : i32
        %sub3A_223 = arith.subi %add3A_169, %sub3A_222 : i32
        %dma_wait3A_224 = arith.constant 0 : i32
        %dma_wait3A_225 = tpu.memref_slice %arg8[%sub3A_223, %dma_wait3A_224] : memref<40x128xi32, #tpu.memory_space<vmem>> -> memref<1x128xi32, #tpu.memory_space<vmem>>
        %dma_wait3A_226 = tpu.memref_squeeze %dma_wait3A_225 : memref<1x128xi32, #tpu.memory_space<vmem>> -> memref<128xi32, #tpu.memory_space<vmem>>
        %dma_wait3A_227 = arith.constant 0 : i32
        %dma_wait3A_228 = tpu.memref_slice %arg13[%dma_wait3A_227] : memref<10240xf32, #tpu.memory_space<vmem_shared>> -> memref<10240xf32, #tpu.memory_space<vmem_shared>>
        tpu.wait_indirect_dma semaphore(%arg16 : memref<!tpu.dma_semaphore, #tpu.memory_space<semaphore_mem>>) src(%arg10 : memref<128xf32, #tpu.memory_space<vmem>>) dst(%dma_wait3A_228 : memref<10240xf32, #tpu.memory_space<vmem_shared>>)
      } else {
      }
      %dma_start3A_186 = arith.constant 1 : i32
      %dma_start3A_187 = arith.constant 0 : i32
      %dma_start3A_188 = arith.constant 0 : i32
      %dma_start3A_189 = tpu.memref_slice %arg9[%dma_start3A_186, %dma_start3A_187, %dma_start3A_188] : memref<2x128x128xf32, #tpu.memory_space<vmem>> -> memref<1x128x128xf32, #tpu.memory_space<vmem>>
      %dma_start3A_190 = tpu.memref_squeeze %dma_start3A_189 : memref<1x128x128xf32, #tpu.memory_space<vmem>> -> memref<128x128xf32, #tpu.memory_space<vmem>>
      %dma_start3A_191 = arith.constant 0 : i32
      %dma_start3A_192 = tpu.memref_slice %arg8[%add3A_169, %dma_start3A_191] : memref<40x128xi32, #tpu.memory_space<vmem>> -> memref<1x128xi32, #tpu.memory_space<vmem>>
      %dma_start3A_193 = tpu.memref_squeeze %dma_start3A_192 : memref<1x128xi32, #tpu.memory_space<vmem>> -> memref<128xi32, #tpu.memory_space<vmem>>
      %dma_start3A_194 = arith.constant 0 : i32
      %dma_start3A_195 = arith.constant 0 : i32
      %dma_start3A_196 = tpu.memref_slice %arg12[%dma_start3A_194, %dma_start3A_195] : memref<10240x128xf32, #tpu.memory_space<vmem_shared>> -> memref<10240x128xf32, #tpu.memory_space<vmem_shared>>
      tpu.enqueue_indirect_dma source(%dma_start3A_190 : memref<128x128xf32, #tpu.memory_space<vmem>>) target(%dma_start3A_196 : memref<10240x128xf32, #tpu.memory_space<vmem_shared>>) offsets(%dma_start3A_193 : memref<128xi32, #tpu.memory_space<vmem>>) semaphore(%arg17 : memref<!tpu.dma_semaphore, #tpu.memory_space<semaphore_mem>>) {add = true}
      %dma_start3A_197 = arith.constant 0 : i32
      %dma_start3A_198 = tpu.memref_slice %arg8[%add3A_169, %dma_start3A_197] : memref<40x128xi32, #tpu.memory_space<vmem>> -> memref<1x128xi32, #tpu.memory_space<vmem>>
      %dma_start3A_199 = tpu.memref_squeeze %dma_start3A_198 : memref<1x128xi32, #tpu.memory_space<vmem>> -> memref<128xi32, #tpu.memory_space<vmem>>
      %dma_start3A_200 = arith.constant 0 : i32
      %dma_start3A_201 = tpu.memref_slice %arg13[%dma_start3A_200] : memref<10240xf32, #tpu.memory_space<vmem_shared>> -> memref<10240xf32, #tpu.memory_space<vmem_shared>>
      tpu.enqueue_indirect_dma source(%arg10 : memref<128xf32, #tpu.memory_space<vmem>>) target(%dma_start3A_201 : memref<10240xf32, #tpu.memory_space<vmem_shared>>) offsets(%dma_start3A_199 : memref<128xi32, #tpu.memory_space<vmem>>) semaphore(%arg17 : memref<!tpu.dma_semaphore, #tpu.memory_space<semaphore_mem>>) {add = true}
      %add3A_202 = arith.constant 1 : i32
      %add3A_203 = arith.addi %add3A_169, %add3A_202 : i32
      %lt3A_204 = arith.constant 40 : i32
      %lt3A_205 = arith.cmpi slt, %add3A_203, %lt3A_204 : i32
      %convert_element_type3A_206 = arith.extui %lt3A_205 : i1 to i32
      %cond3A_207 = arith.constant 0 : i32
      %cond3A_208 = arith.cmpi ne, %convert_element_type3A_206, %cond3A_207 : i32
      scf.if %cond3A_208 {
        %add3A_210 = arith.constant 1 : i32
        %add3A_211 = arith.addi %add3A_169, %add3A_210 : i32
        %dma_start3A_212 = arith.constant 0 : i32
        %dma_start3A_213 = arith.constant 0 : i32
        %dma_start3A_214 = arith.constant 0 : i32
        %dma_start3A_215 = tpu.memref_slice %arg9[%dma_start3A_212, %dma_start3A_213, %dma_start3A_214] : memref<2x128x128xf32, #tpu.memory_space<vmem>> -> memref<1x128x128xf32, #tpu.memory_space<vmem>>
        %dma_start3A_216 = tpu.memref_squeeze %dma_start3A_215 : memref<1x128x128xf32, #tpu.memory_space<vmem>> -> memref<128x128xf32, #tpu.memory_space<vmem>>
        %dma_start3A_217 = arith.constant 0 : i32
        %dma_start3A_218 = tpu.memref_slice %arg7[%add3A_211, %dma_start3A_217] : memref<40x128xi32, #tpu.memory_space<vmem>> -> memref<1x128xi32, #tpu.memory_space<vmem>>
        %dma_start3A_219 = tpu.memref_squeeze %dma_start3A_218 : memref<1x128xi32, #tpu.memory_space<vmem>> -> memref<128xi32, #tpu.memory_space<vmem>>
        %dma_start3A_220 = arith.constant 0 : i32
        %dma_start3A_221 = arith.constant 0 : i32
        %dma_start3A_222 = tpu.memref_slice %arg2[%dma_start3A_220, %dma_start3A_221] : memref<10240x128xf32, #tpu.memory_space<hbm>> -> memref<10240x128xf32, #tpu.memory_space<hbm>>
        tpu.enqueue_indirect_dma source(%dma_start3A_222 : memref<10240x128xf32, #tpu.memory_space<hbm>>) target(%dma_start3A_216 : memref<128x128xf32, #tpu.memory_space<vmem>>) offsets(%dma_start3A_219 : memref<128xi32, #tpu.memory_space<vmem>>) semaphore(%arg14 : memref<!tpu.dma_semaphore, #tpu.memory_space<semaphore_mem>>)
      } else {
      }
      %scan3A_209 = arith.constant 0 : i32
      scf.yield %scan3A_209 : i32
    }
    %scan3A_63 = arith.constant 20 : i32
    %dma_wait3A = arith.constant 1 : i32
    %dma_wait3A_64 = arith.constant 39 : i32
    %dma_wait3A_65 = arith.constant 0 : i32
    %dma_wait3A_66 = arith.constant 0 : i32
    %dma_wait3A_67 = tpu.memref_slice %arg9[%dma_wait3A, %dma_wait3A_65, %dma_wait3A_66] : memref<2x128x128xf32, #tpu.memory_space<vmem>> -> memref<1x128x128xf32, #tpu.memory_space<vmem>>
    %dma_wait3A_68 = tpu.memref_squeeze %dma_wait3A_67 : memref<1x128x128xf32, #tpu.memory_space<vmem>> -> memref<128x128xf32, #tpu.memory_space<vmem>>
    %dma_wait3A_69 = arith.constant 0 : i32
    %dma_wait3A_70 = tpu.memref_slice %arg8[%dma_wait3A_64, %dma_wait3A_69] : memref<40x128xi32, #tpu.memory_space<vmem>> -> memref<1x128xi32, #tpu.memory_space<vmem>>
    %dma_wait3A_71 = tpu.memref_squeeze %dma_wait3A_70 : memref<1x128xi32, #tpu.memory_space<vmem>> -> memref<128xi32, #tpu.memory_space<vmem>>
    %dma_wait3A_72 = arith.constant 0 : i32
    %dma_wait3A_73 = arith.constant 0 : i32
    %dma_wait3A_74 = tpu.memref_slice %arg12[%dma_wait3A_72, %dma_wait3A_73] : memref<10240x128xf32, #tpu.memory_space<vmem_shared>> -> memref<10240x128xf32, #tpu.memory_space<vmem_shared>>
    tpu.wait_indirect_dma semaphore(%arg17 : memref<!tpu.dma_semaphore, #tpu.memory_space<semaphore_mem>>) src(%dma_wait3A_68 : memref<128x128xf32, #tpu.memory_space<vmem>>) dst(%dma_wait3A_74 : memref<10240x128xf32, #tpu.memory_space<vmem_shared>>)
    %dma_wait3A_75 = arith.constant 39 : i32
    %dma_wait3A_76 = arith.constant 0 : i32
    %dma_wait3A_77 = tpu.memref_slice %arg8[%dma_wait3A_75, %dma_wait3A_76] : memref<40x128xi32, #tpu.memory_space<vmem>> -> memref<1x128xi32, #tpu.memory_space<vmem>>
    %dma_wait3A_78 = tpu.memref_squeeze %dma_wait3A_77 : memref<1x128xi32, #tpu.memory_space<vmem>> -> memref<128xi32, #tpu.memory_space<vmem>>
    %dma_wait3A_79 = arith.constant 0 : i32
    %dma_wait3A_80 = tpu.memref_slice %arg13[%dma_wait3A_79] : memref<10240xf32, #tpu.memory_space<vmem_shared>> -> memref<10240xf32, #tpu.memory_space<vmem_shared>>
    tpu.wait_indirect_dma semaphore(%arg17 : memref<!tpu.dma_semaphore, #tpu.memory_space<semaphore_mem>>) src(%arg10 : memref<128xf32, #tpu.memory_space<vmem>>) dst(%dma_wait3A_80 : memref<10240xf32, #tpu.memory_space<vmem_shared>>)
    %mul3A_81 = arith.constant 80 : i32
    %mul3A_82 = arith.muli %add3A, %mul3A_81 : i32
    %add3A_83 = arith.constant 40 : i32
    %add3A_84 = arith.addi %mul3A_82, %add3A_83 : i32
    "tpu.region"() ({
      %run_scoped3A_127 = tpu.sem_alloc : memref<!tpu.dma_semaphore, #tpu.memory_space<semaphore_mem>>
      %dma_start3A_128 = arith.constant 0 : i32
      %dma_start3A_129 = tpu.memref_slice %arg3[%add3A_84, %dma_start3A_128] : memref<2560x128xi32, #tpu.memory_space<hbm>> -> memref<40x128xi32, #tpu.memory_space<hbm>>
      %dma_start3A_130 = arith.constant 0 : i32
      %dma_start3A_131 = tpu.memref_slice %arg3[%add3A_84, %dma_start3A_130] : memref<2560x128xi32, #tpu.memory_space<hbm>> -> memref<40x128xi32, #tpu.memory_space<hbm>>
      tpu.enqueue_dma source(%dma_start3A_131 : memref<40x128xi32, #tpu.memory_space<hbm>>) target(%arg7 : memref<40x128xi32, #tpu.memory_space<vmem>>) target_semaphore(%run_scoped3A_127 : memref<!tpu.dma_semaphore, #tpu.memory_space<semaphore_mem>>)
      %dma_wait3A_132 = arith.constant 0 : i32
      %dma_wait3A_133 = tpu.memref_slice %arg3[%add3A_84, %dma_wait3A_132] : memref<2560x128xi32, #tpu.memory_space<hbm>> -> memref<40x128xi32, #tpu.memory_space<hbm>>
      %dma_wait3A_134 = arith.constant 0 : i32
      %dma_wait3A_135 = tpu.memref_slice %arg3[%add3A_84, %dma_wait3A_134] : memref<2560x128xi32, #tpu.memory_space<hbm>> -> memref<40x128xi32, #tpu.memory_space<hbm>>
      tpu.wait_dma2 semaphore(%run_scoped3A_127 : memref<!tpu.dma_semaphore, #tpu.memory_space<semaphore_mem>>) src(%dma_wait3A_135 : memref<40x128xi32, #tpu.memory_space<hbm>>) dst(%arg7 : memref<40x128xi32, #tpu.memory_space<vmem>>)
      tpu.yield
    }) : () -> ()
    %mul3A_85 = arith.constant 80 : i32
    %mul3A_86 = arith.muli %add3A, %mul3A_85 : i32
    %add3A_87 = arith.constant 40 : i32
    %add3A_88 = arith.addi %mul3A_86, %add3A_87 : i32
    "tpu.region"() ({
      %run_scoped3A_127 = tpu.sem_alloc : memref<!tpu.dma_semaphore, #tpu.memory_space<semaphore_mem>>
      %dma_start3A_128 = arith.constant 0 : i32
      %dma_start3A_129 = tpu.memref_slice %arg4[%add3A_88, %dma_start3A_128] : memref<2560x128xi32, #tpu.memory_space<hbm>> -> memref<40x128xi32, #tpu.memory_space<hbm>>
      %dma_start3A_130 = arith.constant 0 : i32
      %dma_start3A_131 = tpu.memref_slice %arg4[%add3A_88, %dma_start3A_130] : memref<2560x128xi32, #tpu.memory_space<hbm>> -> memref<40x128xi32, #tpu.memory_space<hbm>>
      tpu.enqueue_dma source(%dma_start3A_131 : memref<40x128xi32, #tpu.memory_space<hbm>>) target(%arg8 : memref<40x128xi32, #tpu.memory_space<vmem>>) target_semaphore(%run_scoped3A_127 : memref<!tpu.dma_semaphore, #tpu.memory_space<semaphore_mem>>)
      %dma_wait3A_132 = arith.constant 0 : i32
      %dma_wait3A_133 = tpu.memref_slice %arg4[%add3A_88, %dma_wait3A_132] : memref<2560x128xi32, #tpu.memory_space<hbm>> -> memref<40x128xi32, #tpu.memory_space<hbm>>
      %dma_wait3A_134 = arith.constant 0 : i32
      %dma_wait3A_135 = tpu.memref_slice %arg4[%add3A_88, %dma_wait3A_134] : memref<2560x128xi32, #tpu.memory_space<hbm>> -> memref<40x128xi32, #tpu.memory_space<hbm>>
      tpu.wait_dma2 semaphore(%run_scoped3A_127 : memref<!tpu.dma_semaphore, #tpu.memory_space<semaphore_mem>>) src(%dma_wait3A_135 : memref<40x128xi32, #tpu.memory_space<hbm>>) dst(%arg8 : memref<40x128xi32, #tpu.memory_space<vmem>>)
      tpu.yield
    }) : () -> ()
    %dma_start3A_89 = arith.constant 0 : i32
    %dma_start3A_90 = arith.constant 0 : i32
    %dma_start3A_91 = arith.constant 0 : i32
    %dma_start3A_92 = arith.constant 0 : i32
    %dma_start3A_93 = tpu.memref_slice %arg9[%dma_start3A_90, %dma_start3A_91, %dma_start3A_92] : memref<2x128x128xf32, #tpu.memory_space<vmem>> -> memref<1x128x128xf32, #tpu.memory_space<vmem>>
    %dma_start3A_94 = tpu.memref_squeeze %dma_start3A_93 : memref<1x128x128xf32, #tpu.memory_space<vmem>> -> memref<128x128xf32, #tpu.memory_space<vmem>>
    %dma_start3A_95 = arith.constant 0 : i32
    %dma_start3A_96 = tpu.memref_slice %arg7[%dma_start3A_89, %dma_start3A_95] : memref<40x128xi32, #tpu.memory_space<vmem>> -> memref<1x128xi32, #tpu.memory_space<vmem>>
    %dma_start3A_97 = tpu.memref_squeeze %dma_start3A_96 : memref<1x128xi32, #tpu.memory_space<vmem>> -> memref<128xi32, #tpu.memory_space<vmem>>
    %dma_start3A_98 = arith.constant 0 : i32
    %dma_start3A_99 = arith.constant 0 : i32
    %dma_start3A_100 = tpu.memref_slice %arg2[%dma_start3A_98, %dma_start3A_99] : memref<10240x128xf32, #tpu.memory_space<hbm>> -> memref<10240x128xf32, #tpu.memory_space<hbm>>
    tpu.enqueue_indirect_dma source(%dma_start3A_100 : memref<10240x128xf32, #tpu.memory_space<hbm>>) target(%dma_start3A_94 : memref<128x128xf32, #tpu.memory_space<vmem>>) offsets(%dma_start3A_97 : memref<128xi32, #tpu.memory_space<vmem>>) semaphore(%arg14 : memref<!tpu.dma_semaphore, #tpu.memory_space<semaphore_mem>>)
    %scan3A_101 = arith.constant 0 : i32
    %scan3A_102 = arith.constant 0 : i32
    %scan3A_103 = arith.constant 20 : i32
    %scan3A_104 = arith.addi %scan3A_102, %scan3A_103 : i32
    %scan3A_105 = arith.constant 1 : i32
    %scan3A_106 = scf.for %scan3A_127 = %scan3A_102 to %scan3A_104 step %scan3A_105 iter_args(%scan3A_128 = %scan3A_101) -> (i32)  : i32 {
      %mul3A_129 = arith.constant 2 : i32
      %mul3A_130 = arith.muli %scan3A_127, %mul3A_129 : i32
      %add3A_131 = arith.constant 0 : i32
      %add3A_132 = arith.addi %mul3A_130, %add3A_131 : i32
      %dma_wait3A_133 = arith.constant 0 : i32
      %dma_wait3A_134 = arith.constant 0 : i32
      %dma_wait3A_135 = arith.constant 0 : i32
      %dma_wait3A_136 = tpu.memref_slice %arg9[%dma_wait3A_133, %dma_wait3A_134, %dma_wait3A_135] : memref<2x128x128xf32, #tpu.memory_space<vmem>> -> memref<1x128x128xf32, #tpu.memory_space<vmem>>
      %dma_wait3A_137 = tpu.memref_squeeze %dma_wait3A_136 : memref<1x128x128xf32, #tpu.memory_space<vmem>> -> memref<128x128xf32, #tpu.memory_space<vmem>>
      %dma_wait3A_138 = arith.constant 0 : i32
      %dma_wait3A_139 = tpu.memref_slice %arg7[%add3A_132, %dma_wait3A_138] : memref<40x128xi32, #tpu.memory_space<vmem>> -> memref<1x128xi32, #tpu.memory_space<vmem>>
      %dma_wait3A_140 = tpu.memref_squeeze %dma_wait3A_139 : memref<1x128xi32, #tpu.memory_space<vmem>> -> memref<128xi32, #tpu.memory_space<vmem>>
      %dma_wait3A_141 = arith.constant 0 : i32
      %dma_wait3A_142 = arith.constant 0 : i32
      %dma_wait3A_143 = tpu.memref_slice %arg2[%dma_wait3A_141, %dma_wait3A_142] : memref<10240x128xf32, #tpu.memory_space<hbm>> -> memref<10240x128xf32, #tpu.memory_space<hbm>>
      tpu.wait_indirect_dma semaphore(%arg14 : memref<!tpu.dma_semaphore, #tpu.memory_space<semaphore_mem>>) src(%dma_wait3A_143 : memref<10240x128xf32, #tpu.memory_space<hbm>>) dst(%dma_wait3A_137 : memref<128x128xf32, #tpu.memory_space<vmem>>)
      %ge3A = arith.constant 1 : i32
      %ge3A_144 = arith.cmpi sge, %add3A_132, %ge3A : i32
      %convert_element_type3A = arith.extui %ge3A_144 : i1 to i32
      %cond3A = arith.constant 0 : i32
      %cond3A_145 = arith.cmpi ne, %convert_element_type3A, %cond3A : i32
      scf.if %cond3A_145 {
        %sub3A = arith.constant 1 : i32
        %sub3A_210 = arith.subi %add3A_132, %sub3A : i32
        %dma_wait3A_211 = arith.constant 1 : i32
        %dma_wait3A_212 = arith.constant 0 : i32
        %dma_wait3A_213 = arith.constant 0 : i32
        %dma_wait3A_214 = tpu.memref_slice %arg9[%dma_wait3A_211, %dma_wait3A_212, %dma_wait3A_213] : memref<2x128x128xf32, #tpu.memory_space<vmem>> -> memref<1x128x128xf32, #tpu.memory_space<vmem>>
        %dma_wait3A_215 = tpu.memref_squeeze %dma_wait3A_214 : memref<1x128x128xf32, #tpu.memory_space<vmem>> -> memref<128x128xf32, #tpu.memory_space<vmem>>
        %dma_wait3A_216 = arith.constant 0 : i32
        %dma_wait3A_217 = tpu.memref_slice %arg8[%sub3A_210, %dma_wait3A_216] : memref<40x128xi32, #tpu.memory_space<vmem>> -> memref<1x128xi32, #tpu.memory_space<vmem>>
        %dma_wait3A_218 = tpu.memref_squeeze %dma_wait3A_217 : memref<1x128xi32, #tpu.memory_space<vmem>> -> memref<128xi32, #tpu.memory_space<vmem>>
        %dma_wait3A_219 = arith.constant 0 : i32
        %dma_wait3A_220 = arith.constant 0 : i32
        %dma_wait3A_221 = tpu.memref_slice %arg12[%dma_wait3A_219, %dma_wait3A_220] : memref<10240x128xf32, #tpu.memory_space<vmem_shared>> -> memref<10240x128xf32, #tpu.memory_space<vmem_shared>>
        tpu.wait_indirect_dma semaphore(%arg17 : memref<!tpu.dma_semaphore, #tpu.memory_space<semaphore_mem>>) src(%dma_wait3A_215 : memref<128x128xf32, #tpu.memory_space<vmem>>) dst(%dma_wait3A_221 : memref<10240x128xf32, #tpu.memory_space<vmem_shared>>)
        %sub3A_222 = arith.constant 1 : i32
        %sub3A_223 = arith.subi %add3A_132, %sub3A_222 : i32
        %dma_wait3A_224 = arith.constant 0 : i32
        %dma_wait3A_225 = tpu.memref_slice %arg8[%sub3A_223, %dma_wait3A_224] : memref<40x128xi32, #tpu.memory_space<vmem>> -> memref<1x128xi32, #tpu.memory_space<vmem>>
        %dma_wait3A_226 = tpu.memref_squeeze %dma_wait3A_225 : memref<1x128xi32, #tpu.memory_space<vmem>> -> memref<128xi32, #tpu.memory_space<vmem>>
        %dma_wait3A_227 = arith.constant 0 : i32
        %dma_wait3A_228 = tpu.memref_slice %arg13[%dma_wait3A_227] : memref<10240xf32, #tpu.memory_space<vmem_shared>> -> memref<10240xf32, #tpu.memory_space<vmem_shared>>
        tpu.wait_indirect_dma semaphore(%arg17 : memref<!tpu.dma_semaphore, #tpu.memory_space<semaphore_mem>>) src(%arg10 : memref<128xf32, #tpu.memory_space<vmem>>) dst(%dma_wait3A_228 : memref<10240xf32, #tpu.memory_space<vmem_shared>>)
      } else {
      }
      %dma_start3A_146 = arith.constant 0 : i32
      %dma_start3A_147 = arith.constant 0 : i32
      %dma_start3A_148 = arith.constant 0 : i32
      %dma_start3A_149 = tpu.memref_slice %arg9[%dma_start3A_146, %dma_start3A_147, %dma_start3A_148] : memref<2x128x128xf32, #tpu.memory_space<vmem>> -> memref<1x128x128xf32, #tpu.memory_space<vmem>>
      %dma_start3A_150 = tpu.memref_squeeze %dma_start3A_149 : memref<1x128x128xf32, #tpu.memory_space<vmem>> -> memref<128x128xf32, #tpu.memory_space<vmem>>
      %dma_start3A_151 = arith.constant 0 : i32
      %dma_start3A_152 = tpu.memref_slice %arg8[%add3A_132, %dma_start3A_151] : memref<40x128xi32, #tpu.memory_space<vmem>> -> memref<1x128xi32, #tpu.memory_space<vmem>>
      %dma_start3A_153 = tpu.memref_squeeze %dma_start3A_152 : memref<1x128xi32, #tpu.memory_space<vmem>> -> memref<128xi32, #tpu.memory_space<vmem>>
      %dma_start3A_154 = arith.constant 0 : i32
      %dma_start3A_155 = arith.constant 0 : i32
      %dma_start3A_156 = tpu.memref_slice %arg12[%dma_start3A_154, %dma_start3A_155] : memref<10240x128xf32, #tpu.memory_space<vmem_shared>> -> memref<10240x128xf32, #tpu.memory_space<vmem_shared>>
      tpu.enqueue_indirect_dma source(%dma_start3A_150 : memref<128x128xf32, #tpu.memory_space<vmem>>) target(%dma_start3A_156 : memref<10240x128xf32, #tpu.memory_space<vmem_shared>>) offsets(%dma_start3A_153 : memref<128xi32, #tpu.memory_space<vmem>>) semaphore(%arg16 : memref<!tpu.dma_semaphore, #tpu.memory_space<semaphore_mem>>) {add = true}
      %dma_start3A_157 = arith.constant 0 : i32
      %dma_start3A_158 = tpu.memref_slice %arg8[%add3A_132, %dma_start3A_157] : memref<40x128xi32, #tpu.memory_space<vmem>> -> memref<1x128xi32, #tpu.memory_space<vmem>>
      %dma_start3A_159 = tpu.memref_squeeze %dma_start3A_158 : memref<1x128xi32, #tpu.memory_space<vmem>> -> memref<128xi32, #tpu.memory_space<vmem>>
      %dma_start3A_160 = arith.constant 0 : i32
      %dma_start3A_161 = tpu.memref_slice %arg13[%dma_start3A_160] : memref<10240xf32, #tpu.memory_space<vmem_shared>> -> memref<10240xf32, #tpu.memory_space<vmem_shared>>
      tpu.enqueue_indirect_dma source(%arg10 : memref<128xf32, #tpu.memory_space<vmem>>) target(%dma_start3A_161 : memref<10240xf32, #tpu.memory_space<vmem_shared>>) offsets(%dma_start3A_159 : memref<128xi32, #tpu.memory_space<vmem>>) semaphore(%arg16 : memref<!tpu.dma_semaphore, #tpu.memory_space<semaphore_mem>>) {add = true}
      %add3A_162 = arith.constant 1 : i32
      %add3A_163 = arith.addi %add3A_132, %add3A_162 : i32
      %lt3A = arith.constant 40 : i32
      %lt3A_164 = arith.cmpi slt, %add3A_163, %lt3A : i32
      %convert_element_type3A_165 = arith.extui %lt3A_164 : i1 to i32
      %cond3A_166 = arith.constant 0 : i32
      %cond3A_167 = arith.cmpi ne, %convert_element_type3A_165, %cond3A_166 : i32
      scf.if %cond3A_167 {
        %add3A_210 = arith.constant 1 : i32
        %add3A_211 = arith.addi %add3A_132, %add3A_210 : i32
        %dma_start3A_212 = arith.constant 1 : i32
        %dma_start3A_213 = arith.constant 0 : i32
        %dma_start3A_214 = arith.constant 0 : i32
        %dma_start3A_215 = tpu.memref_slice %arg9[%dma_start3A_212, %dma_start3A_213, %dma_start3A_214] : memref<2x128x128xf32, #tpu.memory_space<vmem>> -> memref<1x128x128xf32, #tpu.memory_space<vmem>>
        %dma_start3A_216 = tpu.memref_squeeze %dma_start3A_215 : memref<1x128x128xf32, #tpu.memory_space<vmem>> -> memref<128x128xf32, #tpu.memory_space<vmem>>
        %dma_start3A_217 = arith.constant 0 : i32
        %dma_start3A_218 = tpu.memref_slice %arg7[%add3A_211, %dma_start3A_217] : memref<40x128xi32, #tpu.memory_space<vmem>> -> memref<1x128xi32, #tpu.memory_space<vmem>>
        %dma_start3A_219 = tpu.memref_squeeze %dma_start3A_218 : memref<1x128xi32, #tpu.memory_space<vmem>> -> memref<128xi32, #tpu.memory_space<vmem>>
        %dma_start3A_220 = arith.constant 0 : i32
        %dma_start3A_221 = arith.constant 0 : i32
        %dma_start3A_222 = tpu.memref_slice %arg2[%dma_start3A_220, %dma_start3A_221] : memref<10240x128xf32, #tpu.memory_space<hbm>> -> memref<10240x128xf32, #tpu.memory_space<hbm>>
        tpu.enqueue_indirect_dma source(%dma_start3A_222 : memref<10240x128xf32, #tpu.memory_space<hbm>>) target(%dma_start3A_216 : memref<128x128xf32, #tpu.memory_space<vmem>>) offsets(%dma_start3A_219 : memref<128xi32, #tpu.memory_space<vmem>>) semaphore(%arg15 : memref<!tpu.dma_semaphore, #tpu.memory_space<semaphore_mem>>)
      } else {
      }
      %add3A_168 = arith.constant 1 : i32
      %add3A_169 = arith.addi %mul3A_130, %add3A_168 : i32
      %dma_wait3A_170 = arith.constant 1 : i32
      %dma_wait3A_171 = arith.constant 0 : i32
      %dma_wait3A_172 = arith.constant 0 : i32
      %dma_wait3A_173 = tpu.memref_slice %arg9[%dma_wait3A_170, %dma_wait3A_171, %dma_wait3A_172] : memref<2x128x128xf32, #tpu.memory_space<vmem>> -> memref<1x128x128xf32, #tpu.memory_space<vmem>>
      %dma_wait3A_174 = tpu.memref_squeeze %dma_wait3A_173 : memref<1x128x128xf32, #tpu.memory_space<vmem>> -> memref<128x128xf32, #tpu.memory_space<vmem>>
      %dma_wait3A_175 = arith.constant 0 : i32
      %dma_wait3A_176 = tpu.memref_slice %arg7[%add3A_169, %dma_wait3A_175] : memref<40x128xi32, #tpu.memory_space<vmem>> -> memref<1x128xi32, #tpu.memory_space<vmem>>
      %dma_wait3A_177 = tpu.memref_squeeze %dma_wait3A_176 : memref<1x128xi32, #tpu.memory_space<vmem>> -> memref<128xi32, #tpu.memory_space<vmem>>
      %dma_wait3A_178 = arith.constant 0 : i32
      %dma_wait3A_179 = arith.constant 0 : i32
      %dma_wait3A_180 = tpu.memref_slice %arg2[%dma_wait3A_178, %dma_wait3A_179] : memref<10240x128xf32, #tpu.memory_space<hbm>> -> memref<10240x128xf32, #tpu.memory_space<hbm>>
      tpu.wait_indirect_dma semaphore(%arg15 : memref<!tpu.dma_semaphore, #tpu.memory_space<semaphore_mem>>) src(%dma_wait3A_180 : memref<10240x128xf32, #tpu.memory_space<hbm>>) dst(%dma_wait3A_174 : memref<128x128xf32, #tpu.memory_space<vmem>>)
      %ge3A_181 = arith.constant 1 : i32
      %ge3A_182 = arith.cmpi sge, %add3A_169, %ge3A_181 : i32
      %convert_element_type3A_183 = arith.extui %ge3A_182 : i1 to i32
      %cond3A_184 = arith.constant 0 : i32
      %cond3A_185 = arith.cmpi ne, %convert_element_type3A_183, %cond3A_184 : i32
      scf.if %cond3A_185 {
        %sub3A = arith.constant 1 : i32
        %sub3A_210 = arith.subi %add3A_169, %sub3A : i32
        %dma_wait3A_211 = arith.constant 0 : i32
        %dma_wait3A_212 = arith.constant 0 : i32
        %dma_wait3A_213 = arith.constant 0 : i32
        %dma_wait3A_214 = tpu.memref_slice %arg9[%dma_wait3A_211, %dma_wait3A_212, %dma_wait3A_213] : memref<2x128x128xf32, #tpu.memory_space<vmem>> -> memref<1x128x128xf32, #tpu.memory_space<vmem>>
        %dma_wait3A_215 = tpu.memref_squeeze %dma_wait3A_214 : memref<1x128x128xf32, #tpu.memory_space<vmem>> -> memref<128x128xf32, #tpu.memory_space<vmem>>
        %dma_wait3A_216 = arith.constant 0 : i32
        %dma_wait3A_217 = tpu.memref_slice %arg8[%sub3A_210, %dma_wait3A_216] : memref<40x128xi32, #tpu.memory_space<vmem>> -> memref<1x128xi32, #tpu.memory_space<vmem>>
        %dma_wait3A_218 = tpu.memref_squeeze %dma_wait3A_217 : memref<1x128xi32, #tpu.memory_space<vmem>> -> memref<128xi32, #tpu.memory_space<vmem>>
        %dma_wait3A_219 = arith.constant 0 : i32
        %dma_wait3A_220 = arith.constant 0 : i32
        %dma_wait3A_221 = tpu.memref_slice %arg12[%dma_wait3A_219, %dma_wait3A_220] : memref<10240x128xf32, #tpu.memory_space<vmem_shared>> -> memref<10240x128xf32, #tpu.memory_space<vmem_shared>>
        tpu.wait_indirect_dma semaphore(%arg16 : memref<!tpu.dma_semaphore, #tpu.memory_space<semaphore_mem>>) src(%dma_wait3A_215 : memref<128x128xf32, #tpu.memory_space<vmem>>) dst(%dma_wait3A_221 : memref<10240x128xf32, #tpu.memory_space<vmem_shared>>)
        %sub3A_222 = arith.constant 1 : i32
        %sub3A_223 = arith.subi %add3A_169, %sub3A_222 : i32
        %dma_wait3A_224 = arith.constant 0 : i32
        %dma_wait3A_225 = tpu.memref_slice %arg8[%sub3A_223, %dma_wait3A_224] : memref<40x128xi32, #tpu.memory_space<vmem>> -> memref<1x128xi32, #tpu.memory_space<vmem>>
        %dma_wait3A_226 = tpu.memref_squeeze %dma_wait3A_225 : memref<1x128xi32, #tpu.memory_space<vmem>> -> memref<128xi32, #tpu.memory_space<vmem>>
        %dma_wait3A_227 = arith.constant 0 : i32
        %dma_wait3A_228 = tpu.memref_slice %arg13[%dma_wait3A_227] : memref<10240xf32, #tpu.memory_space<vmem_shared>> -> memref<10240xf32, #tpu.memory_space<vmem_shared>>
        tpu.wait_indirect_dma semaphore(%arg16 : memref<!tpu.dma_semaphore, #tpu.memory_space<semaphore_mem>>) src(%arg10 : memref<128xf32, #tpu.memory_space<vmem>>) dst(%dma_wait3A_228 : memref<10240xf32, #tpu.memory_space<vmem_shared>>)
      } else {
      }
      %dma_start3A_186 = arith.constant 1 : i32
      %dma_start3A_187 = arith.constant 0 : i32
      %dma_start3A_188 = arith.constant 0 : i32
      %dma_start3A_189 = tpu.memref_slice %arg9[%dma_start3A_186, %dma_start3A_187, %dma_start3A_188] : memref<2x128x128xf32, #tpu.memory_space<vmem>> -> memref<1x128x128xf32, #tpu.memory_space<vmem>>
      %dma_start3A_190 = tpu.memref_squeeze %dma_start3A_189 : memref<1x128x128xf32, #tpu.memory_space<vmem>> -> memref<128x128xf32, #tpu.memory_space<vmem>>
      %dma_start3A_191 = arith.constant 0 : i32
      %dma_start3A_192 = tpu.memref_slice %arg8[%add3A_169, %dma_start3A_191] : memref<40x128xi32, #tpu.memory_space<vmem>> -> memref<1x128xi32, #tpu.memory_space<vmem>>
      %dma_start3A_193 = tpu.memref_squeeze %dma_start3A_192 : memref<1x128xi32, #tpu.memory_space<vmem>> -> memref<128xi32, #tpu.memory_space<vmem>>
      %dma_start3A_194 = arith.constant 0 : i32
      %dma_start3A_195 = arith.constant 0 : i32
      %dma_start3A_196 = tpu.memref_slice %arg12[%dma_start3A_194, %dma_start3A_195] : memref<10240x128xf32, #tpu.memory_space<vmem_shared>> -> memref<10240x128xf32, #tpu.memory_space<vmem_shared>>
      tpu.enqueue_indirect_dma source(%dma_start3A_190 : memref<128x128xf32, #tpu.memory_space<vmem>>) target(%dma_start3A_196 : memref<10240x128xf32, #tpu.memory_space<vmem_shared>>) offsets(%dma_start3A_193 : memref<128xi32, #tpu.memory_space<vmem>>) semaphore(%arg17 : memref<!tpu.dma_semaphore, #tpu.memory_space<semaphore_mem>>) {add = true}
      %dma_start3A_197 = arith.constant 0 : i32
      %dma_start3A_198 = tpu.memref_slice %arg8[%add3A_169, %dma_start3A_197] : memref<40x128xi32, #tpu.memory_space<vmem>> -> memref<1x128xi32, #tpu.memory_space<vmem>>
      %dma_start3A_199 = tpu.memref_squeeze %dma_start3A_198 : memref<1x128xi32, #tpu.memory_space<vmem>> -> memref<128xi32, #tpu.memory_space<vmem>>
      %dma_start3A_200 = arith.constant 0 : i32
      %dma_start3A_201 = tpu.memref_slice %arg13[%dma_start3A_200] : memref<10240xf32, #tpu.memory_space<vmem_shared>> -> memref<10240xf32, #tpu.memory_space<vmem_shared>>
      tpu.enqueue_indirect_dma source(%arg10 : memref<128xf32, #tpu.memory_space<vmem>>) target(%dma_start3A_201 : memref<10240xf32, #tpu.memory_space<vmem_shared>>) offsets(%dma_start3A_199 : memref<128xi32, #tpu.memory_space<vmem>>) semaphore(%arg17 : memref<!tpu.dma_semaphore, #tpu.memory_space<semaphore_mem>>) {add = true}
      %add3A_202 = arith.constant 1 : i32
      %add3A_203 = arith.addi %add3A_169, %add3A_202 : i32
      %lt3A_204 = arith.constant 40 : i32
      %lt3A_205 = arith.cmpi slt, %add3A_203, %lt3A_204 : i32
      %convert_element_type3A_206 = arith.extui %lt3A_205 : i1 to i32
      %cond3A_207 = arith.constant 0 : i32
      %cond3A_208 = arith.cmpi ne, %convert_element_type3A_206, %cond3A_207 : i32
      scf.if %cond3A_208 {
        %add3A_210 = arith.constant 1 : i32
        %add3A_211 = arith.addi %add3A_169, %add3A_210 : i32
        %dma_start3A_212 = arith.constant 0 : i32
        %dma_start3A_213 = arith.constant 0 : i32
        %dma_start3A_214 = arith.constant 0 : i32
        %dma_start3A_215 = tpu.memref_slice %arg9[%dma_start3A_212, %dma_start3A_213, %dma_start3A_214] : memref<2x128x128xf32, #tpu.memory_space<vmem>> -> memref<1x128x128xf32, #tpu.memory_space<vmem>>
        %dma_start3A_216 = tpu.memref_squeeze %dma_start3A_215 : memref<1x128x128xf32, #tpu.memory_space<vmem>> -> memref<128x128xf32, #tpu.memory_space<vmem>>
        %dma_start3A_217 = arith.constant 0 : i32
        %dma_start3A_218 = tpu.memref_slice %arg7[%add3A_211, %dma_start3A_217] : memref<40x128xi32, #tpu.memory_space<vmem>> -> memref<1x128xi32, #tpu.memory_space<vmem>>
        %dma_start3A_219 = tpu.memref_squeeze %dma_start3A_218 : memref<1x128xi32, #tpu.memory_space<vmem>> -> memref<128xi32, #tpu.memory_space<vmem>>
        %dma_start3A_220 = arith.constant 0 : i32
        %dma_start3A_221 = arith.constant 0 : i32
        %dma_start3A_222 = tpu.memref_slice %arg2[%dma_start3A_220, %dma_start3A_221] : memref<10240x128xf32, #tpu.memory_space<hbm>> -> memref<10240x128xf32, #tpu.memory_space<hbm>>
        tpu.enqueue_indirect_dma source(%dma_start3A_222 : memref<10240x128xf32, #tpu.memory_space<hbm>>) target(%dma_start3A_216 : memref<128x128xf32, #tpu.memory_space<vmem>>) offsets(%dma_start3A_219 : memref<128xi32, #tpu.memory_space<vmem>>) semaphore(%arg14 : memref<!tpu.dma_semaphore, #tpu.memory_space<semaphore_mem>>)
      } else {
      }
      %scan3A_209 = arith.constant 0 : i32
      scf.yield %scan3A_209 : i32
    }
    %scan3A_107 = arith.constant 20 : i32
    %dma_wait3A_108 = arith.constant 1 : i32
    %dma_wait3A_109 = arith.constant 39 : i32
    %dma_wait3A_110 = arith.constant 0 : i32
    %dma_wait3A_111 = arith.constant 0 : i32
    %dma_wait3A_112 = tpu.memref_slice %arg9[%dma_wait3A_108, %dma_wait3A_110, %dma_wait3A_111] : memref<2x128x128xf32, #tpu.memory_space<vmem>> -> memref<1x128x128xf32, #tpu.memory_space<vmem>>
    %dma_wait3A_113 = tpu.memref_squeeze %dma_wait3A_112 : memref<1x128x128xf32, #tpu.memory_space<vmem>> -> memref<128x128xf32, #tpu.memory_space<vmem>>
    %dma_wait3A_114 = arith.constant 0 : i32
    %dma_wait3A_115 = tpu.memref_slice %arg8[%dma_wait3A_109, %dma_wait3A_114] : memref<40x128xi32, #tpu.memory_space<vmem>> -> memref<1x128xi32, #tpu.memory_space<vmem>>
    %dma_wait3A_116 = tpu.memref_squeeze %dma_wait3A_115 : memref<1x128xi32, #tpu.memory_space<vmem>> -> memref<128xi32, #tpu.memory_space<vmem>>
    %dma_wait3A_117 = arith.constant 0 : i32
    %dma_wait3A_118 = arith.constant 0 : i32
    %dma_wait3A_119 = tpu.memref_slice %arg12[%dma_wait3A_117, %dma_wait3A_118] : memref<10240x128xf32, #tpu.memory_space<vmem_shared>> -> memref<10240x128xf32, #tpu.memory_space<vmem_shared>>
    tpu.wait_indirect_dma semaphore(%arg17 : memref<!tpu.dma_semaphore, #tpu.memory_space<semaphore_mem>>) src(%dma_wait3A_113 : memref<128x128xf32, #tpu.memory_space<vmem>>) dst(%dma_wait3A_119 : memref<10240x128xf32, #tpu.memory_space<vmem_shared>>)
    %dma_wait3A_120 = arith.constant 39 : i32
    %dma_wait3A_121 = arith.constant 0 : i32
    %dma_wait3A_122 = tpu.memref_slice %arg8[%dma_wait3A_120, %dma_wait3A_121] : memref<40x128xi32, #tpu.memory_space<vmem>> -> memref<1x128xi32, #tpu.memory_space<vmem>>
    %dma_wait3A_123 = tpu.memref_squeeze %dma_wait3A_122 : memref<1x128xi32, #tpu.memory_space<vmem>> -> memref<128xi32, #tpu.memory_space<vmem>>
    %dma_wait3A_124 = arith.constant 0 : i32
    %dma_wait3A_125 = tpu.memref_slice %arg13[%dma_wait3A_124] : memref<10240xf32, #tpu.memory_space<vmem_shared>> -> memref<10240xf32, #tpu.memory_space<vmem_shared>>
    tpu.wait_indirect_dma semaphore(%arg17 : memref<!tpu.dma_semaphore, #tpu.memory_space<semaphore_mem>>) src(%arg10 : memref<128xf32, #tpu.memory_space<vmem>>) dst(%dma_wait3A_125 : memref<10240xf32, #tpu.memory_space<vmem_shared>>)
    %barrier3A_126 = arith.constant 0 : index
    tpu.barrier barrier_id(%barrier3A_126)
    "tpu.region"() ({
      %run_scoped3A_127 = tpu.sem_alloc : memref<!tpu.dma_semaphore, #tpu.memory_space<semaphore_mem>>
      %dma_start3A_128 = arith.constant 0 : i32
      %dma_start3A_129 = tpu.memref_slice %arg5[%arg0, %mul3A_23, %dma_start3A_128] : memref<2x10240x128xf32, #tpu.memory_space<hbm>> -> memref<1x640x128xf32, #tpu.memory_space<hbm>>
      %dma_start3A_130 = tpu.memref_squeeze %dma_start3A_129 : memref<1x640x128xf32, #tpu.memory_space<hbm>> -> memref<640x128xf32, #tpu.memory_space<hbm>>
      %dma_start3A_131 = arith.constant 0 : i32
      %dma_start3A_132 = tpu.memref_slice %arg12[%mul3A_23, %dma_start3A_131] : memref<10240x128xf32, #tpu.memory_space<vmem_shared>> -> memref<640x128xf32, #tpu.memory_space<vmem_shared>>
      tpu.enqueue_dma source(%dma_start3A_132 : memref<640x128xf32, #tpu.memory_space<vmem_shared>>) target(%dma_start3A_130 : memref<640x128xf32, #tpu.memory_space<hbm>>) target_semaphore(%run_scoped3A_127 : memref<!tpu.dma_semaphore, #tpu.memory_space<semaphore_mem>>)
      %dma_wait3A_133 = arith.constant 0 : i32
      %dma_wait3A_134 = tpu.memref_slice %arg5[%arg0, %mul3A_23, %dma_wait3A_133] : memref<2x10240x128xf32, #tpu.memory_space<hbm>> -> memref<1x640x128xf32, #tpu.memory_space<hbm>>
      %dma_wait3A_135 = tpu.memref_squeeze %dma_wait3A_134 : memref<1x640x128xf32, #tpu.memory_space<hbm>> -> memref<640x128xf32, #tpu.memory_space<hbm>>
      %dma_wait3A_136 = arith.constant 0 : i32
      %dma_wait3A_137 = tpu.memref_slice %arg12[%mul3A_23, %dma_wait3A_136] : memref<10240x128xf32, #tpu.memory_space<vmem_shared>> -> memref<640x128xf32, #tpu.memory_space<vmem_shared>>
      tpu.wait_dma2 semaphore(%run_scoped3A_127 : memref<!tpu.dma_semaphore, #tpu.memory_space<semaphore_mem>>) src(%dma_wait3A_137 : memref<640x128xf32, #tpu.memory_space<vmem_shared>>) dst(%dma_wait3A_135 : memref<640x128xf32, #tpu.memory_space<hbm>>)
      tpu.yield
    }) : () -> ()
    "tpu.region"() ({
      %run_scoped3A_127 = tpu.sem_alloc : memref<!tpu.dma_semaphore, #tpu.memory_space<semaphore_mem>>
      %dma_start3A_128 = tpu.memref_slice %arg6[%arg0, %mul3A_23] : memref<2x10240xf32, #tpu.memory_space<hbm>> -> memref<1x640xf32, #tpu.memory_space<hbm>>
      %dma_start3A_129 = tpu.memref_squeeze %dma_start3A_128 : memref<1x640xf32, #tpu.memory_space<hbm>> -> memref<640xf32, #tpu.memory_space<hbm>>
      %dma_start3A_130 = tpu.memref_slice %arg13[%mul3A_23] : memref<10240xf32, #tpu.memory_space<vmem_shared>> -> memref<640xf32, #tpu.memory_space<vmem_shared>>
      tpu.enqueue_dma source(%dma_start3A_130 : memref<640xf32, #tpu.memory_space<vmem_shared>>) target(%dma_start3A_129 : memref<640xf32, #tpu.memory_space<hbm>>) target_semaphore(%run_scoped3A_127 : memref<!tpu.dma_semaphore, #tpu.memory_space<semaphore_mem>>)
      %dma_wait3A_131 = tpu.memref_slice %arg6[%arg0, %mul3A_23] : memref<2x10240xf32, #tpu.memory_space<hbm>> -> memref<1x640xf32, #tpu.memory_space<hbm>>
      %dma_wait3A_132 = tpu.memref_squeeze %dma_wait3A_131 : memref<1x640xf32, #tpu.memory_space<hbm>> -> memref<640xf32, #tpu.memory_space<hbm>>
      %dma_wait3A_133 = tpu.memref_slice %arg13[%mul3A_23] : memref<10240xf32, #tpu.memory_space<vmem_shared>> -> memref<640xf32, #tpu.memory_space<vmem_shared>>
      tpu.wait_dma2 semaphore(%run_scoped3A_127 : memref<!tpu.dma_semaphore, #tpu.memory_space<semaphore_mem>>) src(%dma_wait3A_133 : memref<640xf32, #tpu.memory_space<vmem_shared>>) dst(%dma_wait3A_132 : memref<640xf32, #tpu.memory_space<hbm>>)
      tpu.yield
    }) : () -> ()
    return
  }
}

#map = affine_map<(d0, d1) -> (0, 0)>
#map1 = affine_map<(d0, d1) -> (0, 0, 0)>
module attributes {stable_mosaic.version = 14 : i64} {
  func.func @body(%arg0: i32, %arg1: i32, %arg2: memref<10240x128xf32, #tpu.memory_space<hbm>>, %arg3: memref<2560x128xi32, #tpu.memory_space<hbm>>, %arg4: memref<2560x128xi32, #tpu.memory_space<hbm>>, %arg5: memref<2x10240x128xf32, #tpu.memory_space<hbm>>, %arg6: memref<40x128xi32, #tpu.memory_space<vmem>>, %arg7: memref<40x128xi32, #tpu.memory_space<vmem>>, %arg8: memref<2x128x128xf32, #tpu.memory_space<vmem>>, %arg9: memref<128xf32, #tpu.memory_space<vmem>>, %arg10: memref<640xf32, #tpu.memory_space<vmem>>, %arg11: memref<10240x128xf32, #tpu.memory_space<vmem_shared>>, %arg12: memref<10240xf32, #tpu.memory_space<vmem_shared>>, %arg13: memref<!tpu.dma_semaphore, #tpu.memory_space<semaphore_mem>>, %arg14: memref<!tpu.dma_semaphore, #tpu.memory_space<semaphore_mem>>, %arg15: memref<!tpu.dma_semaphore, #tpu.memory_space<semaphore_mem>>, %arg16: memref<!tpu.dma_semaphore, #tpu.memory_space<semaphore_mem>>) attributes {dimension_semantics = [#tpu.dimension_semantics<core_parallel>, #tpu.dimension_semantics<subcore_parallel>], iteration_bounds = array<i64: 2, 16>, scalar_prefetch = 0 : i64, scratch_operands = 11 : i64, tpu.core_type = #tpu.core_type<sc_vector_subcore>, window_params = [{transform_indices = #map}, {transform_indices = #map}, {transform_indices = #map}, {transform_indices = #map1}]} {
    %mul3A = arith.constant 16 : i32
    %mul3A_0 = arith.muli %arg0, %mul3A : i32
    %add3A = arith.addi %mul3A_0, %arg1 : i32
    %broadcast_in_dim3A = arith.constant 0.000000e+00 : f32
    %broadcast_in_dim3A_1 = vector.broadcast %broadcast_in_dim3A : f32 to vector<16xf32>
    %scan3A = arith.constant 0 : i32
    %scan3A_2 = arith.constant 0 : i32
    %scan3A_3 = arith.constant 128 : i32
    %scan3A_4 = arith.addi %scan3A_2, %scan3A_3 : i32
    %scan3A_5 = arith.constant 1 : i32
    %scan3A_6 = scf.for %scan3A_115 = %scan3A_2 to %scan3A_4 step %scan3A_5 iter_args(%scan3A_116 = %scan3A) -> (i32)  : i32 {
      %swap3A = arith.constant 0 : i32
      %swap3A_117 = arith.index_cast %swap3A : i32 to index
      %swap3A_118 = arith.index_cast %scan3A_115 : i32 to index
      %swap3A_119 = arith.constant 0 : index
      %swap3A_120 = tpu.vector_load %arg8[%swap3A_117, %swap3A_118, %swap3A_119] {strides = array<i32>} : memref<2x128x128xf32, #tpu.memory_space<vmem>>, vector<1x1x16xf32>,
      %swap3A_121 = vector.shape_cast %swap3A_120 : vector<1x1x16xf32> to vector<16xf32>
      %swap3A_122 = vector.shape_cast %broadcast_in_dim3A_1 : vector<16xf32> to vector<1x1x16xf32>
      tpu.vector_store %arg8[%swap3A_117, %swap3A_118, %swap3A_119], %swap3A_122 {strides = array<i32>} : memref<2x128x128xf32, #tpu.memory_space<vmem>>, vector<1x1x16xf32>,
      %swap3A_123 = arith.constant 0 : i32
      %swap3A_124 = arith.index_cast %swap3A_123 : i32 to index
      %swap3A_125 = arith.index_cast %scan3A_115 : i32 to index
      %swap3A_126 = arith.constant 16 : index
      %swap3A_127 = tpu.vector_load %arg8[%swap3A_124, %swap3A_125, %swap3A_126] {strides = array<i32>} : memref<2x128x128xf32, #tpu.memory_space<vmem>>, vector<1x1x16xf32>,
      %swap3A_128 = vector.shape_cast %swap3A_127 : vector<1x1x16xf32> to vector<16xf32>
      %swap3A_129 = vector.shape_cast %broadcast_in_dim3A_1 : vector<16xf32> to vector<1x1x16xf32>
      tpu.vector_store %arg8[%swap3A_124, %swap3A_125, %swap3A_126], %swap3A_129 {strides = array<i32>} : memref<2x128x128xf32, #tpu.memory_space<vmem>>, vector<1x1x16xf32>,
      %swap3A_130 = arith.constant 0 : i32
      %swap3A_131 = arith.index_cast %swap3A_130 : i32 to index
      %swap3A_132 = arith.index_cast %scan3A_115 : i32 to index
      %swap3A_133 = arith.constant 32 : index
      %swap3A_134 = tpu.vector_load %arg8[%swap3A_131, %swap3A_132, %swap3A_133] {strides = array<i32>} : memref<2x128x128xf32, #tpu.memory_space<vmem>>, vector<1x1x16xf32>,
      %swap3A_135 = vector.shape_cast %swap3A_134 : vector<1x1x16xf32> to vector<16xf32>
      %swap3A_136 = vector.shape_cast %broadcast_in_dim3A_1 : vector<16xf32> to vector<1x1x16xf32>
      tpu.vector_store %arg8[%swap3A_131, %swap3A_132, %swap3A_133], %swap3A_136 {strides = array<i32>} : memref<2x128x128xf32, #tpu.memory_space<vmem>>, vector<1x1x16xf32>,
      %swap3A_137 = arith.constant 0 : i32
      %swap3A_138 = arith.index_cast %swap3A_137 : i32 to index
      %swap3A_139 = arith.index_cast %scan3A_115 : i32 to index
      %swap3A_140 = arith.constant 48 : index
      %swap3A_141 = tpu.vector_load %arg8[%swap3A_138, %swap3A_139, %swap3A_140] {strides = array<i32>} : memref<2x128x128xf32, #tpu.memory_space<vmem>>, vector<1x1x16xf32>,
      %swap3A_142 = vector.shape_cast %swap3A_141 : vector<1x1x16xf32> to vector<16xf32>
      %swap3A_143 = vector.shape_cast %broadcast_in_dim3A_1 : vector<16xf32> to vector<1x1x16xf32>
      tpu.vector_store %arg8[%swap3A_138, %swap3A_139, %swap3A_140], %swap3A_143 {strides = array<i32>} : memref<2x128x128xf32, #tpu.memory_space<vmem>>, vector<1x1x16xf32>,
      %swap3A_144 = arith.constant 0 : i32
      %swap3A_145 = arith.index_cast %swap3A_144 : i32 to index
      %swap3A_146 = arith.index_cast %scan3A_115 : i32 to index
      %swap3A_147 = arith.constant 64 : index
      %swap3A_148 = tpu.vector_load %arg8[%swap3A_145, %swap3A_146, %swap3A_147] {strides = array<i32>} : memref<2x128x128xf32, #tpu.memory_space<vmem>>, vector<1x1x16xf32>,
      %swap3A_149 = vector.shape_cast %swap3A_148 : vector<1x1x16xf32> to vector<16xf32>
      %swap3A_150 = vector.shape_cast %broadcast_in_dim3A_1 : vector<16xf32> to vector<1x1x16xf32>
      tpu.vector_store %arg8[%swap3A_145, %swap3A_146, %swap3A_147], %swap3A_150 {strides = array<i32>} : memref<2x128x128xf32, #tpu.memory_space<vmem>>, vector<1x1x16xf32>,
      %swap3A_151 = arith.constant 0 : i32
      %swap3A_152 = arith.index_cast %swap3A_151 : i32 to index
      %swap3A_153 = arith.index_cast %scan3A_115 : i32 to index
      %swap3A_154 = arith.constant 80 : index
      %swap3A_155 = tpu.vector_load %arg8[%swap3A_152, %swap3A_153, %swap3A_154] {strides = array<i32>} : memref<2x128x128xf32, #tpu.memory_space<vmem>>, vector<1x1x16xf32>,
      %swap3A_156 = vector.shape_cast %swap3A_155 : vector<1x1x16xf32> to vector<16xf32>
      %swap3A_157 = vector.shape_cast %broadcast_in_dim3A_1 : vector<16xf32> to vector<1x1x16xf32>
      tpu.vector_store %arg8[%swap3A_152, %swap3A_153, %swap3A_154], %swap3A_157 {strides = array<i32>} : memref<2x128x128xf32, #tpu.memory_space<vmem>>, vector<1x1x16xf32>,
      %swap3A_158 = arith.constant 0 : i32
      %swap3A_159 = arith.index_cast %swap3A_158 : i32 to index
      %swap3A_160 = arith.index_cast %scan3A_115 : i32 to index
      %swap3A_161 = arith.constant 96 : index
      %swap3A_162 = tpu.vector_load %arg8[%swap3A_159, %swap3A_160, %swap3A_161] {strides = array<i32>} : memref<2x128x128xf32, #tpu.memory_space<vmem>>, vector<1x1x16xf32>,
      %swap3A_163 = vector.shape_cast %swap3A_162 : vector<1x1x16xf32> to vector<16xf32>
      %swap3A_164 = vector.shape_cast %broadcast_in_dim3A_1 : vector<16xf32> to vector<1x1x16xf32>
      tpu.vector_store %arg8[%swap3A_159, %swap3A_160, %swap3A_161], %swap3A_164 {strides = array<i32>} : memref<2x128x128xf32, #tpu.memory_space<vmem>>, vector<1x1x16xf32>,
      %swap3A_165 = arith.constant 0 : i32
      %swap3A_166 = arith.index_cast %swap3A_165 : i32 to index
      %swap3A_167 = arith.index_cast %scan3A_115 : i32 to index
      %swap3A_168 = arith.constant 112 : index
      %swap3A_169 = tpu.vector_load %arg8[%swap3A_166, %swap3A_167, %swap3A_168] {strides = array<i32>} : memref<2x128x128xf32, #tpu.memory_space<vmem>>, vector<1x1x16xf32>,
      %swap3A_170 = vector.shape_cast %swap3A_169 : vector<1x1x16xf32> to vector<16xf32>
      %swap3A_171 = vector.shape_cast %broadcast_in_dim3A_1 : vector<16xf32> to vector<1x1x16xf32>
      tpu.vector_store %arg8[%swap3A_166, %swap3A_167, %swap3A_168], %swap3A_171 {strides = array<i32>} : memref<2x128x128xf32, #tpu.memory_space<vmem>>, vector<1x1x16xf32>,
      %scan3A_172 = arith.constant 0 : i32
      scf.yield %scan3A_172 : i32
    }
    %scan3A_7 = arith.constant 128 : i32
    %scan3A_8 = arith.constant 0 : i32
    %scan3A_9 = arith.constant 0 : i32
    %scan3A_10 = arith.constant 40 : i32
    %scan3A_11 = arith.addi %scan3A_9, %scan3A_10 : i32
    %scan3A_12 = arith.constant 1 : i32
    %scan3A_13 = scf.for %scan3A_115 = %scan3A_9 to %scan3A_11 step %scan3A_12 iter_args(%scan3A_116 = %scan3A_8) -> (i32)  : i32 {
      %mul3A_117 = arith.constant 16 : i32
      %mul3A_118 = arith.muli %scan3A_115, %mul3A_117 : i32
      %swap3A = arith.index_cast %mul3A_118 : i32 to index
      %swap3A_119 = tpu.vector_load %arg10[%swap3A] {strides = array<i32>} : memref<640xf32, #tpu.memory_space<vmem>>, vector<16xf32>,
      %swap3A_120 = vector.shape_cast %swap3A_119 : vector<16xf32> to vector<16xf32>
      %swap3A_121 = vector.shape_cast %broadcast_in_dim3A_1 : vector<16xf32> to vector<16xf32>
      tpu.vector_store %arg10[%swap3A], %swap3A_121 {strides = array<i32>} : memref<640xf32, #tpu.memory_space<vmem>>, vector<16xf32>,
      %scan3A_122 = arith.constant 0 : i32
      scf.yield %scan3A_122 : i32
    }
    %scan3A_14 = arith.constant 40 : i32
    %scan3A_15 = arith.constant 0 : i32
    %scan3A_16 = arith.constant 0 : i32
    %scan3A_17 = arith.constant 8 : i32
    %scan3A_18 = arith.addi %scan3A_16, %scan3A_17 : i32
    %scan3A_19 = arith.constant 1 : i32
    %scan3A_20 = scf.for %scan3A_115 = %scan3A_16 to %scan3A_18 step %scan3A_19 iter_args(%scan3A_116 = %scan3A_15) -> (i32)  : i32 {
      %add3A_117 = arith.constant 1.000000e+00 : f32
      %add3A_118 = vector.broadcast %add3A_117 : f32 to vector<16xf32>
      %add3A_119 = arith.addf %broadcast_in_dim3A_1, %add3A_118 : vector<16xf32>
      %mul3A_120 = arith.constant 16 : i32
      %mul3A_121 = arith.muli %scan3A_115, %mul3A_120 : i32
      %swap3A = arith.index_cast %mul3A_121 : i32 to index
      %swap3A_122 = tpu.vector_load %arg9[%swap3A] {strides = array<i32>} : memref<128xf32, #tpu.memory_space<vmem>>, vector<16xf32>,
      %swap3A_123 = vector.shape_cast %swap3A_122 : vector<16xf32> to vector<16xf32>
      %swap3A_124 = vector.shape_cast %add3A_119 : vector<16xf32> to vector<16xf32>
      tpu.vector_store %arg9[%swap3A], %swap3A_124 {strides = array<i32>} : memref<128xf32, #tpu.memory_space<vmem>>, vector<16xf32>,
      %scan3A_125 = arith.constant 0 : i32
      scf.yield %scan3A_125 : i32
    }
    %scan3A_21 = arith.constant 8 : i32
    %mul3A_22 = arith.constant 640 : i32
    %mul3A_23 = arith.muli %arg1, %mul3A_22 : i32
    %add3A_24 = arith.constant 0 : i32
    %add3A_25 = arith.addi %mul3A_23, %add3A_24 : i32
    %run_scoped3A = arith.constant 0 : i32
    "tpu.region"() ({
      %run_scoped3A_115 = tpu.sem_alloc : memref<!tpu.dma_semaphore, #tpu.memory_space<semaphore_mem>>
      %dma_start3A_116 = arith.constant 0 : i32
      %dma_start3A_117 = arith.constant 0 : i32
      %dma_start3A_118 = tpu.memref_slice %arg8[%run_scoped3A, %dma_start3A_116, %dma_start3A_117] : memref<2x128x128xf32, #tpu.memory_space<vmem>> -> memref<1x128x128xf32, #tpu.memory_space<vmem>>
      %dma_start3A_119 = tpu.memref_squeeze %dma_start3A_118 : memref<1x128x128xf32, #tpu.memory_space<vmem>> -> memref<128x128xf32, #tpu.memory_space<vmem>>
      %dma_start3A_120 = arith.constant 0 : i32
      %dma_start3A_121 = tpu.memref_slice %arg11[%add3A_25, %dma_start3A_120] : memref<10240x128xf32, #tpu.memory_space<vmem_shared>> -> memref<128x128xf32, #tpu.memory_space<vmem_shared>>
      %dma_start3A_122 = arith.constant 0 : i32
      %dma_start3A_123 = tpu.memref_slice %arg11[%add3A_25, %dma_start3A_122] : memref<10240x128xf32, #tpu.memory_space<vmem_shared>> -> memref<128x128xf32, #tpu.memory_space<vmem_shared>>
      %dma_start3A_124 = arith.constant 0 : i32
      %dma_start3A_125 = arith.constant 0 : i32
      %dma_start3A_126 = tpu.memref_slice %arg8[%run_scoped3A, %dma_start3A_124, %dma_start3A_125] : memref<2x128x128xf32, #tpu.memory_space<vmem>> -> memref<1x128x128xf32, #tpu.memory_space<vmem>>
      %dma_start3A_127 = tpu.memref_squeeze %dma_start3A_126 : memref<1x128x128xf32, #tpu.memory_space<vmem>> -> memref<128x128xf32, #tpu.memory_space<vmem>>
      tpu.enqueue_dma source(%dma_start3A_127 : memref<128x128xf32, #tpu.memory_space<vmem>>) target(%dma_start3A_123 : memref<128x128xf32, #tpu.memory_space<vmem_shared>>) target_semaphore(%run_scoped3A_115 : memref<!tpu.dma_semaphore, #tpu.memory_space<semaphore_mem>>)
      %dma_wait3A_128 = arith.constant 0 : i32
      %dma_wait3A_129 = arith.constant 0 : i32
      %dma_wait3A_130 = tpu.memref_slice %arg8[%run_scoped3A, %dma_wait3A_128, %dma_wait3A_129] : memref<2x128x128xf32, #tpu.memory_space<vmem>> -> memref<1x128x128xf32, #tpu.memory_space<vmem>>
      %dma_wait3A_131 = tpu.memref_squeeze %dma_wait3A_130 : memref<1x128x128xf32, #tpu.memory_space<vmem>> -> memref<128x128xf32, #tpu.memory_space<vmem>>
      %dma_wait3A_132 = arith.constant 0 : i32
      %dma_wait3A_133 = tpu.memref_slice %arg11[%add3A_25, %dma_wait3A_132] : memref<10240x128xf32, #tpu.memory_space<vmem_shared>> -> memref<128x128xf32, #tpu.memory_space<vmem_shared>>
      %dma_wait3A_134 = arith.constant 0 : i32
      %dma_wait3A_135 = tpu.memref_slice %arg11[%add3A_25, %dma_wait3A_134] : memref<10240x128xf32, #tpu.memory_space<vmem_shared>> -> memref<128x128xf32, #tpu.memory_space<vmem_shared>>
      %dma_wait3A_136 = arith.constant 0 : i32
      %dma_wait3A_137 = arith.constant 0 : i32
      %dma_wait3A_138 = tpu.memref_slice %arg8[%run_scoped3A, %dma_wait3A_136, %dma_wait3A_137] : memref<2x128x128xf32, #tpu.memory_space<vmem>> -> memref<1x128x128xf32, #tpu.memory_space<vmem>>
      %dma_wait3A_139 = tpu.memref_squeeze %dma_wait3A_138 : memref<1x128x128xf32, #tpu.memory_space<vmem>> -> memref<128x128xf32, #tpu.memory_space<vmem>>
      tpu.wait_dma2 semaphore(%run_scoped3A_115 : memref<!tpu.dma_semaphore, #tpu.memory_space<semaphore_mem>>) src(%dma_wait3A_139 : memref<128x128xf32, #tpu.memory_space<vmem>>) dst(%dma_wait3A_135 : memref<128x128xf32, #tpu.memory_space<vmem_shared>>)
      tpu.yield
    }) : () -> ()
    %add3A_26 = arith.constant 128 : i32
    %add3A_27 = arith.addi %mul3A_23, %add3A_26 : i32
    %run_scoped3A_28 = arith.constant 0 : i32
    "tpu.region"() ({
      %run_scoped3A_115 = tpu.sem_alloc : memref<!tpu.dma_semaphore, #tpu.memory_space<semaphore_mem>>
      %dma_start3A_116 = arith.constant 0 : i32
      %dma_start3A_117 = arith.constant 0 : i32
      %dma_start3A_118 = tpu.memref_slice %arg8[%run_scoped3A_28, %dma_start3A_116, %dma_start3A_117] : memref<2x128x128xf32, #tpu.memory_space<vmem>> -> memref<1x128x128xf32, #tpu.memory_space<vmem>>
      %dma_start3A_119 = tpu.memref_squeeze %dma_start3A_118 : memref<1x128x128xf32, #tpu.memory_space<vmem>> -> memref<128x128xf32, #tpu.memory_space<vmem>>
      %dma_start3A_120 = arith.constant 0 : i32
      %dma_start3A_121 = tpu.memref_slice %arg11[%add3A_27, %dma_start3A_120] : memref<10240x128xf32, #tpu.memory_space<vmem_shared>> -> memref<128x128xf32, #tpu.memory_space<vmem_shared>>
      %dma_start3A_122 = arith.constant 0 : i32
      %dma_start3A_123 = tpu.memref_slice %arg11[%add3A_27, %dma_start3A_122] : memref<10240x128xf32, #tpu.memory_space<vmem_shared>> -> memref<128x128xf32, #tpu.memory_space<vmem_shared>>
      %dma_start3A_124 = arith.constant 0 : i32
      %dma_start3A_125 = arith.constant 0 : i32
      %dma_start3A_126 = tpu.memref_slice %arg8[%run_scoped3A_28, %dma_start3A_124, %dma_start3A_125] : memref<2x128x128xf32, #tpu.memory_space<vmem>> -> memref<1x128x128xf32, #tpu.memory_space<vmem>>
      %dma_start3A_127 = tpu.memref_squeeze %dma_start3A_126 : memref<1x128x128xf32, #tpu.memory_space<vmem>> -> memref<128x128xf32, #tpu.memory_space<vmem>>
      tpu.enqueue_dma source(%dma_start3A_127 : memref<128x128xf32, #tpu.memory_space<vmem>>) target(%dma_start3A_123 : memref<128x128xf32, #tpu.memory_space<vmem_shared>>) target_semaphore(%run_scoped3A_115 : memref<!tpu.dma_semaphore, #tpu.memory_space<semaphore_mem>>)
      %dma_wait3A_128 = arith.constant 0 : i32
      %dma_wait3A_129 = arith.constant 0 : i32
      %dma_wait3A_130 = tpu.memref_slice %arg8[%run_scoped3A_28, %dma_wait3A_128, %dma_wait3A_129] : memref<2x128x128xf32, #tpu.memory_space<vmem>> -> memref<1x128x128xf32, #tpu.memory_space<vmem>>
      %dma_wait3A_131 = tpu.memref_squeeze %dma_wait3A_130 : memref<1x128x128xf32, #tpu.memory_space<vmem>> -> memref<128x128xf32, #tpu.memory_space<vmem>>
      %dma_wait3A_132 = arith.constant 0 : i32
      %dma_wait3A_133 = tpu.memref_slice %arg11[%add3A_27, %dma_wait3A_132] : memref<10240x128xf32, #tpu.memory_space<vmem_shared>> -> memref<128x128xf32, #tpu.memory_space<vmem_shared>>
      %dma_wait3A_134 = arith.constant 0 : i32
      %dma_wait3A_135 = tpu.memref_slice %arg11[%add3A_27, %dma_wait3A_134] : memref<10240x128xf32, #tpu.memory_space<vmem_shared>> -> memref<128x128xf32, #tpu.memory_space<vmem_shared>>
      %dma_wait3A_136 = arith.constant 0 : i32
      %dma_wait3A_137 = arith.constant 0 : i32
      %dma_wait3A_138 = tpu.memref_slice %arg8[%run_scoped3A_28, %dma_wait3A_136, %dma_wait3A_137] : memref<2x128x128xf32, #tpu.memory_space<vmem>> -> memref<1x128x128xf32, #tpu.memory_space<vmem>>
      %dma_wait3A_139 = tpu.memref_squeeze %dma_wait3A_138 : memref<1x128x128xf32, #tpu.memory_space<vmem>> -> memref<128x128xf32, #tpu.memory_space<vmem>>
      tpu.wait_dma2 semaphore(%run_scoped3A_115 : memref<!tpu.dma_semaphore, #tpu.memory_space<semaphore_mem>>) src(%dma_wait3A_139 : memref<128x128xf32, #tpu.memory_space<vmem>>) dst(%dma_wait3A_135 : memref<128x128xf32, #tpu.memory_space<vmem_shared>>)
      tpu.yield
    }) : () -> ()
    %add3A_29 = arith.constant 256 : i32
    %add3A_30 = arith.addi %mul3A_23, %add3A_29 : i32
    %run_scoped3A_31 = arith.constant 0 : i32
    "tpu.region"() ({
      %run_scoped3A_115 = tpu.sem_alloc : memref<!tpu.dma_semaphore, #tpu.memory_space<semaphore_mem>>
      %dma_start3A_116 = arith.constant 0 : i32
      %dma_start3A_117 = arith.constant 0 : i32
      %dma_start3A_118 = tpu.memref_slice %arg8[%run_scoped3A_31, %dma_start3A_116, %dma_start3A_117] : memref<2x128x128xf32, #tpu.memory_space<vmem>> -> memref<1x128x128xf32, #tpu.memory_space<vmem>>
      %dma_start3A_119 = tpu.memref_squeeze %dma_start3A_118 : memref<1x128x128xf32, #tpu.memory_space<vmem>> -> memref<128x128xf32, #tpu.memory_space<vmem>>
      %dma_start3A_120 = arith.constant 0 : i32
      %dma_start3A_121 = tpu.memref_slice %arg11[%add3A_30, %dma_start3A_120] : memref<10240x128xf32, #tpu.memory_space<vmem_shared>> -> memref<128x128xf32, #tpu.memory_space<vmem_shared>>
      %dma_start3A_122 = arith.constant 0 : i32
      %dma_start3A_123 = tpu.memref_slice %arg11[%add3A_30, %dma_start3A_122] : memref<10240x128xf32, #tpu.memory_space<vmem_shared>> -> memref<128x128xf32, #tpu.memory_space<vmem_shared>>
      %dma_start3A_124 = arith.constant 0 : i32
      %dma_start3A_125 = arith.constant 0 : i32
      %dma_start3A_126 = tpu.memref_slice %arg8[%run_scoped3A_31, %dma_start3A_124, %dma_start3A_125] : memref<2x128x128xf32, #tpu.memory_space<vmem>> -> memref<1x128x128xf32, #tpu.memory_space<vmem>>
      %dma_start3A_127 = tpu.memref_squeeze %dma_start3A_126 : memref<1x128x128xf32, #tpu.memory_space<vmem>> -> memref<128x128xf32, #tpu.memory_space<vmem>>
      tpu.enqueue_dma source(%dma_start3A_127 : memref<128x128xf32, #tpu.memory_space<vmem>>) target(%dma_start3A_123 : memref<128x128xf32, #tpu.memory_space<vmem_shared>>) target_semaphore(%run_scoped3A_115 : memref<!tpu.dma_semaphore, #tpu.memory_space<semaphore_mem>>)
      %dma_wait3A_128 = arith.constant 0 : i32
      %dma_wait3A_129 = arith.constant 0 : i32
      %dma_wait3A_130 = tpu.memref_slice %arg8[%run_scoped3A_31, %dma_wait3A_128, %dma_wait3A_129] : memref<2x128x128xf32, #tpu.memory_space<vmem>> -> memref<1x128x128xf32, #tpu.memory_space<vmem>>
      %dma_wait3A_131 = tpu.memref_squeeze %dma_wait3A_130 : memref<1x128x128xf32, #tpu.memory_space<vmem>> -> memref<128x128xf32, #tpu.memory_space<vmem>>
      %dma_wait3A_132 = arith.constant 0 : i32
      %dma_wait3A_133 = tpu.memref_slice %arg11[%add3A_30, %dma_wait3A_132] : memref<10240x128xf32, #tpu.memory_space<vmem_shared>> -> memref<128x128xf32, #tpu.memory_space<vmem_shared>>
      %dma_wait3A_134 = arith.constant 0 : i32
      %dma_wait3A_135 = tpu.memref_slice %arg11[%add3A_30, %dma_wait3A_134] : memref<10240x128xf32, #tpu.memory_space<vmem_shared>> -> memref<128x128xf32, #tpu.memory_space<vmem_shared>>
      %dma_wait3A_136 = arith.constant 0 : i32
      %dma_wait3A_137 = arith.constant 0 : i32
      %dma_wait3A_138 = tpu.memref_slice %arg8[%run_scoped3A_31, %dma_wait3A_136, %dma_wait3A_137] : memref<2x128x128xf32, #tpu.memory_space<vmem>> -> memref<1x128x128xf32, #tpu.memory_space<vmem>>
      %dma_wait3A_139 = tpu.memref_squeeze %dma_wait3A_138 : memref<1x128x128xf32, #tpu.memory_space<vmem>> -> memref<128x128xf32, #tpu.memory_space<vmem>>
      tpu.wait_dma2 semaphore(%run_scoped3A_115 : memref<!tpu.dma_semaphore, #tpu.memory_space<semaphore_mem>>) src(%dma_wait3A_139 : memref<128x128xf32, #tpu.memory_space<vmem>>) dst(%dma_wait3A_135 : memref<128x128xf32, #tpu.memory_space<vmem_shared>>)
      tpu.yield
    }) : () -> ()
    %add3A_32 = arith.constant 384 : i32
    %add3A_33 = arith.addi %mul3A_23, %add3A_32 : i32
    %run_scoped3A_34 = arith.constant 0 : i32
    "tpu.region"() ({
      %run_scoped3A_115 = tpu.sem_alloc : memref<!tpu.dma_semaphore, #tpu.memory_space<semaphore_mem>>
      %dma_start3A_116 = arith.constant 0 : i32
      %dma_start3A_117 = arith.constant 0 : i32
      %dma_start3A_118 = tpu.memref_slice %arg8[%run_scoped3A_34, %dma_start3A_116, %dma_start3A_117] : memref<2x128x128xf32, #tpu.memory_space<vmem>> -> memref<1x128x128xf32, #tpu.memory_space<vmem>>
      %dma_start3A_119 = tpu.memref_squeeze %dma_start3A_118 : memref<1x128x128xf32, #tpu.memory_space<vmem>> -> memref<128x128xf32, #tpu.memory_space<vmem>>
      %dma_start3A_120 = arith.constant 0 : i32
      %dma_start3A_121 = tpu.memref_slice %arg11[%add3A_33, %dma_start3A_120] : memref<10240x128xf32, #tpu.memory_space<vmem_shared>> -> memref<128x128xf32, #tpu.memory_space<vmem_shared>>
      %dma_start3A_122 = arith.constant 0 : i32
      %dma_start3A_123 = tpu.memref_slice %arg11[%add3A_33, %dma_start3A_122] : memref<10240x128xf32, #tpu.memory_space<vmem_shared>> -> memref<128x128xf32, #tpu.memory_space<vmem_shared>>
      %dma_start3A_124 = arith.constant 0 : i32
      %dma_start3A_125 = arith.constant 0 : i32
      %dma_start3A_126 = tpu.memref_slice %arg8[%run_scoped3A_34, %dma_start3A_124, %dma_start3A_125] : memref<2x128x128xf32, #tpu.memory_space<vmem>> -> memref<1x128x128xf32, #tpu.memory_space<vmem>>
      %dma_start3A_127 = tpu.memref_squeeze %dma_start3A_126 : memref<1x128x128xf32, #tpu.memory_space<vmem>> -> memref<128x128xf32, #tpu.memory_space<vmem>>
      tpu.enqueue_dma source(%dma_start3A_127 : memref<128x128xf32, #tpu.memory_space<vmem>>) target(%dma_start3A_123 : memref<128x128xf32, #tpu.memory_space<vmem_shared>>) target_semaphore(%run_scoped3A_115 : memref<!tpu.dma_semaphore, #tpu.memory_space<semaphore_mem>>)
      %dma_wait3A_128 = arith.constant 0 : i32
      %dma_wait3A_129 = arith.constant 0 : i32
      %dma_wait3A_130 = tpu.memref_slice %arg8[%run_scoped3A_34, %dma_wait3A_128, %dma_wait3A_129] : memref<2x128x128xf32, #tpu.memory_space<vmem>> -> memref<1x128x128xf32, #tpu.memory_space<vmem>>
      %dma_wait3A_131 = tpu.memref_squeeze %dma_wait3A_130 : memref<1x128x128xf32, #tpu.memory_space<vmem>> -> memref<128x128xf32, #tpu.memory_space<vmem>>
      %dma_wait3A_132 = arith.constant 0 : i32
      %dma_wait3A_133 = tpu.memref_slice %arg11[%add3A_33, %dma_wait3A_132] : memref<10240x128xf32, #tpu.memory_space<vmem_shared>> -> memref<128x128xf32, #tpu.memory_space<vmem_shared>>
      %dma_wait3A_134 = arith.constant 0 : i32
      %dma_wait3A_135 = tpu.memref_slice %arg11[%add3A_33, %dma_wait3A_134] : memref<10240x128xf32, #tpu.memory_space<vmem_shared>> -> memref<128x128xf32, #tpu.memory_space<vmem_shared>>
      %dma_wait3A_136 = arith.constant 0 : i32
      %dma_wait3A_137 = arith.constant 0 : i32
      %dma_wait3A_138 = tpu.memref_slice %arg8[%run_scoped3A_34, %dma_wait3A_136, %dma_wait3A_137] : memref<2x128x128xf32, #tpu.memory_space<vmem>> -> memref<1x128x128xf32, #tpu.memory_space<vmem>>
      %dma_wait3A_139 = tpu.memref_squeeze %dma_wait3A_138 : memref<1x128x128xf32, #tpu.memory_space<vmem>> -> memref<128x128xf32, #tpu.memory_space<vmem>>
      tpu.wait_dma2 semaphore(%run_scoped3A_115 : memref<!tpu.dma_semaphore, #tpu.memory_space<semaphore_mem>>) src(%dma_wait3A_139 : memref<128x128xf32, #tpu.memory_space<vmem>>) dst(%dma_wait3A_135 : memref<128x128xf32, #tpu.memory_space<vmem_shared>>)
      tpu.yield
    }) : () -> ()
    %add3A_35 = arith.constant 512 : i32
    %add3A_36 = arith.addi %mul3A_23, %add3A_35 : i32
    %run_scoped3A_37 = arith.constant 0 : i32
    "tpu.region"() ({
      %run_scoped3A_115 = tpu.sem_alloc : memref<!tpu.dma_semaphore, #tpu.memory_space<semaphore_mem>>
      %dma_start3A_116 = arith.constant 0 : i32
      %dma_start3A_117 = arith.constant 0 : i32
      %dma_start3A_118 = tpu.memref_slice %arg8[%run_scoped3A_37, %dma_start3A_116, %dma_start3A_117] : memref<2x128x128xf32, #tpu.memory_space<vmem>> -> memref<1x128x128xf32, #tpu.memory_space<vmem>>
      %dma_start3A_119 = tpu.memref_squeeze %dma_start3A_118 : memref<1x128x128xf32, #tpu.memory_space<vmem>> -> memref<128x128xf32, #tpu.memory_space<vmem>>
      %dma_start3A_120 = arith.constant 0 : i32
      %dma_start3A_121 = tpu.memref_slice %arg11[%add3A_36, %dma_start3A_120] : memref<10240x128xf32, #tpu.memory_space<vmem_shared>> -> memref<128x128xf32, #tpu.memory_space<vmem_shared>>
      %dma_start3A_122 = arith.constant 0 : i32
      %dma_start3A_123 = tpu.memref_slice %arg11[%add3A_36, %dma_start3A_122] : memref<10240x128xf32, #tpu.memory_space<vmem_shared>> -> memref<128x128xf32, #tpu.memory_space<vmem_shared>>
      %dma_start3A_124 = arith.constant 0 : i32
      %dma_start3A_125 = arith.constant 0 : i32
      %dma_start3A_126 = tpu.memref_slice %arg8[%run_scoped3A_37, %dma_start3A_124, %dma_start3A_125] : memref<2x128x128xf32, #tpu.memory_space<vmem>> -> memref<1x128x128xf32, #tpu.memory_space<vmem>>
      %dma_start3A_127 = tpu.memref_squeeze %dma_start3A_126 : memref<1x128x128xf32, #tpu.memory_space<vmem>> -> memref<128x128xf32, #tpu.memory_space<vmem>>
      tpu.enqueue_dma source(%dma_start3A_127 : memref<128x128xf32, #tpu.memory_space<vmem>>) target(%dma_start3A_123 : memref<128x128xf32, #tpu.memory_space<vmem_shared>>) target_semaphore(%run_scoped3A_115 : memref<!tpu.dma_semaphore, #tpu.memory_space<semaphore_mem>>)
      %dma_wait3A_128 = arith.constant 0 : i32
      %dma_wait3A_129 = arith.constant 0 : i32
      %dma_wait3A_130 = tpu.memref_slice %arg8[%run_scoped3A_37, %dma_wait3A_128, %dma_wait3A_129] : memref<2x128x128xf32, #tpu.memory_space<vmem>> -> memref<1x128x128xf32, #tpu.memory_space<vmem>>
      %dma_wait3A_131 = tpu.memref_squeeze %dma_wait3A_130 : memref<1x128x128xf32, #tpu.memory_space<vmem>> -> memref<128x128xf32, #tpu.memory_space<vmem>>
      %dma_wait3A_132 = arith.constant 0 : i32
      %dma_wait3A_133 = tpu.memref_slice %arg11[%add3A_36, %dma_wait3A_132] : memref<10240x128xf32, #tpu.memory_space<vmem_shared>> -> memref<128x128xf32, #tpu.memory_space<vmem_shared>>
      %dma_wait3A_134 = arith.constant 0 : i32
      %dma_wait3A_135 = tpu.memref_slice %arg11[%add3A_36, %dma_wait3A_134] : memref<10240x128xf32, #tpu.memory_space<vmem_shared>> -> memref<128x128xf32, #tpu.memory_space<vmem_shared>>
      %dma_wait3A_136 = arith.constant 0 : i32
      %dma_wait3A_137 = arith.constant 0 : i32
      %dma_wait3A_138 = tpu.memref_slice %arg8[%run_scoped3A_37, %dma_wait3A_136, %dma_wait3A_137] : memref<2x128x128xf32, #tpu.memory_space<vmem>> -> memref<1x128x128xf32, #tpu.memory_space<vmem>>
      %dma_wait3A_139 = tpu.memref_squeeze %dma_wait3A_138 : memref<1x128x128xf32, #tpu.memory_space<vmem>> -> memref<128x128xf32, #tpu.memory_space<vmem>>
      tpu.wait_dma2 semaphore(%run_scoped3A_115 : memref<!tpu.dma_semaphore, #tpu.memory_space<semaphore_mem>>) src(%dma_wait3A_139 : memref<128x128xf32, #tpu.memory_space<vmem>>) dst(%dma_wait3A_135 : memref<128x128xf32, #tpu.memory_space<vmem_shared>>)
      tpu.yield
    }) : () -> ()
    "tpu.region"() ({
      %run_scoped3A_115 = tpu.sem_alloc : memref<!tpu.dma_semaphore, #tpu.memory_space<semaphore_mem>>
      %dma_start3A_116 = tpu.memref_slice %arg12[%mul3A_23] : memref<10240xf32, #tpu.memory_space<vmem_shared>> -> memref<640xf32, #tpu.memory_space<vmem_shared>>
      %dma_start3A_117 = tpu.memref_slice %arg12[%mul3A_23] : memref<10240xf32, #tpu.memory_space<vmem_shared>> -> memref<640xf32, #tpu.memory_space<vmem_shared>>
      tpu.enqueue_dma source(%arg10 : memref<640xf32, #tpu.memory_space<vmem>>) target(%dma_start3A_117 : memref<640xf32, #tpu.memory_space<vmem_shared>>) target_semaphore(%run_scoped3A_115 : memref<!tpu.dma_semaphore, #tpu.memory_space<semaphore_mem>>)
      %dma_wait3A_118 = tpu.memref_slice %arg12[%mul3A_23] : memref<10240xf32, #tpu.memory_space<vmem_shared>> -> memref<640xf32, #tpu.memory_space<vmem_shared>>
      %dma_wait3A_119 = tpu.memref_slice %arg12[%mul3A_23] : memref<10240xf32, #tpu.memory_space<vmem_shared>> -> memref<640xf32, #tpu.memory_space<vmem_shared>>
      tpu.wait_dma2 semaphore(%run_scoped3A_115 : memref<!tpu.dma_semaphore, #tpu.memory_space<semaphore_mem>>) src(%arg10 : memref<640xf32, #tpu.memory_space<vmem>>) dst(%dma_wait3A_119 : memref<640xf32, #tpu.memory_space<vmem_shared>>)
      tpu.yield
    }) : () -> ()
    %barrier3A = arith.constant 0 : index
    tpu.barrier barrier_id(%barrier3A)
    %mul3A_38 = arith.constant 80 : i32
    %mul3A_39 = arith.muli %add3A, %mul3A_38 : i32
    %add3A_40 = arith.constant 0 : i32
    %add3A_41 = arith.addi %mul3A_39, %add3A_40 : i32
    "tpu.region"() ({
      %run_scoped3A_115 = tpu.sem_alloc : memref<!tpu.dma_semaphore, #tpu.memory_space<semaphore_mem>>
      %dma_start3A_116 = arith.constant 0 : i32
      %dma_start3A_117 = tpu.memref_slice %arg3[%add3A_41, %dma_start3A_116] : memref<2560x128xi32, #tpu.memory_space<hbm>> -> memref<40x128xi32, #tpu.memory_space<hbm>>
      %dma_start3A_118 = arith.constant 0 : i32
      %dma_start3A_119 = tpu.memref_slice %arg3[%add3A_41, %dma_start3A_118] : memref<2560x128xi32, #tpu.memory_space<hbm>> -> memref<40x128xi32, #tpu.memory_space<hbm>>
      tpu.enqueue_dma source(%dma_start3A_119 : memref<40x128xi32, #tpu.memory_space<hbm>>) target(%arg6 : memref<40x128xi32, #tpu.memory_space<vmem>>) target_semaphore(%run_scoped3A_115 : memref<!tpu.dma_semaphore, #tpu.memory_space<semaphore_mem>>)
      %dma_wait3A_120 = arith.constant 0 : i32
      %dma_wait3A_121 = tpu.memref_slice %arg3[%add3A_41, %dma_wait3A_120] : memref<2560x128xi32, #tpu.memory_space<hbm>> -> memref<40x128xi32, #tpu.memory_space<hbm>>
      %dma_wait3A_122 = arith.constant 0 : i32
      %dma_wait3A_123 = tpu.memref_slice %arg3[%add3A_41, %dma_wait3A_122] : memref<2560x128xi32, #tpu.memory_space<hbm>> -> memref<40x128xi32, #tpu.memory_space<hbm>>
      tpu.wait_dma2 semaphore(%run_scoped3A_115 : memref<!tpu.dma_semaphore, #tpu.memory_space<semaphore_mem>>) src(%dma_wait3A_123 : memref<40x128xi32, #tpu.memory_space<hbm>>) dst(%arg6 : memref<40x128xi32, #tpu.memory_space<vmem>>)
      tpu.yield
    }) : () -> ()
    %mul3A_42 = arith.constant 80 : i32
    %mul3A_43 = arith.muli %add3A, %mul3A_42 : i32
    %add3A_44 = arith.constant 0 : i32
    %add3A_45 = arith.addi %mul3A_43, %add3A_44 : i32
    "tpu.region"() ({
      %run_scoped3A_115 = tpu.sem_alloc : memref<!tpu.dma_semaphore, #tpu.memory_space<semaphore_mem>>
      %dma_start3A_116 = arith.constant 0 : i32
      %dma_start3A_117 = tpu.memref_slice %arg4[%add3A_45, %dma_start3A_116] : memref<2560x128xi32, #tpu.memory_space<hbm>> -> memref<40x128xi32, #tpu.memory_space<hbm>>
      %dma_start3A_118 = arith.constant 0 : i32
      %dma_start3A_119 = tpu.memref_slice %arg4[%add3A_45, %dma_start3A_118] : memref<2560x128xi32, #tpu.memory_space<hbm>> -> memref<40x128xi32, #tpu.memory_space<hbm>>
      tpu.enqueue_dma source(%dma_start3A_119 : memref<40x128xi32, #tpu.memory_space<hbm>>) target(%arg7 : memref<40x128xi32, #tpu.memory_space<vmem>>) target_semaphore(%run_scoped3A_115 : memref<!tpu.dma_semaphore, #tpu.memory_space<semaphore_mem>>)
      %dma_wait3A_120 = arith.constant 0 : i32
      %dma_wait3A_121 = tpu.memref_slice %arg4[%add3A_45, %dma_wait3A_120] : memref<2560x128xi32, #tpu.memory_space<hbm>> -> memref<40x128xi32, #tpu.memory_space<hbm>>
      %dma_wait3A_122 = arith.constant 0 : i32
      %dma_wait3A_123 = tpu.memref_slice %arg4[%add3A_45, %dma_wait3A_122] : memref<2560x128xi32, #tpu.memory_space<hbm>> -> memref<40x128xi32, #tpu.memory_space<hbm>>
      tpu.wait_dma2 semaphore(%run_scoped3A_115 : memref<!tpu.dma_semaphore, #tpu.memory_space<semaphore_mem>>) src(%dma_wait3A_123 : memref<40x128xi32, #tpu.memory_space<hbm>>) dst(%arg7 : memref<40x128xi32, #tpu.memory_space<vmem>>)
      tpu.yield
    }) : () -> ()
    %dma_start3A = arith.constant 0 : i32
    %dma_start3A_46 = arith.constant 0 : i32
    %dma_start3A_47 = arith.constant 0 : i32
    %dma_start3A_48 = arith.constant 0 : i32
    %dma_start3A_49 = tpu.memref_slice %arg8[%dma_start3A_46, %dma_start3A_47, %dma_start3A_48] : memref<2x128x128xf32, #tpu.memory_space<vmem>> -> memref<1x128x128xf32, #tpu.memory_space<vmem>>
    %dma_start3A_50 = tpu.memref_squeeze %dma_start3A_49 : memref<1x128x128xf32, #tpu.memory_space<vmem>> -> memref<128x128xf32, #tpu.memory_space<vmem>>
    %dma_start3A_51 = arith.constant 0 : i32
    %dma_start3A_52 = tpu.memref_slice %arg6[%dma_start3A, %dma_start3A_51] : memref<40x128xi32, #tpu.memory_space<vmem>> -> memref<1x128xi32, #tpu.memory_space<vmem>>
    %dma_start3A_53 = tpu.memref_squeeze %dma_start3A_52 : memref<1x128xi32, #tpu.memory_space<vmem>> -> memref<128xi32, #tpu.memory_space<vmem>>
    %dma_start3A_54 = arith.constant 0 : i32
    %dma_start3A_55 = arith.constant 0 : i32
    %dma_start3A_56 = tpu.memref_slice %arg2[%dma_start3A_54, %dma_start3A_55] : memref<10240x128xf32, #tpu.memory_space<hbm>> -> memref<10240x128xf32, #tpu.memory_space<hbm>>
    tpu.enqueue_indirect_dma source(%dma_start3A_56 : memref<10240x128xf32, #tpu.memory_space<hbm>>) target(%dma_start3A_50 : memref<128x128xf32, #tpu.memory_space<vmem>>) offsets(%dma_start3A_53 : memref<128xi32, #tpu.memory_space<vmem>>) semaphore(%arg13 : memref<!tpu.dma_semaphore, #tpu.memory_space<semaphore_mem>>)
    %scan3A_57 = arith.constant 0 : i32
    %scan3A_58 = arith.constant 0 : i32
    %scan3A_59 = arith.constant 20 : i32
    %scan3A_60 = arith.addi %scan3A_58, %scan3A_59 : i32
    %scan3A_61 = arith.constant 1 : i32
    %scan3A_62 = scf.for %scan3A_115 = %scan3A_58 to %scan3A_60 step %scan3A_61 iter_args(%scan3A_116 = %scan3A_57) -> (i32)  : i32 {
      %mul3A_117 = arith.constant 2 : i32
      %mul3A_118 = arith.muli %scan3A_115, %mul3A_117 : i32
      %add3A_119 = arith.constant 0 : i32
      %add3A_120 = arith.addi %mul3A_118, %add3A_119 : i32
      %dma_wait3A_121 = arith.constant 0 : i32
      %dma_wait3A_122 = arith.constant 0 : i32
      %dma_wait3A_123 = arith.constant 0 : i32
      %dma_wait3A_124 = tpu.memref_slice %arg8[%dma_wait3A_121, %dma_wait3A_122, %dma_wait3A_123] : memref<2x128x128xf32, #tpu.memory_space<vmem>> -> memref<1x128x128xf32, #tpu.memory_space<vmem>>
      %dma_wait3A_125 = tpu.memref_squeeze %dma_wait3A_124 : memref<1x128x128xf32, #tpu.memory_space<vmem>> -> memref<128x128xf32, #tpu.memory_space<vmem>>
      %dma_wait3A_126 = arith.constant 0 : i32
      %dma_wait3A_127 = tpu.memref_slice %arg6[%add3A_120, %dma_wait3A_126] : memref<40x128xi32, #tpu.memory_space<vmem>> -> memref<1x128xi32, #tpu.memory_space<vmem>>
      %dma_wait3A_128 = tpu.memref_squeeze %dma_wait3A_127 : memref<1x128xi32, #tpu.memory_space<vmem>> -> memref<128xi32, #tpu.memory_space<vmem>>
      %dma_wait3A_129 = arith.constant 0 : i32
      %dma_wait3A_130 = arith.constant 0 : i32
      %dma_wait3A_131 = tpu.memref_slice %arg2[%dma_wait3A_129, %dma_wait3A_130] : memref<10240x128xf32, #tpu.memory_space<hbm>> -> memref<10240x128xf32, #tpu.memory_space<hbm>>
      tpu.wait_indirect_dma semaphore(%arg13 : memref<!tpu.dma_semaphore, #tpu.memory_space<semaphore_mem>>) src(%dma_wait3A_131 : memref<10240x128xf32, #tpu.memory_space<hbm>>) dst(%dma_wait3A_125 : memref<128x128xf32, #tpu.memory_space<vmem>>)
      %ge3A = arith.constant 1 : i32
      %ge3A_132 = arith.cmpi sge, %add3A_120, %ge3A : i32
      %convert_element_type3A = arith.extui %ge3A_132 : i1 to i32
      %cond3A = arith.constant 0 : i32
      %cond3A_133 = arith.cmpi ne, %convert_element_type3A, %cond3A : i32
      scf.if %cond3A_133 {
        %sub3A = arith.constant 1 : i32
        %sub3A_188 = arith.subi %add3A_120, %sub3A : i32
        %dma_wait3A_189 = arith.constant 1 : i32
        %dma_wait3A_190 = arith.constant 0 : i32
        %dma_wait3A_191 = arith.constant 0 : i32
        %dma_wait3A_192 = tpu.memref_slice %arg8[%dma_wait3A_189, %dma_wait3A_190, %dma_wait3A_191] : memref<2x128x128xf32, #tpu.memory_space<vmem>> -> memref<1x128x128xf32, #tpu.memory_space<vmem>>
        %dma_wait3A_193 = tpu.memref_squeeze %dma_wait3A_192 : memref<1x128x128xf32, #tpu.memory_space<vmem>> -> memref<128x128xf32, #tpu.memory_space<vmem>>
        %dma_wait3A_194 = arith.constant 0 : i32
        %dma_wait3A_195 = tpu.memref_slice %arg7[%sub3A_188, %dma_wait3A_194] : memref<40x128xi32, #tpu.memory_space<vmem>> -> memref<1x128xi32, #tpu.memory_space<vmem>>
        %dma_wait3A_196 = tpu.memref_squeeze %dma_wait3A_195 : memref<1x128xi32, #tpu.memory_space<vmem>> -> memref<128xi32, #tpu.memory_space<vmem>>
        %dma_wait3A_197 = arith.constant 0 : i32
        %dma_wait3A_198 = arith.constant 0 : i32
        %dma_wait3A_199 = tpu.memref_slice %arg11[%dma_wait3A_197, %dma_wait3A_198] : memref<10240x128xf32, #tpu.memory_space<vmem_shared>> -> memref<10240x128xf32, #tpu.memory_space<vmem_shared>>
        tpu.wait_indirect_dma semaphore(%arg16 : memref<!tpu.dma_semaphore, #tpu.memory_space<semaphore_mem>>) src(%dma_wait3A_193 : memref<128x128xf32, #tpu.memory_space<vmem>>) dst(%dma_wait3A_199 : memref<10240x128xf32, #tpu.memory_space<vmem_shared>>)
      } else {
      }
      %dma_start3A_134 = arith.constant 0 : i32
      %dma_start3A_135 = arith.constant 0 : i32
      %dma_start3A_136 = arith.constant 0 : i32
      %dma_start3A_137 = tpu.memref_slice %arg8[%dma_start3A_134, %dma_start3A_135, %dma_start3A_136] : memref<2x128x128xf32, #tpu.memory_space<vmem>> -> memref<1x128x128xf32, #tpu.memory_space<vmem>>
      %dma_start3A_138 = tpu.memref_squeeze %dma_start3A_137 : memref<1x128x128xf32, #tpu.memory_space<vmem>> -> memref<128x128xf32, #tpu.memory_space<vmem>>
      %dma_start3A_139 = arith.constant 0 : i32
      %dma_start3A_140 = tpu.memref_slice %arg7[%add3A_120, %dma_start3A_139] : memref<40x128xi32, #tpu.memory_space<vmem>> -> memref<1x128xi32, #tpu.memory_space<vmem>>
      %dma_start3A_141 = tpu.memref_squeeze %dma_start3A_140 : memref<1x128xi32, #tpu.memory_space<vmem>> -> memref<128xi32, #tpu.memory_space<vmem>>
      %dma_start3A_142 = arith.constant 0 : i32
      %dma_start3A_143 = arith.constant 0 : i32
      %dma_start3A_144 = tpu.memref_slice %arg11[%dma_start3A_142, %dma_start3A_143] : memref<10240x128xf32, #tpu.memory_space<vmem_shared>> -> memref<10240x128xf32, #tpu.memory_space<vmem_shared>>
      tpu.enqueue_indirect_dma source(%dma_start3A_138 : memref<128x128xf32, #tpu.memory_space<vmem>>) target(%dma_start3A_144 : memref<10240x128xf32, #tpu.memory_space<vmem_shared>>) offsets(%dma_start3A_141 : memref<128xi32, #tpu.memory_space<vmem>>) semaphore(%arg15 : memref<!tpu.dma_semaphore, #tpu.memory_space<semaphore_mem>>) {add = true}
      %add3A_145 = arith.constant 1 : i32
      %add3A_146 = arith.addi %add3A_120, %add3A_145 : i32
      %lt3A = arith.constant 40 : i32
      %lt3A_147 = arith.cmpi slt, %add3A_146, %lt3A : i32
      %convert_element_type3A_148 = arith.extui %lt3A_147 : i1 to i32
      %cond3A_149 = arith.constant 0 : i32
      %cond3A_150 = arith.cmpi ne, %convert_element_type3A_148, %cond3A_149 : i32
      scf.if %cond3A_150 {
        %add3A_188 = arith.constant 1 : i32
        %add3A_189 = arith.addi %add3A_120, %add3A_188 : i32
        %dma_start3A_190 = arith.constant 1 : i32
        %dma_start3A_191 = arith.constant 0 : i32
        %dma_start3A_192 = arith.constant 0 : i32
        %dma_start3A_193 = tpu.memref_slice %arg8[%dma_start3A_190, %dma_start3A_191, %dma_start3A_192] : memref<2x128x128xf32, #tpu.memory_space<vmem>> -> memref<1x128x128xf32, #tpu.memory_space<vmem>>
        %dma_start3A_194 = tpu.memref_squeeze %dma_start3A_193 : memref<1x128x128xf32, #tpu.memory_space<vmem>> -> memref<128x128xf32, #tpu.memory_space<vmem>>
        %dma_start3A_195 = arith.constant 0 : i32
        %dma_start3A_196 = tpu.memref_slice %arg6[%add3A_189, %dma_start3A_195] : memref<40x128xi32, #tpu.memory_space<vmem>> -> memref<1x128xi32, #tpu.memory_space<vmem>>
        %dma_start3A_197 = tpu.memref_squeeze %dma_start3A_196 : memref<1x128xi32, #tpu.memory_space<vmem>> -> memref<128xi32, #tpu.memory_space<vmem>>
        %dma_start3A_198 = arith.constant 0 : i32
        %dma_start3A_199 = arith.constant 0 : i32
        %dma_start3A_200 = tpu.memref_slice %arg2[%dma_start3A_198, %dma_start3A_199] : memref<10240x128xf32, #tpu.memory_space<hbm>> -> memref<10240x128xf32, #tpu.memory_space<hbm>>
        tpu.enqueue_indirect_dma source(%dma_start3A_200 : memref<10240x128xf32, #tpu.memory_space<hbm>>) target(%dma_start3A_194 : memref<128x128xf32, #tpu.memory_space<vmem>>) offsets(%dma_start3A_197 : memref<128xi32, #tpu.memory_space<vmem>>) semaphore(%arg14 : memref<!tpu.dma_semaphore, #tpu.memory_space<semaphore_mem>>)
      } else {
      }
      %add3A_151 = arith.constant 1 : i32
      %add3A_152 = arith.addi %mul3A_118, %add3A_151 : i32
      %dma_wait3A_153 = arith.constant 1 : i32
      %dma_wait3A_154 = arith.constant 0 : i32
      %dma_wait3A_155 = arith.constant 0 : i32
      %dma_wait3A_156 = tpu.memref_slice %arg8[%dma_wait3A_153, %dma_wait3A_154, %dma_wait3A_155] : memref<2x128x128xf32, #tpu.memory_space<vmem>> -> memref<1x128x128xf32, #tpu.memory_space<vmem>>
      %dma_wait3A_157 = tpu.memref_squeeze %dma_wait3A_156 : memref<1x128x128xf32, #tpu.memory_space<vmem>> -> memref<128x128xf32, #tpu.memory_space<vmem>>
      %dma_wait3A_158 = arith.constant 0 : i32
      %dma_wait3A_159 = tpu.memref_slice %arg6[%add3A_152, %dma_wait3A_158] : memref<40x128xi32, #tpu.memory_space<vmem>> -> memref<1x128xi32, #tpu.memory_space<vmem>>
      %dma_wait3A_160 = tpu.memref_squeeze %dma_wait3A_159 : memref<1x128xi32, #tpu.memory_space<vmem>> -> memref<128xi32, #tpu.memory_space<vmem>>
      %dma_wait3A_161 = arith.constant 0 : i32
      %dma_wait3A_162 = arith.constant 0 : i32
      %dma_wait3A_163 = tpu.memref_slice %arg2[%dma_wait3A_161, %dma_wait3A_162] : memref<10240x128xf32, #tpu.memory_space<hbm>> -> memref<10240x128xf32, #tpu.memory_space<hbm>>
      tpu.wait_indirect_dma semaphore(%arg14 : memref<!tpu.dma_semaphore, #tpu.memory_space<semaphore_mem>>) src(%dma_wait3A_163 : memref<10240x128xf32, #tpu.memory_space<hbm>>) dst(%dma_wait3A_157 : memref<128x128xf32, #tpu.memory_space<vmem>>)
      %ge3A_164 = arith.constant 1 : i32
      %ge3A_165 = arith.cmpi sge, %add3A_152, %ge3A_164 : i32
      %convert_element_type3A_166 = arith.extui %ge3A_165 : i1 to i32
      %cond3A_167 = arith.constant 0 : i32
      %cond3A_168 = arith.cmpi ne, %convert_element_type3A_166, %cond3A_167 : i32
      scf.if %cond3A_168 {
        %sub3A = arith.constant 1 : i32
        %sub3A_188 = arith.subi %add3A_152, %sub3A : i32
        %dma_wait3A_189 = arith.constant 0 : i32
        %dma_wait3A_190 = arith.constant 0 : i32
        %dma_wait3A_191 = arith.constant 0 : i32
        %dma_wait3A_192 = tpu.memref_slice %arg8[%dma_wait3A_189, %dma_wait3A_190, %dma_wait3A_191] : memref<2x128x128xf32, #tpu.memory_space<vmem>> -> memref<1x128x128xf32, #tpu.memory_space<vmem>>
        %dma_wait3A_193 = tpu.memref_squeeze %dma_wait3A_192 : memref<1x128x128xf32, #tpu.memory_space<vmem>> -> memref<128x128xf32, #tpu.memory_space<vmem>>
        %dma_wait3A_194 = arith.constant 0 : i32
        %dma_wait3A_195 = tpu.memref_slice %arg7[%sub3A_188, %dma_wait3A_194] : memref<40x128xi32, #tpu.memory_space<vmem>> -> memref<1x128xi32, #tpu.memory_space<vmem>>
        %dma_wait3A_196 = tpu.memref_squeeze %dma_wait3A_195 : memref<1x128xi32, #tpu.memory_space<vmem>> -> memref<128xi32, #tpu.memory_space<vmem>>
        %dma_wait3A_197 = arith.constant 0 : i32
        %dma_wait3A_198 = arith.constant 0 : i32
        %dma_wait3A_199 = tpu.memref_slice %arg11[%dma_wait3A_197, %dma_wait3A_198] : memref<10240x128xf32, #tpu.memory_space<vmem_shared>> -> memref<10240x128xf32, #tpu.memory_space<vmem_shared>>
        tpu.wait_indirect_dma semaphore(%arg15 : memref<!tpu.dma_semaphore, #tpu.memory_space<semaphore_mem>>) src(%dma_wait3A_193 : memref<128x128xf32, #tpu.memory_space<vmem>>) dst(%dma_wait3A_199 : memref<10240x128xf32, #tpu.memory_space<vmem_shared>>)
      } else {
      }
      %dma_start3A_169 = arith.constant 1 : i32
      %dma_start3A_170 = arith.constant 0 : i32
      %dma_start3A_171 = arith.constant 0 : i32
      %dma_start3A_172 = tpu.memref_slice %arg8[%dma_start3A_169, %dma_start3A_170, %dma_start3A_171] : memref<2x128x128xf32, #tpu.memory_space<vmem>> -> memref<1x128x128xf32, #tpu.memory_space<vmem>>
      %dma_start3A_173 = tpu.memref_squeeze %dma_start3A_172 : memref<1x128x128xf32, #tpu.memory_space<vmem>> -> memref<128x128xf32, #tpu.memory_space<vmem>>
      %dma_start3A_174 = arith.constant 0 : i32
      %dma_start3A_175 = tpu.memref_slice %arg7[%add3A_152, %dma_start3A_174] : memref<40x128xi32, #tpu.memory_space<vmem>> -> memref<1x128xi32, #tpu.memory_space<vmem>>
      %dma_start3A_176 = tpu.memref_squeeze %dma_start3A_175 : memref<1x128xi32, #tpu.memory_space<vmem>> -> memref<128xi32, #tpu.memory_space<vmem>>
      %dma_start3A_177 = arith.constant 0 : i32
      %dma_start3A_178 = arith.constant 0 : i32
      %dma_start3A_179 = tpu.memref_slice %arg11[%dma_start3A_177, %dma_start3A_178] : memref<10240x128xf32, #tpu.memory_space<vmem_shared>> -> memref<10240x128xf32, #tpu.memory_space<vmem_shared>>
      tpu.enqueue_indirect_dma source(%dma_start3A_173 : memref<128x128xf32, #tpu.memory_space<vmem>>) target(%dma_start3A_179 : memref<10240x128xf32, #tpu.memory_space<vmem_shared>>) offsets(%dma_start3A_176 : memref<128xi32, #tpu.memory_space<vmem>>) semaphore(%arg16 : memref<!tpu.dma_semaphore, #tpu.memory_space<semaphore_mem>>) {add = true}
      %add3A_180 = arith.constant 1 : i32
      %add3A_181 = arith.addi %add3A_152, %add3A_180 : i32
      %lt3A_182 = arith.constant 40 : i32
      %lt3A_183 = arith.cmpi slt, %add3A_181, %lt3A_182 : i32
      %convert_element_type3A_184 = arith.extui %lt3A_183 : i1 to i32
      %cond3A_185 = arith.constant 0 : i32
      %cond3A_186 = arith.cmpi ne, %convert_element_type3A_184, %cond3A_185 : i32
      scf.if %cond3A_186 {
        %add3A_188 = arith.constant 1 : i32
        %add3A_189 = arith.addi %add3A_152, %add3A_188 : i32
        %dma_start3A_190 = arith.constant 0 : i32
        %dma_start3A_191 = arith.constant 0 : i32
        %dma_start3A_192 = arith.constant 0 : i32
        %dma_start3A_193 = tpu.memref_slice %arg8[%dma_start3A_190, %dma_start3A_191, %dma_start3A_192] : memref<2x128x128xf32, #tpu.memory_space<vmem>> -> memref<1x128x128xf32, #tpu.memory_space<vmem>>
        %dma_start3A_194 = tpu.memref_squeeze %dma_start3A_193 : memref<1x128x128xf32, #tpu.memory_space<vmem>> -> memref<128x128xf32, #tpu.memory_space<vmem>>
        %dma_start3A_195 = arith.constant 0 : i32
        %dma_start3A_196 = tpu.memref_slice %arg6[%add3A_189, %dma_start3A_195] : memref<40x128xi32, #tpu.memory_space<vmem>> -> memref<1x128xi32, #tpu.memory_space<vmem>>
        %dma_start3A_197 = tpu.memref_squeeze %dma_start3A_196 : memref<1x128xi32, #tpu.memory_space<vmem>> -> memref<128xi32, #tpu.memory_space<vmem>>
        %dma_start3A_198 = arith.constant 0 : i32
        %dma_start3A_199 = arith.constant 0 : i32
        %dma_start3A_200 = tpu.memref_slice %arg2[%dma_start3A_198, %dma_start3A_199] : memref<10240x128xf32, #tpu.memory_space<hbm>> -> memref<10240x128xf32, #tpu.memory_space<hbm>>
        tpu.enqueue_indirect_dma source(%dma_start3A_200 : memref<10240x128xf32, #tpu.memory_space<hbm>>) target(%dma_start3A_194 : memref<128x128xf32, #tpu.memory_space<vmem>>) offsets(%dma_start3A_197 : memref<128xi32, #tpu.memory_space<vmem>>) semaphore(%arg13 : memref<!tpu.dma_semaphore, #tpu.memory_space<semaphore_mem>>)
      } else {
      }
      %scan3A_187 = arith.constant 0 : i32
      scf.yield %scan3A_187 : i32
    }
    %scan3A_63 = arith.constant 20 : i32
    %dma_wait3A = arith.constant 1 : i32
    %dma_wait3A_64 = arith.constant 39 : i32
    %dma_wait3A_65 = arith.constant 0 : i32
    %dma_wait3A_66 = arith.constant 0 : i32
    %dma_wait3A_67 = tpu.memref_slice %arg8[%dma_wait3A, %dma_wait3A_65, %dma_wait3A_66] : memref<2x128x128xf32, #tpu.memory_space<vmem>> -> memref<1x128x128xf32, #tpu.memory_space<vmem>>
    %dma_wait3A_68 = tpu.memref_squeeze %dma_wait3A_67 : memref<1x128x128xf32, #tpu.memory_space<vmem>> -> memref<128x128xf32, #tpu.memory_space<vmem>>
    %dma_wait3A_69 = arith.constant 0 : i32
    %dma_wait3A_70 = tpu.memref_slice %arg7[%dma_wait3A_64, %dma_wait3A_69] : memref<40x128xi32, #tpu.memory_space<vmem>> -> memref<1x128xi32, #tpu.memory_space<vmem>>
    %dma_wait3A_71 = tpu.memref_squeeze %dma_wait3A_70 : memref<1x128xi32, #tpu.memory_space<vmem>> -> memref<128xi32, #tpu.memory_space<vmem>>
    %dma_wait3A_72 = arith.constant 0 : i32
    %dma_wait3A_73 = arith.constant 0 : i32
    %dma_wait3A_74 = tpu.memref_slice %arg11[%dma_wait3A_72, %dma_wait3A_73] : memref<10240x128xf32, #tpu.memory_space<vmem_shared>> -> memref<10240x128xf32, #tpu.memory_space<vmem_shared>>
    tpu.wait_indirect_dma semaphore(%arg16 : memref<!tpu.dma_semaphore, #tpu.memory_space<semaphore_mem>>) src(%dma_wait3A_68 : memref<128x128xf32, #tpu.memory_space<vmem>>) dst(%dma_wait3A_74 : memref<10240x128xf32, #tpu.memory_space<vmem_shared>>)
    %mul3A_75 = arith.constant 80 : i32
    %mul3A_76 = arith.muli %add3A, %mul3A_75 : i32
    %add3A_77 = arith.constant 40 : i32
    %add3A_78 = arith.addi %mul3A_76, %add3A_77 : i32
    "tpu.region"() ({
      %run_scoped3A_115 = tpu.sem_alloc : memref<!tpu.dma_semaphore, #tpu.memory_space<semaphore_mem>>
      %dma_start3A_116 = arith.constant 0 : i32
      %dma_start3A_117 = tpu.memref_slice %arg3[%add3A_78, %dma_start3A_116] : memref<2560x128xi32, #tpu.memory_space<hbm>> -> memref<40x128xi32, #tpu.memory_space<hbm>>
      %dma_start3A_118 = arith.constant 0 : i32
      %dma_start3A_119 = tpu.memref_slice %arg3[%add3A_78, %dma_start3A_118] : memref<2560x128xi32, #tpu.memory_space<hbm>> -> memref<40x128xi32, #tpu.memory_space<hbm>>
      tpu.enqueue_dma source(%dma_start3A_119 : memref<40x128xi32, #tpu.memory_space<hbm>>) target(%arg6 : memref<40x128xi32, #tpu.memory_space<vmem>>) target_semaphore(%run_scoped3A_115 : memref<!tpu.dma_semaphore, #tpu.memory_space<semaphore_mem>>)
      %dma_wait3A_120 = arith.constant 0 : i32
      %dma_wait3A_121 = tpu.memref_slice %arg3[%add3A_78, %dma_wait3A_120] : memref<2560x128xi32, #tpu.memory_space<hbm>> -> memref<40x128xi32, #tpu.memory_space<hbm>>
      %dma_wait3A_122 = arith.constant 0 : i32
      %dma_wait3A_123 = tpu.memref_slice %arg3[%add3A_78, %dma_wait3A_122] : memref<2560x128xi32, #tpu.memory_space<hbm>> -> memref<40x128xi32, #tpu.memory_space<hbm>>
      tpu.wait_dma2 semaphore(%run_scoped3A_115 : memref<!tpu.dma_semaphore, #tpu.memory_space<semaphore_mem>>) src(%dma_wait3A_123 : memref<40x128xi32, #tpu.memory_space<hbm>>) dst(%arg6 : memref<40x128xi32, #tpu.memory_space<vmem>>)
      tpu.yield
    }) : () -> ()
    %mul3A_79 = arith.constant 80 : i32
    %mul3A_80 = arith.muli %add3A, %mul3A_79 : i32
    %add3A_81 = arith.constant 40 : i32
    %add3A_82 = arith.addi %mul3A_80, %add3A_81 : i32
    "tpu.region"() ({
      %run_scoped3A_115 = tpu.sem_alloc : memref<!tpu.dma_semaphore, #tpu.memory_space<semaphore_mem>>
      %dma_start3A_116 = arith.constant 0 : i32
      %dma_start3A_117 = tpu.memref_slice %arg4[%add3A_82, %dma_start3A_116] : memref<2560x128xi32, #tpu.memory_space<hbm>> -> memref<40x128xi32, #tpu.memory_space<hbm>>
      %dma_start3A_118 = arith.constant 0 : i32
      %dma_start3A_119 = tpu.memref_slice %arg4[%add3A_82, %dma_start3A_118] : memref<2560x128xi32, #tpu.memory_space<hbm>> -> memref<40x128xi32, #tpu.memory_space<hbm>>
      tpu.enqueue_dma source(%dma_start3A_119 : memref<40x128xi32, #tpu.memory_space<hbm>>) target(%arg7 : memref<40x128xi32, #tpu.memory_space<vmem>>) target_semaphore(%run_scoped3A_115 : memref<!tpu.dma_semaphore, #tpu.memory_space<semaphore_mem>>)
      %dma_wait3A_120 = arith.constant 0 : i32
      %dma_wait3A_121 = tpu.memref_slice %arg4[%add3A_82, %dma_wait3A_120] : memref<2560x128xi32, #tpu.memory_space<hbm>> -> memref<40x128xi32, #tpu.memory_space<hbm>>
      %dma_wait3A_122 = arith.constant 0 : i32
      %dma_wait3A_123 = tpu.memref_slice %arg4[%add3A_82, %dma_wait3A_122] : memref<2560x128xi32, #tpu.memory_space<hbm>> -> memref<40x128xi32, #tpu.memory_space<hbm>>
      tpu.wait_dma2 semaphore(%run_scoped3A_115 : memref<!tpu.dma_semaphore, #tpu.memory_space<semaphore_mem>>) src(%dma_wait3A_123 : memref<40x128xi32, #tpu.memory_space<hbm>>) dst(%arg7 : memref<40x128xi32, #tpu.memory_space<vmem>>)
      tpu.yield
    }) : () -> ()
    %dma_start3A_83 = arith.constant 0 : i32
    %dma_start3A_84 = arith.constant 0 : i32
    %dma_start3A_85 = arith.constant 0 : i32
    %dma_start3A_86 = arith.constant 0 : i32
    %dma_start3A_87 = tpu.memref_slice %arg8[%dma_start3A_84, %dma_start3A_85, %dma_start3A_86] : memref<2x128x128xf32, #tpu.memory_space<vmem>> -> memref<1x128x128xf32, #tpu.memory_space<vmem>>
    %dma_start3A_88 = tpu.memref_squeeze %dma_start3A_87 : memref<1x128x128xf32, #tpu.memory_space<vmem>> -> memref<128x128xf32, #tpu.memory_space<vmem>>
    %dma_start3A_89 = arith.constant 0 : i32
    %dma_start3A_90 = tpu.memref_slice %arg6[%dma_start3A_83, %dma_start3A_89] : memref<40x128xi32, #tpu.memory_space<vmem>> -> memref<1x128xi32, #tpu.memory_space<vmem>>
    %dma_start3A_91 = tpu.memref_squeeze %dma_start3A_90 : memref<1x128xi32, #tpu.memory_space<vmem>> -> memref<128xi32, #tpu.memory_space<vmem>>
    %dma_start3A_92 = arith.constant 0 : i32
    %dma_start3A_93 = arith.constant 0 : i32
    %dma_start3A_94 = tpu.memref_slice %arg2[%dma_start3A_92, %dma_start3A_93] : memref<10240x128xf32, #tpu.memory_space<hbm>> -> memref<10240x128xf32, #tpu.memory_space<hbm>>
    tpu.enqueue_indirect_dma source(%dma_start3A_94 : memref<10240x128xf32, #tpu.memory_space<hbm>>) target(%dma_start3A_88 : memref<128x128xf32, #tpu.memory_space<vmem>>) offsets(%dma_start3A_91 : memref<128xi32, #tpu.memory_space<vmem>>) semaphore(%arg13 : memref<!tpu.dma_semaphore, #tpu.memory_space<semaphore_mem>>)
    %scan3A_95 = arith.constant 0 : i32
    %scan3A_96 = arith.constant 0 : i32
    %scan3A_97 = arith.constant 20 : i32
    %scan3A_98 = arith.addi %scan3A_96, %scan3A_97 : i32
    %scan3A_99 = arith.constant 1 : i32
    %scan3A_100 = scf.for %scan3A_115 = %scan3A_96 to %scan3A_98 step %scan3A_99 iter_args(%scan3A_116 = %scan3A_95) -> (i32)  : i32 {
      %mul3A_117 = arith.constant 2 : i32
      %mul3A_118 = arith.muli %scan3A_115, %mul3A_117 : i32
      %add3A_119 = arith.constant 0 : i32
      %add3A_120 = arith.addi %mul3A_118, %add3A_119 : i32
      %dma_wait3A_121 = arith.constant 0 : i32
      %dma_wait3A_122 = arith.constant 0 : i32
      %dma_wait3A_123 = arith.constant 0 : i32
      %dma_wait3A_124 = tpu.memref_slice %arg8[%dma_wait3A_121, %dma_wait3A_122, %dma_wait3A_123] : memref<2x128x128xf32, #tpu.memory_space<vmem>> -> memref<1x128x128xf32, #tpu.memory_space<vmem>>
      %dma_wait3A_125 = tpu.memref_squeeze %dma_wait3A_124 : memref<1x128x128xf32, #tpu.memory_space<vmem>> -> memref<128x128xf32, #tpu.memory_space<vmem>>
      %dma_wait3A_126 = arith.constant 0 : i32
      %dma_wait3A_127 = tpu.memref_slice %arg6[%add3A_120, %dma_wait3A_126] : memref<40x128xi32, #tpu.memory_space<vmem>> -> memref<1x128xi32, #tpu.memory_space<vmem>>
      %dma_wait3A_128 = tpu.memref_squeeze %dma_wait3A_127 : memref<1x128xi32, #tpu.memory_space<vmem>> -> memref<128xi32, #tpu.memory_space<vmem>>
      %dma_wait3A_129 = arith.constant 0 : i32
      %dma_wait3A_130 = arith.constant 0 : i32
      %dma_wait3A_131 = tpu.memref_slice %arg2[%dma_wait3A_129, %dma_wait3A_130] : memref<10240x128xf32, #tpu.memory_space<hbm>> -> memref<10240x128xf32, #tpu.memory_space<hbm>>
      tpu.wait_indirect_dma semaphore(%arg13 : memref<!tpu.dma_semaphore, #tpu.memory_space<semaphore_mem>>) src(%dma_wait3A_131 : memref<10240x128xf32, #tpu.memory_space<hbm>>) dst(%dma_wait3A_125 : memref<128x128xf32, #tpu.memory_space<vmem>>)
      %ge3A = arith.constant 1 : i32
      %ge3A_132 = arith.cmpi sge, %add3A_120, %ge3A : i32
      %convert_element_type3A = arith.extui %ge3A_132 : i1 to i32
      %cond3A = arith.constant 0 : i32
      %cond3A_133 = arith.cmpi ne, %convert_element_type3A, %cond3A : i32
      scf.if %cond3A_133 {
        %sub3A = arith.constant 1 : i32
        %sub3A_188 = arith.subi %add3A_120, %sub3A : i32
        %dma_wait3A_189 = arith.constant 1 : i32
        %dma_wait3A_190 = arith.constant 0 : i32
        %dma_wait3A_191 = arith.constant 0 : i32
        %dma_wait3A_192 = tpu.memref_slice %arg8[%dma_wait3A_189, %dma_wait3A_190, %dma_wait3A_191] : memref<2x128x128xf32, #tpu.memory_space<vmem>> -> memref<1x128x128xf32, #tpu.memory_space<vmem>>
        %dma_wait3A_193 = tpu.memref_squeeze %dma_wait3A_192 : memref<1x128x128xf32, #tpu.memory_space<vmem>> -> memref<128x128xf32, #tpu.memory_space<vmem>>
        %dma_wait3A_194 = arith.constant 0 : i32
        %dma_wait3A_195 = tpu.memref_slice %arg7[%sub3A_188, %dma_wait3A_194] : memref<40x128xi32, #tpu.memory_space<vmem>> -> memref<1x128xi32, #tpu.memory_space<vmem>>
        %dma_wait3A_196 = tpu.memref_squeeze %dma_wait3A_195 : memref<1x128xi32, #tpu.memory_space<vmem>> -> memref<128xi32, #tpu.memory_space<vmem>>
        %dma_wait3A_197 = arith.constant 0 : i32
        %dma_wait3A_198 = arith.constant 0 : i32
        %dma_wait3A_199 = tpu.memref_slice %arg11[%dma_wait3A_197, %dma_wait3A_198] : memref<10240x128xf32, #tpu.memory_space<vmem_shared>> -> memref<10240x128xf32, #tpu.memory_space<vmem_shared>>
        tpu.wait_indirect_dma semaphore(%arg16 : memref<!tpu.dma_semaphore, #tpu.memory_space<semaphore_mem>>) src(%dma_wait3A_193 : memref<128x128xf32, #tpu.memory_space<vmem>>) dst(%dma_wait3A_199 : memref<10240x128xf32, #tpu.memory_space<vmem_shared>>)
      } else {
      }
      %dma_start3A_134 = arith.constant 0 : i32
      %dma_start3A_135 = arith.constant 0 : i32
      %dma_start3A_136 = arith.constant 0 : i32
      %dma_start3A_137 = tpu.memref_slice %arg8[%dma_start3A_134, %dma_start3A_135, %dma_start3A_136] : memref<2x128x128xf32, #tpu.memory_space<vmem>> -> memref<1x128x128xf32, #tpu.memory_space<vmem>>
      %dma_start3A_138 = tpu.memref_squeeze %dma_start3A_137 : memref<1x128x128xf32, #tpu.memory_space<vmem>> -> memref<128x128xf32, #tpu.memory_space<vmem>>
      %dma_start3A_139 = arith.constant 0 : i32
      %dma_start3A_140 = tpu.memref_slice %arg7[%add3A_120, %dma_start3A_139] : memref<40x128xi32, #tpu.memory_space<vmem>> -> memref<1x128xi32, #tpu.memory_space<vmem>>
      %dma_start3A_141 = tpu.memref_squeeze %dma_start3A_140 : memref<1x128xi32, #tpu.memory_space<vmem>> -> memref<128xi32, #tpu.memory_space<vmem>>
      %dma_start3A_142 = arith.constant 0 : i32
      %dma_start3A_143 = arith.constant 0 : i32
      %dma_start3A_144 = tpu.memref_slice %arg11[%dma_start3A_142, %dma_start3A_143] : memref<10240x128xf32, #tpu.memory_space<vmem_shared>> -> memref<10240x128xf32, #tpu.memory_space<vmem_shared>>
      tpu.enqueue_indirect_dma source(%dma_start3A_138 : memref<128x128xf32, #tpu.memory_space<vmem>>) target(%dma_start3A_144 : memref<10240x128xf32, #tpu.memory_space<vmem_shared>>) offsets(%dma_start3A_141 : memref<128xi32, #tpu.memory_space<vmem>>) semaphore(%arg15 : memref<!tpu.dma_semaphore, #tpu.memory_space<semaphore_mem>>) {add = true}
      %add3A_145 = arith.constant 1 : i32
      %add3A_146 = arith.addi %add3A_120, %add3A_145 : i32
      %lt3A = arith.constant 40 : i32
      %lt3A_147 = arith.cmpi slt, %add3A_146, %lt3A : i32
      %convert_element_type3A_148 = arith.extui %lt3A_147 : i1 to i32
      %cond3A_149 = arith.constant 0 : i32
      %cond3A_150 = arith.cmpi ne, %convert_element_type3A_148, %cond3A_149 : i32
      scf.if %cond3A_150 {
        %add3A_188 = arith.constant 1 : i32
        %add3A_189 = arith.addi %add3A_120, %add3A_188 : i32
        %dma_start3A_190 = arith.constant 1 : i32
        %dma_start3A_191 = arith.constant 0 : i32
        %dma_start3A_192 = arith.constant 0 : i32
        %dma_start3A_193 = tpu.memref_slice %arg8[%dma_start3A_190, %dma_start3A_191, %dma_start3A_192] : memref<2x128x128xf32, #tpu.memory_space<vmem>> -> memref<1x128x128xf32, #tpu.memory_space<vmem>>
        %dma_start3A_194 = tpu.memref_squeeze %dma_start3A_193 : memref<1x128x128xf32, #tpu.memory_space<vmem>> -> memref<128x128xf32, #tpu.memory_space<vmem>>
        %dma_start3A_195 = arith.constant 0 : i32
        %dma_start3A_196 = tpu.memref_slice %arg6[%add3A_189, %dma_start3A_195] : memref<40x128xi32, #tpu.memory_space<vmem>> -> memref<1x128xi32, #tpu.memory_space<vmem>>
        %dma_start3A_197 = tpu.memref_squeeze %dma_start3A_196 : memref<1x128xi32, #tpu.memory_space<vmem>> -> memref<128xi32, #tpu.memory_space<vmem>>
        %dma_start3A_198 = arith.constant 0 : i32
        %dma_start3A_199 = arith.constant 0 : i32
        %dma_start3A_200 = tpu.memref_slice %arg2[%dma_start3A_198, %dma_start3A_199] : memref<10240x128xf32, #tpu.memory_space<hbm>> -> memref<10240x128xf32, #tpu.memory_space<hbm>>
        tpu.enqueue_indirect_dma source(%dma_start3A_200 : memref<10240x128xf32, #tpu.memory_space<hbm>>) target(%dma_start3A_194 : memref<128x128xf32, #tpu.memory_space<vmem>>) offsets(%dma_start3A_197 : memref<128xi32, #tpu.memory_space<vmem>>) semaphore(%arg14 : memref<!tpu.dma_semaphore, #tpu.memory_space<semaphore_mem>>)
      } else {
      }
      %add3A_151 = arith.constant 1 : i32
      %add3A_152 = arith.addi %mul3A_118, %add3A_151 : i32
      %dma_wait3A_153 = arith.constant 1 : i32
      %dma_wait3A_154 = arith.constant 0 : i32
      %dma_wait3A_155 = arith.constant 0 : i32
      %dma_wait3A_156 = tpu.memref_slice %arg8[%dma_wait3A_153, %dma_wait3A_154, %dma_wait3A_155] : memref<2x128x128xf32, #tpu.memory_space<vmem>> -> memref<1x128x128xf32, #tpu.memory_space<vmem>>
      %dma_wait3A_157 = tpu.memref_squeeze %dma_wait3A_156 : memref<1x128x128xf32, #tpu.memory_space<vmem>> -> memref<128x128xf32, #tpu.memory_space<vmem>>
      %dma_wait3A_158 = arith.constant 0 : i32
      %dma_wait3A_159 = tpu.memref_slice %arg6[%add3A_152, %dma_wait3A_158] : memref<40x128xi32, #tpu.memory_space<vmem>> -> memref<1x128xi32, #tpu.memory_space<vmem>>
      %dma_wait3A_160 = tpu.memref_squeeze %dma_wait3A_159 : memref<1x128xi32, #tpu.memory_space<vmem>> -> memref<128xi32, #tpu.memory_space<vmem>>
      %dma_wait3A_161 = arith.constant 0 : i32
      %dma_wait3A_162 = arith.constant 0 : i32
      %dma_wait3A_163 = tpu.memref_slice %arg2[%dma_wait3A_161, %dma_wait3A_162] : memref<10240x128xf32, #tpu.memory_space<hbm>> -> memref<10240x128xf32, #tpu.memory_space<hbm>>
      tpu.wait_indirect_dma semaphore(%arg14 : memref<!tpu.dma_semaphore, #tpu.memory_space<semaphore_mem>>) src(%dma_wait3A_163 : memref<10240x128xf32, #tpu.memory_space<hbm>>) dst(%dma_wait3A_157 : memref<128x128xf32, #tpu.memory_space<vmem>>)
      %ge3A_164 = arith.constant 1 : i32
      %ge3A_165 = arith.cmpi sge, %add3A_152, %ge3A_164 : i32
      %convert_element_type3A_166 = arith.extui %ge3A_165 : i1 to i32
      %cond3A_167 = arith.constant 0 : i32
      %cond3A_168 = arith.cmpi ne, %convert_element_type3A_166, %cond3A_167 : i32
      scf.if %cond3A_168 {
        %sub3A = arith.constant 1 : i32
        %sub3A_188 = arith.subi %add3A_152, %sub3A : i32
        %dma_wait3A_189 = arith.constant 0 : i32
        %dma_wait3A_190 = arith.constant 0 : i32
        %dma_wait3A_191 = arith.constant 0 : i32
        %dma_wait3A_192 = tpu.memref_slice %arg8[%dma_wait3A_189, %dma_wait3A_190, %dma_wait3A_191] : memref<2x128x128xf32, #tpu.memory_space<vmem>> -> memref<1x128x128xf32, #tpu.memory_space<vmem>>
        %dma_wait3A_193 = tpu.memref_squeeze %dma_wait3A_192 : memref<1x128x128xf32, #tpu.memory_space<vmem>> -> memref<128x128xf32, #tpu.memory_space<vmem>>
        %dma_wait3A_194 = arith.constant 0 : i32
        %dma_wait3A_195 = tpu.memref_slice %arg7[%sub3A_188, %dma_wait3A_194] : memref<40x128xi32, #tpu.memory_space<vmem>> -> memref<1x128xi32, #tpu.memory_space<vmem>>
        %dma_wait3A_196 = tpu.memref_squeeze %dma_wait3A_195 : memref<1x128xi32, #tpu.memory_space<vmem>> -> memref<128xi32, #tpu.memory_space<vmem>>
        %dma_wait3A_197 = arith.constant 0 : i32
        %dma_wait3A_198 = arith.constant 0 : i32
        %dma_wait3A_199 = tpu.memref_slice %arg11[%dma_wait3A_197, %dma_wait3A_198] : memref<10240x128xf32, #tpu.memory_space<vmem_shared>> -> memref<10240x128xf32, #tpu.memory_space<vmem_shared>>
        tpu.wait_indirect_dma semaphore(%arg15 : memref<!tpu.dma_semaphore, #tpu.memory_space<semaphore_mem>>) src(%dma_wait3A_193 : memref<128x128xf32, #tpu.memory_space<vmem>>) dst(%dma_wait3A_199 : memref<10240x128xf32, #tpu.memory_space<vmem_shared>>)
      } else {
      }
      %dma_start3A_169 = arith.constant 1 : i32
      %dma_start3A_170 = arith.constant 0 : i32
      %dma_start3A_171 = arith.constant 0 : i32
      %dma_start3A_172 = tpu.memref_slice %arg8[%dma_start3A_169, %dma_start3A_170, %dma_start3A_171] : memref<2x128x128xf32, #tpu.memory_space<vmem>> -> memref<1x128x128xf32, #tpu.memory_space<vmem>>
      %dma_start3A_173 = tpu.memref_squeeze %dma_start3A_172 : memref<1x128x128xf32, #tpu.memory_space<vmem>> -> memref<128x128xf32, #tpu.memory_space<vmem>>
      %dma_start3A_174 = arith.constant 0 : i32
      %dma_start3A_175 = tpu.memref_slice %arg7[%add3A_152, %dma_start3A_174] : memref<40x128xi32, #tpu.memory_space<vmem>> -> memref<1x128xi32, #tpu.memory_space<vmem>>
      %dma_start3A_176 = tpu.memref_squeeze %dma_start3A_175 : memref<1x128xi32, #tpu.memory_space<vmem>> -> memref<128xi32, #tpu.memory_space<vmem>>
      %dma_start3A_177 = arith.constant 0 : i32
      %dma_start3A_178 = arith.constant 0 : i32
      %dma_start3A_179 = tpu.memref_slice %arg11[%dma_start3A_177, %dma_start3A_178] : memref<10240x128xf32, #tpu.memory_space<vmem_shared>> -> memref<10240x128xf32, #tpu.memory_space<vmem_shared>>
      tpu.enqueue_indirect_dma source(%dma_start3A_173 : memref<128x128xf32, #tpu.memory_space<vmem>>) target(%dma_start3A_179 : memref<10240x128xf32, #tpu.memory_space<vmem_shared>>) offsets(%dma_start3A_176 : memref<128xi32, #tpu.memory_space<vmem>>) semaphore(%arg16 : memref<!tpu.dma_semaphore, #tpu.memory_space<semaphore_mem>>) {add = true}
      %add3A_180 = arith.constant 1 : i32
      %add3A_181 = arith.addi %add3A_152, %add3A_180 : i32
      %lt3A_182 = arith.constant 40 : i32
      %lt3A_183 = arith.cmpi slt, %add3A_181, %lt3A_182 : i32
      %convert_element_type3A_184 = arith.extui %lt3A_183 : i1 to i32
      %cond3A_185 = arith.constant 0 : i32
      %cond3A_186 = arith.cmpi ne, %convert_element_type3A_184, %cond3A_185 : i32
      scf.if %cond3A_186 {
        %add3A_188 = arith.constant 1 : i32
        %add3A_189 = arith.addi %add3A_152, %add3A_188 : i32
        %dma_start3A_190 = arith.constant 0 : i32
        %dma_start3A_191 = arith.constant 0 : i32
        %dma_start3A_192 = arith.constant 0 : i32
        %dma_start3A_193 = tpu.memref_slice %arg8[%dma_start3A_190, %dma_start3A_191, %dma_start3A_192] : memref<2x128x128xf32, #tpu.memory_space<vmem>> -> memref<1x128x128xf32, #tpu.memory_space<vmem>>
        %dma_start3A_194 = tpu.memref_squeeze %dma_start3A_193 : memref<1x128x128xf32, #tpu.memory_space<vmem>> -> memref<128x128xf32, #tpu.memory_space<vmem>>
        %dma_start3A_195 = arith.constant 0 : i32
        %dma_start3A_196 = tpu.memref_slice %arg6[%add3A_189, %dma_start3A_195] : memref<40x128xi32, #tpu.memory_space<vmem>> -> memref<1x128xi32, #tpu.memory_space<vmem>>
        %dma_start3A_197 = tpu.memref_squeeze %dma_start3A_196 : memref<1x128xi32, #tpu.memory_space<vmem>> -> memref<128xi32, #tpu.memory_space<vmem>>
        %dma_start3A_198 = arith.constant 0 : i32
        %dma_start3A_199 = arith.constant 0 : i32
        %dma_start3A_200 = tpu.memref_slice %arg2[%dma_start3A_198, %dma_start3A_199] : memref<10240x128xf32, #tpu.memory_space<hbm>> -> memref<10240x128xf32, #tpu.memory_space<hbm>>
        tpu.enqueue_indirect_dma source(%dma_start3A_200 : memref<10240x128xf32, #tpu.memory_space<hbm>>) target(%dma_start3A_194 : memref<128x128xf32, #tpu.memory_space<vmem>>) offsets(%dma_start3A_197 : memref<128xi32, #tpu.memory_space<vmem>>) semaphore(%arg13 : memref<!tpu.dma_semaphore, #tpu.memory_space<semaphore_mem>>)
      } else {
      }
      %scan3A_187 = arith.constant 0 : i32
      scf.yield %scan3A_187 : i32
    }
    %scan3A_101 = arith.constant 20 : i32
    %dma_wait3A_102 = arith.constant 1 : i32
    %dma_wait3A_103 = arith.constant 39 : i32
    %dma_wait3A_104 = arith.constant 0 : i32
    %dma_wait3A_105 = arith.constant 0 : i32
    %dma_wait3A_106 = tpu.memref_slice %arg8[%dma_wait3A_102, %dma_wait3A_104, %dma_wait3A_105] : memref<2x128x128xf32, #tpu.memory_space<vmem>> -> memref<1x128x128xf32, #tpu.memory_space<vmem>>
    %dma_wait3A_107 = tpu.memref_squeeze %dma_wait3A_106 : memref<1x128x128xf32, #tpu.memory_space<vmem>> -> memref<128x128xf32, #tpu.memory_space<vmem>>
    %dma_wait3A_108 = arith.constant 0 : i32
    %dma_wait3A_109 = tpu.memref_slice %arg7[%dma_wait3A_103, %dma_wait3A_108] : memref<40x128xi32, #tpu.memory_space<vmem>> -> memref<1x128xi32, #tpu.memory_space<vmem>>
    %dma_wait3A_110 = tpu.memref_squeeze %dma_wait3A_109 : memref<1x128xi32, #tpu.memory_space<vmem>> -> memref<128xi32, #tpu.memory_space<vmem>>
    %dma_wait3A_111 = arith.constant 0 : i32
    %dma_wait3A_112 = arith.constant 0 : i32
    %dma_wait3A_113 = tpu.memref_slice %arg11[%dma_wait3A_111, %dma_wait3A_112] : memref<10240x128xf32, #tpu.memory_space<vmem_shared>> -> memref<10240x128xf32, #tpu.memory_space<vmem_shared>>
    tpu.wait_indirect_dma semaphore(%arg16 : memref<!tpu.dma_semaphore, #tpu.memory_space<semaphore_mem>>) src(%dma_wait3A_107 : memref<128x128xf32, #tpu.memory_space<vmem>>) dst(%dma_wait3A_113 : memref<10240x128xf32, #tpu.memory_space<vmem_shared>>)
    %barrier3A_114 = arith.constant 0 : index
    tpu.barrier barrier_id(%barrier3A_114)
    "tpu.region"() ({
      %run_scoped3A_115 = tpu.sem_alloc : memref<!tpu.dma_semaphore, #tpu.memory_space<semaphore_mem>>
      %dma_start3A_116 = arith.constant 0 : i32
      %dma_start3A_117 = tpu.memref_slice %arg5[%arg0, %mul3A_23, %dma_start3A_116] : memref<2x10240x128xf32, #tpu.memory_space<hbm>> -> memref<1x640x128xf32, #tpu.memory_space<hbm>>
      %dma_start3A_118 = tpu.memref_squeeze %dma_start3A_117 : memref<1x640x128xf32, #tpu.memory_space<hbm>> -> memref<640x128xf32, #tpu.memory_space<hbm>>
      %dma_start3A_119 = arith.constant 0 : i32
      %dma_start3A_120 = tpu.memref_slice %arg11[%mul3A_23, %dma_start3A_119] : memref<10240x128xf32, #tpu.memory_space<vmem_shared>> -> memref<640x128xf32, #tpu.memory_space<vmem_shared>>
      tpu.enqueue_dma source(%dma_start3A_120 : memref<640x128xf32, #tpu.memory_space<vmem_shared>>) target(%dma_start3A_118 : memref<640x128xf32, #tpu.memory_space<hbm>>) target_semaphore(%run_scoped3A_115 : memref<!tpu.dma_semaphore, #tpu.memory_space<semaphore_mem>>)
      %dma_wait3A_121 = arith.constant 0 : i32
      %dma_wait3A_122 = tpu.memref_slice %arg5[%arg0, %mul3A_23, %dma_wait3A_121] : memref<2x10240x128xf32, #tpu.memory_space<hbm>> -> memref<1x640x128xf32, #tpu.memory_space<hbm>>
      %dma_wait3A_123 = tpu.memref_squeeze %dma_wait3A_122 : memref<1x640x128xf32, #tpu.memory_space<hbm>> -> memref<640x128xf32, #tpu.memory_space<hbm>>
      %dma_wait3A_124 = arith.constant 0 : i32
      %dma_wait3A_125 = tpu.memref_slice %arg11[%mul3A_23, %dma_wait3A_124] : memref<10240x128xf32, #tpu.memory_space<vmem_shared>> -> memref<640x128xf32, #tpu.memory_space<vmem_shared>>
      tpu.wait_dma2 semaphore(%run_scoped3A_115 : memref<!tpu.dma_semaphore, #tpu.memory_space<semaphore_mem>>) src(%dma_wait3A_125 : memref<640x128xf32, #tpu.memory_space<vmem_shared>>) dst(%dma_wait3A_123 : memref<640x128xf32, #tpu.memory_space<hbm>>)
      tpu.yield
    }) : () -> ()
    return
  }
}

module attributes {stable_mosaic.version = 14 : i64} {
  func.func @_tc_layer_body(%arg0: i32, %arg1: memref<2x1280x128xf32, #tpu.memory_space<vmem>>, %arg2: memref<2x1280xf32, #tpu.memory_space<vmem>>, %arg3: memref<1280x128xf32, #tpu.memory_space<vmem>>, %arg4: memref<128x128xf32, #tpu.memory_space<vmem>>, %arg5: memref<1x128xf32, #tpu.memory_space<vmem>>, %arg6: memref<128x128xf32, #tpu.memory_space<vmem>>, %arg7: memref<1280x128xf32, #tpu.memory_space<vmem>>) attributes {dimension_semantics = [#tpu.dimension_semantics<arbitrary>], iteration_bounds = array<i64: 8>, scalar_prefetch = 0 : i64, scratch_operands = 0 : i64, tpu.core_type = #tpu.core_type<tc>, window_params = [{transform_indices = @transform_0, window_bounds = array<i64: 2, 1280, 128>}, {transform_indices = @transform_1, window_bounds = array<i64: 2, 1280>}, {transform_indices = @transform_2, window_bounds = array<i64: 1280, 128>}, {pipeline_mode = #tpu.pipeline_mode<synchronous>, transform_indices = @transform_3, window_bounds = array<i64: 128, 128>}, {pipeline_mode = #tpu.pipeline_mode<synchronous>, transform_indices = @transform_4, window_bounds = array<i64: 1, 128>}, {pipeline_mode = #tpu.pipeline_mode<synchronous>, transform_indices = @transform_5, window_bounds = array<i64: 128, 128>}, {transform_indices = @transform_6, window_bounds = array<i64: 1280, 128>}]} {
    %get3A = arith.constant 0 : index
    %get3A_0 = arith.constant 0 : index
    %get3A_1 = arith.constant 0 : index
    %get3A_2 = vector.load %arg1[%get3A, %get3A_0, %get3A_1] : memref<2x1280x128xf32, #tpu.memory_space<vmem>>, vector<1x1280x128xf32>
    %get3A_3 = vector.shape_cast %get3A_2 : vector<1x1280x128xf32> to vector<1280x128xf32>
    %get3A_4 = arith.constant 1 : index
    %get3A_5 = arith.constant 0 : index
    %get3A_6 = arith.constant 0 : index
    %get3A_7 = vector.load %arg1[%get3A_4, %get3A_5, %get3A_6] : memref<2x1280x128xf32, #tpu.memory_space<vmem>>, vector<1x1280x128xf32>
    %get3A_8 = vector.shape_cast %get3A_7 : vector<1x1280x128xf32> to vector<1280x128xf32>
    %add3A = arith.addf %get3A_3, %get3A_8 : vector<1280x128xf32>
    %get3A_9 = arith.constant 0 : index
    %get3A_10 = arith.constant 0 : index
    %get3A_11 = vector.load %arg2[%get3A_9, %get3A_10] : memref<2x1280xf32, #tpu.memory_space<vmem>>, vector<1x1280xf32>
    %get3A_12 = vector.shape_cast %get3A_11 : vector<1x1280xf32> to vector<1280xf32>
    %get3A_13 = arith.constant 1 : index
    %get3A_14 = arith.constant 0 : index
    %get3A_15 = vector.load %arg2[%get3A_13, %get3A_14] : memref<2x1280xf32, #tpu.memory_space<vmem>>, vector<1x1280xf32>
    %get3A_16 = vector.shape_cast %get3A_15 : vector<1x1280xf32> to vector<1280xf32>
    %add3A_17 = arith.addf %get3A_12, %get3A_16 : vector<1280xf32>
    %max3A = arith.constant 1.000000e+00 : f32
    %max3A_18 = vector.broadcast %max3A : f32 to vector<1280xf32>
    %max3A_19 = arith.maximumf %add3A_17, %max3A_18 : vector<1280xf32>
    %div3A = arith.constant 1.000000e+00 : f32
    %div3A_20 = vector.broadcast %div3A : f32 to vector<1280xf32>
    %div3A_21 = arith.divf %div3A_20, %max3A_19 : vector<1280xf32>
    %broadcast_in_dim3A = vector.shape_cast %div3A_21 : vector<1280xf32> to vector<1280x1xf32>
    %mul3A = vector.broadcast %broadcast_in_dim3A : vector<1280x1xf32> to vector<1280x128xf32>
    %mul3A_22 = arith.mulf %add3A, %mul3A : vector<1280x128xf32>
    %get3A_23 = arith.constant 0 : index
    %get3A_24 = arith.constant 0 : index
    %get3A_25 = vector.load %arg4[%get3A_23, %get3A_24] : memref<128x128xf32, #tpu.memory_space<vmem>>, vector<128x128xf32>
    %dot_general3A = arith.constant dense<0.000000e+00> : vector<1280x128xf32>
    %dot_general3A_26 = tpu.matmul %mul3A_22, %get3A_25, %dot_general3A {dimension_numbers = #tpu.dot_dimension_numbers<[1], [0], [0], [1], [0, 0, 1, 1], [], []>, transpose_lhs_hint = false} : vector<1280x128xf32>, vector<128x128xf32>, vector<1280x128xf32> -> vector<1280x128xf32>
    %get3A_27 = arith.constant 0 : index
    %get3A_28 = arith.constant 0 : index
    %get3A_29 = vector.load %arg5[%get3A_27, %get3A_28] : memref<1x128xf32, #tpu.memory_space<vmem>>, vector<1x128xf32>
    %add3A_30 = vector.broadcast %get3A_29 : vector<1x128xf32> to vector<1280x128xf32>
    %add3A_31 = arith.addf %dot_general3A_26, %add3A_30 : vector<1280x128xf32>
    %get3A_32 = arith.constant 0 : index
    %get3A_33 = arith.constant 0 : index
    %get3A_34 = vector.load %arg3[%get3A_32, %get3A_33] : memref<1280x128xf32, #tpu.memory_space<vmem>>, vector<1280x128xf32>
    %get3A_35 = arith.constant 0 : index
    %get3A_36 = arith.constant 0 : index
    %get3A_37 = vector.load %arg6[%get3A_35, %get3A_36] : memref<128x128xf32, #tpu.memory_space<vmem>>, vector<128x128xf32>
    %dot_general3A_38 = arith.constant dense<0.000000e+00> : vector<1280x128xf32>
    %dot_general3A_39 = tpu.matmul %get3A_34, %get3A_37, %dot_general3A_38 {dimension_numbers = #tpu.dot_dimension_numbers<[1], [0], [0], [1], [0, 0, 1, 1], [], []>, transpose_lhs_hint = false} : vector<1280x128xf32>, vector<128x128xf32>, vector<1280x128xf32> -> vector<1280x128xf32>
    %add3A_40 = arith.addf %add3A_31, %dot_general3A_39 : vector<1280x128xf32>
    %max3A_41 = arith.constant 0.000000e+00 : f32
    %max3A_42 = vector.broadcast %max3A_41 : f32 to vector<1280x128xf32>
    %max3A_43 = arith.maximumf %add3A_40, %max3A_42 : vector<1280x128xf32>
    %swap3A = arith.constant 0 : index
    %swap3A_44 = arith.constant 0 : index
    %swap3A_45 = vector.load %arg7[%swap3A, %swap3A_44] : memref<1280x128xf32, #tpu.memory_space<vmem>>, vector<1280x128xf32>
    tpu.vector_store %arg7[%swap3A, %swap3A_44], %max3A_43 {strides = array<i32>} : memref<1280x128xf32, #tpu.memory_space<vmem>>, vector<1280x128xf32>,
    return
  }
  func.func @transform_0(%arg0: i32) -> (i32, i32, i32) {
    %c0_i32 = arith.constant 0 : i32
    %c0_i32_0 = arith.constant 0 : i32
    %c0_i32_1 = arith.constant 0 : i32
    return %c0_i32, %arg0, %c0_i32_0 : i32, i32, i32
  }
  func.func @transform_1(%arg0: i32) -> (i32, i32) {
    %c0_i32 = arith.constant 0 : i32
    %c0_i32_0 = arith.constant 0 : i32
    return %c0_i32, %arg0 : i32, i32
  }
  func.func @transform_2(%arg0: i32) -> (i32, i32) {
    %c0_i32 = arith.constant 0 : i32
    %c0_i32_0 = arith.constant 0 : i32
    return %arg0, %c0_i32 : i32, i32
  }
  func.func @transform_3(%arg0: i32) -> (i32, i32) {
    %c0_i32 = arith.constant 0 : i32
    %c0_i32_0 = arith.constant 0 : i32
    %c0_i32_1 = arith.constant 0 : i32
    return %c0_i32, %c0_i32_0 : i32, i32
  }
  func.func @transform_4(%arg0: i32) -> (i32, i32) {
    %c0_i32 = arith.constant 0 : i32
    %c0_i32_0 = arith.constant 0 : i32
    %c0_i32_1 = arith.constant 0 : i32
    return %c0_i32, %c0_i32_0 : i32, i32
  }
  func.func @transform_5(%arg0: i32) -> (i32, i32) {
    %c0_i32 = arith.constant 0 : i32
    %c0_i32_0 = arith.constant 0 : i32
    %c0_i32_1 = arith.constant 0 : i32
    return %c0_i32, %c0_i32_0 : i32, i32
  }
  func.func @transform_6(%arg0: i32) -> (i32, i32) {
    %c0_i32 = arith.constant 0 : i32
    %c0_i32_0 = arith.constant 0 : i32
    return %arg0, %c0_i32 : i32, i32
  }
}

module attributes {stable_mosaic.version = 14 : i64} {
  func.func @_tc_layer_body(%arg0: i32, %arg1: memref<2x1280x128xf32, #tpu.memory_space<vmem>>, %arg2: memref<2x1280xf32, #tpu.memory_space<vmem>>, %arg3: memref<1280x128xf32, #tpu.memory_space<vmem>>, %arg4: memref<128x128xf32, #tpu.memory_space<vmem>>, %arg5: memref<1x128xf32, #tpu.memory_space<vmem>>, %arg6: memref<128x128xf32, #tpu.memory_space<vmem>>, %arg7: memref<1280x128xf32, #tpu.memory_space<vmem>>) attributes {dimension_semantics = [#tpu.dimension_semantics<arbitrary>], iteration_bounds = array<i64: 8>, scalar_prefetch = 0 : i64, scratch_operands = 0 : i64, tpu.core_type = #tpu.core_type<tc>, window_params = [{transform_indices = @transform_0, window_bounds = array<i64: 2, 1280, 128>}, {transform_indices = @transform_1, window_bounds = array<i64: 2, 1280>}, {transform_indices = @transform_2, window_bounds = array<i64: 1280, 128>}, {pipeline_mode = #tpu.pipeline_mode<synchronous>, transform_indices = @transform_3, window_bounds = array<i64: 128, 128>}, {pipeline_mode = #tpu.pipeline_mode<synchronous>, transform_indices = @transform_4, window_bounds = array<i64: 1, 128>}, {pipeline_mode = #tpu.pipeline_mode<synchronous>, transform_indices = @transform_5, window_bounds = array<i64: 128, 128>}, {transform_indices = @transform_6, window_bounds = array<i64: 1280, 128>}]} {
    %get3A = arith.constant 0 : index
    %get3A_0 = arith.constant 0 : index
    %get3A_1 = arith.constant 0 : index
    %get3A_2 = vector.load %arg1[%get3A, %get3A_0, %get3A_1] : memref<2x1280x128xf32, #tpu.memory_space<vmem>>, vector<1x1280x128xf32>
    %get3A_3 = vector.shape_cast %get3A_2 : vector<1x1280x128xf32> to vector<1280x128xf32>
    %get3A_4 = arith.constant 1 : index
    %get3A_5 = arith.constant 0 : index
    %get3A_6 = arith.constant 0 : index
    %get3A_7 = vector.load %arg1[%get3A_4, %get3A_5, %get3A_6] : memref<2x1280x128xf32, #tpu.memory_space<vmem>>, vector<1x1280x128xf32>
    %get3A_8 = vector.shape_cast %get3A_7 : vector<1x1280x128xf32> to vector<1280x128xf32>
    %add3A = arith.addf %get3A_3, %get3A_8 : vector<1280x128xf32>
    %get3A_9 = arith.constant 0 : index
    %get3A_10 = arith.constant 0 : index
    %get3A_11 = vector.load %arg2[%get3A_9, %get3A_10] : memref<2x1280xf32, #tpu.memory_space<vmem>>, vector<1x1280xf32>
    %get3A_12 = vector.shape_cast %get3A_11 : vector<1x1280xf32> to vector<1280xf32>
    %get3A_13 = arith.constant 1 : index
    %get3A_14 = arith.constant 0 : index
    %get3A_15 = vector.load %arg2[%get3A_13, %get3A_14] : memref<2x1280xf32, #tpu.memory_space<vmem>>, vector<1x1280xf32>
    %get3A_16 = vector.shape_cast %get3A_15 : vector<1x1280xf32> to vector<1280xf32>
    %add3A_17 = arith.addf %get3A_12, %get3A_16 : vector<1280xf32>
    %max3A = arith.constant 1.000000e+00 : f32
    %max3A_18 = vector.broadcast %max3A : f32 to vector<1280xf32>
    %max3A_19 = arith.maximumf %add3A_17, %max3A_18 : vector<1280xf32>
    %div3A = arith.constant 1.000000e+00 : f32
    %div3A_20 = vector.broadcast %div3A : f32 to vector<1280xf32>
    %div3A_21 = arith.divf %div3A_20, %max3A_19 : vector<1280xf32>
    %broadcast_in_dim3A = vector.shape_cast %div3A_21 : vector<1280xf32> to vector<1280x1xf32>
    %mul3A = vector.broadcast %broadcast_in_dim3A : vector<1280x1xf32> to vector<1280x128xf32>
    %mul3A_22 = arith.mulf %add3A, %mul3A : vector<1280x128xf32>
    %get3A_23 = arith.constant 0 : index
    %get3A_24 = arith.constant 0 : index
    %get3A_25 = vector.load %arg4[%get3A_23, %get3A_24] : memref<128x128xf32, #tpu.memory_space<vmem>>, vector<128x128xf32>
    %dot_general3A = arith.constant dense<0.000000e+00> : vector<1280x128xf32>
    %dot_general3A_26 = tpu.matmul %mul3A_22, %get3A_25, %dot_general3A {dimension_numbers = #tpu.dot_dimension_numbers<[1], [0], [0], [1], [0, 0, 1, 1], [], []>, transpose_lhs_hint = false} : vector<1280x128xf32>, vector<128x128xf32>, vector<1280x128xf32> -> vector<1280x128xf32>
    %get3A_27 = arith.constant 0 : index
    %get3A_28 = arith.constant 0 : index
    %get3A_29 = vector.load %arg5[%get3A_27, %get3A_28] : memref<1x128xf32, #tpu.memory_space<vmem>>, vector<1x128xf32>
    %add3A_30 = vector.broadcast %get3A_29 : vector<1x128xf32> to vector<1280x128xf32>
    %add3A_31 = arith.addf %dot_general3A_26, %add3A_30 : vector<1280x128xf32>
    %get3A_32 = arith.constant 0 : index
    %get3A_33 = arith.constant 0 : index
    %get3A_34 = vector.load %arg3[%get3A_32, %get3A_33] : memref<1280x128xf32, #tpu.memory_space<vmem>>, vector<1280x128xf32>
    %get3A_35 = arith.constant 0 : index
    %get3A_36 = arith.constant 0 : index
    %get3A_37 = vector.load %arg6[%get3A_35, %get3A_36] : memref<128x128xf32, #tpu.memory_space<vmem>>, vector<128x128xf32>
    %dot_general3A_38 = arith.constant dense<0.000000e+00> : vector<1280x128xf32>
    %dot_general3A_39 = tpu.matmul %get3A_34, %get3A_37, %dot_general3A_38 {dimension_numbers = #tpu.dot_dimension_numbers<[1], [0], [0], [1], [0, 0, 1, 1], [], []>, transpose_lhs_hint = false} : vector<1280x128xf32>, vector<128x128xf32>, vector<1280x128xf32> -> vector<1280x128xf32>
    %add3A_40 = arith.addf %add3A_31, %dot_general3A_39 : vector<1280x128xf32>
    %swap3A = arith.constant 0 : index
    %swap3A_41 = arith.constant 0 : index
    %swap3A_42 = vector.load %arg7[%swap3A, %swap3A_41] : memref<1280x128xf32, #tpu.memory_space<vmem>>, vector<1280x128xf32>
    tpu.vector_store %arg7[%swap3A, %swap3A_41], %add3A_40 {strides = array<i32>} : memref<1280x128xf32, #tpu.memory_space<vmem>>, vector<1280x128xf32>,
    return
  }
  func.func @transform_0(%arg0: i32) -> (i32, i32, i32) {
    %c0_i32 = arith.constant 0 : i32
    %c0_i32_0 = arith.constant 0 : i32
    %c0_i32_1 = arith.constant 0 : i32
    return %c0_i32, %arg0, %c0_i32_0 : i32, i32, i32
  }
  func.func @transform_1(%arg0: i32) -> (i32, i32) {
    %c0_i32 = arith.constant 0 : i32
    %c0_i32_0 = arith.constant 0 : i32
    return %c0_i32, %arg0 : i32, i32
  }
  func.func @transform_2(%arg0: i32) -> (i32, i32) {
    %c0_i32 = arith.constant 0 : i32
    %c0_i32_0 = arith.constant 0 : i32
    return %arg0, %c0_i32 : i32, i32
  }
  func.func @transform_3(%arg0: i32) -> (i32, i32) {
    %c0_i32 = arith.constant 0 : i32
    %c0_i32_0 = arith.constant 0 : i32
    %c0_i32_1 = arith.constant 0 : i32
    return %c0_i32, %c0_i32_0 : i32, i32
  }
  func.func @transform_4(%arg0: i32) -> (i32, i32) {
    %c0_i32 = arith.constant 0 : i32
    %c0_i32_0 = arith.constant 0 : i32
    %c0_i32_1 = arith.constant 0 : i32
    return %c0_i32, %c0_i32_0 : i32, i32
  }
  func.func @transform_5(%arg0: i32) -> (i32, i32) {
    %c0_i32 = arith.constant 0 : i32
    %c0_i32_0 = arith.constant 0 : i32
    %c0_i32_1 = arith.constant 0 : i32
    return %c0_i32, %c0_i32_0 : i32, i32
  }
  func.func @transform_6(%arg0: i32) -> (i32, i32) {
    %c0_i32 = arith.constant 0 : i32
    %c0_i32_0 = arith.constant 0 : i32
    return %arg0, %c0_i32 : i32, i32
  }
}

</mosaic_0001>

<sc_bundles>
// kernel: kernel.6.cloned.1.call-start
scs
__scs_entry_jumppad:
0x0: {  	(pc) =	sbr.rel $0x88, $3  }
0x1: {  	(tag) =	ssettag $0x0;
	lr =	simm.s32 $0x1  }
0x2: {  	[smem:$0x3F99] =	sst lr;
	_ =	strace $0xD0000000  }
0x3: {  	_ = 	snop  }
0x4: {  	_ = 	snop  }
0x5: {  	_ = 	snop  }
0x6: {  	_ = 	snop  }
0x7: {  	_ = 	snop  }
__scs_overlays_trampoline_lowered:
0x8: {  	[smem:$0x3FA8] =	sst s0  }
0x9: {  	[smem:$0x3FA9] =	sst s1  }
0xa: {  	[smem:$0x3FAA] =	sst s2  }
0xb: {  	[smem:$0x3FAB] =	sst s3  }
0xc: {  	[smem:$0x3FAC] =	sst s4  }
0xd: {  	[smem:$0x3FAD] =	sst s5  }
0xe: {  	[smem:$0x3FAE] =	sst s6  }
0xf: {  	[smem:$0x3FAF] =	sst s7  }
0x10: {  	[smem:$0x3FB0] =	sst s8  }
0x11: {  	[smem:$0x3FB1] =	sst s9;
	s0 =	simm.s32 @!p0 $0x0  }
0x12: {  	s1 =	sld [smem:$0x3F97];
	s0 =	simm.s32 @p0 $0x1  }
0x13: {  	[smem:$0x3FB2] =	sst s0;
	s0 =	simm.s32 @!p1 $0x0  }
0x14: {  	s2 =	sld [smem:$0x3F96];
	s0 =	simm.s32 @p1 $0x1  }
0x15: {  	[smem:$0x3FB3] =	sst s0;
	s0 =	simm.s32 @!p2 $0x0  }
0x16: {  	s3 =	sld [smem:$0x3FDB];
	s0 =	simm.s32 @p2 $0x1  }
0x17: {  	s4 =	simm.s32 $0x1BF5;
	[smem:$0x3FB5] =	sst s0  }
0x18: {  	s0 =	sld [smem:$0x3F98];
	_ =	swait.ge [sflag:s4], $0x0  }
0x19: {  	s7 =	sld [smem:$0x3F99]  }
0x1a: {  	s8 =	sadd.s32 $0xFFFFE003, lr  }
0x1b: {  	s9 =	sadd.s32 $0xFFFFFEF7, lr;
	s5 =	simm.s32 $0xFFFFFFFF;
	p2 =	slt.u32 s8, $0xFFFFF086  }
0x1c: {  	p1 =	slt.u32 s9, $0xF7A;
	s5 =	simm.s32 @!p2 $0x0  }
0x1d: {  	s5 =	simm.s32 @p1 $0x1;
	p0 =	seq.s32 s7, s2  }
0x1e: {  	s7 =	smul.u32 @!p0 $0xF7A, s2;
	p2 =	seq.s32 @!p0 s5, $0x0  }
0x1f: {  	s9 =	smul.u32 $0xF7A, s1;
	s8 =	simm.s32 @!p0 $0x1BF5;
	p2 =	por !p2, p0  }
0x20: {  	[sflag:s8] =	ssyncset.s32 @!p0 $0xFFFFF086;
	s6 =	sadd.s32 @!p0 s3, s7;
	s7 =	simm.s32 @!p0 $0x108  }
0x21: {  	s3 =	sadd.s32 s3, s9;
	s6 =	sadd.s32 @!p0 $0x88, s6;
	s7 =	simm.s32 @p2 $0x1082  }
0x22: {  	[simem:s7], [sflag:s8] =	dma.local @!p0 [hbm:s6], $0xF7A  }
0x23: {  	s9 =	sor.u32 $0xD0000000, s2;
	s6 =	simm.s32 $0x108;
	_ =	swait.ge @!p0 [sflag:s8], $0x0  }
0x24: {  	s3 =	sadd.s32 $0x88, s3;
	s6 =	simm.s32 @!p1 $0x1082;
	[sflag:s4] =	ssyncset.s32 $0xFFFFF086  }
0x25: {  	[simem:s6], [sflag:s4] =	dma.local [hbm:s3], $0xF7A  }
0x26: {  	[smem:$0x3F99] =	sst s1;
	(tag) =	ssettag s2;
	_ =	strace s9  }
0x27: {  	s1 =	sld [smem:$0x3FA9]  }
0x28: {  	s2 =	sld [smem:$0x3FAA]  }
0x29: {  	s4 =	sld [smem:$0x3FAC]  }
0x2a: {  	p0 =	seq.s32 s5, $0x0;
	s5 =	sld [smem:$0x3FAD]  }
0x2b: {  	s6 =	sld [smem:$0x3FAE]  }
0x2c: {  	s7 =	sld [smem:$0x3FAF]  }
0x2d: {  	s3 =	simm.s32 $0x108;
	s8 =	sld [smem:$0x3FB0]  }
0x2e: {  	s3 =	simm.s32 @!p0 $0x1082;
	s9 =	sld [smem:$0x3FB1]  }
0x2f: {  	lr =	sadd.s32 s0, s3;
	s0 =	sld [smem:$0x3FA8]  }
0x30: {  	s3 =	sld [smem:$0x3FAB]  }
0x31: {  	[smem:$0x3FB4] =	sst s10  }
0x32: {  	s10 =	sld [smem:$0x3FB2];
	_ =	sdelay $0x3  }
0x33: {  	p0 =	seq.s32 s10, $0x1;
	s10 =	sld [smem:$0x3FB4];
	_ =	sdelay $0x3  }
0x34: {  	[smem:$0x3FB4] =	sst s10  }
0x35: {  	s10 =	sld [smem:$0x3FB3];
	_ =	sdelay $0x3  }
0x36: {  	p1 =	seq.s32 s10, $0x1;
	s10 =	sld [smem:$0x3FB4];
	_ =	sdelay $0x3  }
0x37: {  	[smem:$0x3FB4] =	sst s10  }
0x38: {  	s10 =	sld [smem:$0x3FB5]  }
0x39: {  	_ = 	snop;
	(pc) =	sbr.ind lr, $3  }
0x3a: {  	_ = 	snop  }
0x3b: {  	_ = 	snop  }
0x3c: {  	p2 =	seq.s32 s10, $0x1;
	s10 =	sld [smem:$0x3FB4]  }
0x3d: {  	_ =	shalt  }
0x3e: {  	_ =	shalt  }
0x3f: {  	_ =	shalt  }
0x40: {  	_ =	shalt  }
0x41: {  	_ =	shalt  }
0x42: {  	_ =	shalt  }
0x43: {  	_ =	shalt  }
0x44: {  	_ =	shalt  }
0x45: {  	_ =	shalt  }
0x46: {  	_ =	shalt  }
0x47: {  	_ =	shalt  }
0x48: {  	_ =	shalt  }
0x49: {  	_ =	shalt  }
0x4a: {  	_ =	shalt  }
0x4b: {  	_ =	shalt  }
0x4c: {  	_ =	shalt  }
0x4d: {  	_ =	shalt  }
0x4e: {  	_ =	shalt  }
0x4f: {  	_ =	shalt  }
0x50: {  	_ =	shalt  }
0x51: {  	_ =	shalt  }
0x52: {  	_ =	shalt  }
0x53: {  	_ =	shalt  }
0x54: {  	_ =	shalt  }
0x55: {  	_ =	shalt  }
0x56: {  	_ =	shalt  }
0x57: {  	_ =	shalt  }
0x58: {  	_ =	shalt  }
0x59: {  	_ =	shalt  }
0x5a: {  	_ =	shalt  }
0x5b: {  	_ =	shalt  }
0x5c: {  	_ =	shalt  }
0x5d: {  	_ =	shalt  }
0x5e: {  	_ =	shalt  }
0x5f: {  	_ =	shalt  }
0x60: {  	_ =	shalt  }
0x61: {  	_ =	shalt  }
0x62: {  	_ =	shalt  }
0x63: {  	_ =	shalt  }
0x64: {  	_ =	shalt  }
0x65: {  	_ =	shalt  }
0x66: {  	_ =	shalt  }
0x67: {  	_ =	shalt  }
0x68: {  	_ =	shalt  }
0x69: {  	_ =	shalt  }
0x6a: {  	_ =	shalt  }
0x6b: {  	_ =	shalt  }
0x6c: {  	_ =	shalt  }
0x6d: {  	_ =	shalt  }
0x6e: {  	_ =	shalt  }
0x6f: {  	_ =	shalt  }
0x70: {  	_ =	shalt  }
0x71: {  	_ =	shalt  }
0x72: {  	_ =	shalt  }
0x73: {  	_ =	shalt  }
0x74: {  	_ =	shalt  }
0x75: {  	_ =	shalt  }
0x76: {  	_ =	shalt  }
0x77: {  	_ =	shalt  }
0x78: {  	_ =	shalt  }
0x79: {  	_ =	shalt  }
0x7a: {  	_ =	shalt  }
0x7b: {  	_ =	shalt  }
0x7c: {  	_ =	shalt  }
0x7d: {  	_ =	shalt  }
0x7e: {  	_ =	shalt  }
0x7f: {  	_ =	shalt  }
0x80: {  	_ =	shalt  }
0x81: {  	_ =	shalt  }
0x82: {  	_ =	shalt  }
0x83: {  	_ =	shalt  }
0x84: {  	_ =	shalt  }
0x85: {  	_ =	shalt  }
0x86: {  	_ =	shalt  }
0x87: {  	_ =	shalt  }
.Lfunc_end0:
.L_simem_size_0:
called_computation_lowered:
.L_overlay_start_0:
0x88: {  	s2 =	sld [smem:$0x3FD9]  }
0x89: {  	s3 =	sld [smem:$0x3FFE];
	_ =	sdelay $0x1  }
0x8a: {  	s1 =	srdreg.scid  }
0x8b: {  	s0 =	sand.u32 $0x1, s1  }
0x8c: {  	s17 =	sshll.u32 s0, $0xA;
	s2 =	sadd.s32 s3, s2  }
0x8d: {  	s2 =	sadd.s32 s2, s17  }
0x8e: {  	[smem:$0x3FC0] =	sst s2  }
0x8f: {  	_ = 	snop  }
0x90: {  	s2 =	sld [smem:$0x3FD0];
	(tm) =	ssettm $0x1  }
0x91: {  	s18 =	sld [smem:$0x3FFB];
	_ =	sdelay $0x3  }
0x92: {  	_ =	strace s18  }
0x93: {  	s3 =	sld [smem:$0x3FFC];
	_ =	sdelay $0x3  }
0x94: {  	_ =	strace s3  }
0x95: {  	s3 =	sld [smem:$0x3FFD];
	_ =	sdelay $0x3  }
0x96: {  	_ =	strace s3  }
0x97: {  	_ =	strace $0x8FFFFFFF  }
0x98: {  	s19 =	sld [smem:$0x3FDB];
	_ =	sdelay $0x1  }
0x99: {  	s4 =	simm.s32 $_scs_section_size  }
0x9a: {  	s5 =	simm.s32 $_size__tile_overlayer_lowered;
	s6 =	simm.s32 $_tile_overlayer_lowered  }
0x9b: {  	s22 =	simm.s32 $0x1BFF;
	s21 =	sshll.u32 s6, $0x1;
	s3 =	sadd.s32 s4, s19  }
0x9c: {  	s7 =	simm.s32 $0x0;
	s20 =	sshll.u32 s5, $0x1;
	s5 =	sadd.s32 s21, s3  }
0x9d: {  	[timem:s7], [sflag:s22] =	dma.local [hbm:s5], s20  }
0x9e: {  	_ =	swait.ge [sflag:s22], s20  }
0x9f: {  	s4 =	ssub.s32 $0x0, s20;
	[sflag:s22] =	ssyncset.done $0x0  }
0xa0: {  	[sflag:s22] =	ssyncadd.s32 s4;
	_ =	sdelay $0x1  }
0xa1: {  	s23 =	simm.s32 $0x1B8B  }
0xa2: {  	_ =	swait.ge [sflag:s23], $0x1  }
0xa3: {  	[sflag:s23] =	ssyncset.done $0x0  }
0xa4: {  	s25 =	simm.s32 $0x1B8E;
	s24 =	sld [smem:$0x3FFE];
	[sflag:s23] =	ssyncadd.s32 $0xFFFFFFFF  }
0xa5: {  	s26 =	simm.s32 $execute0_lowered;
	[smem:$0x3FD2] =	sst s25  }
0xa6: {  	s5 =	sshll.u32 s26, $0x1;
	_ =	strace $0x80000046;
	[dreg:$0x1] =	wrdreg $0xFFFFFFFF  }
0xa7: {  	s28 =	simm.s32 $_size_execute0_lowered;
	s3 =	sadd.s32 s3, s5;
	[dreg:$0x0] =	wrdreg $0x0  }
0xa8: {  	s5 =	sshll.u32 s28, $0x1;
	[dreg:$0x2] =	wrdreg s3  }
0xa9: {  	[dreg:$0x3] =	wrdreg s5  }
0xaa: {  	[dreg:$0x4] =	wrdreg $0xC0  }
0xab: {  	_ =	task [dreg:s7], $0x5FFFF  }
0xac: {  	[dreg:$0x1] =	wrdreg $0xFFFFFFFF  }
0xad: {  	[dreg:$0x0] =	wrdreg $0x60  }
0xae: {  	[dreg:$0x2] =	wrdreg s24  }
0xaf: {  	[dreg:$0x3] =	wrdreg s2  }
0xb0: {  	[dreg:$0x4] =	wrdreg $0xAB000  }
0xb1: {  	[dreg:$0x5] =	wrdreg $0x1EB000  }
0xb2: {  	[dreg:$0x6] =	wrdreg $0x9  }
0xb3: {  	_ =	task.clear_ibuf [dreg:s7], $0x7FFFF;
	_ =	strace $0x90000046  }
0xb4: {  	s29 =	simm.s32 $0x9;
	_ =	strace $0x80000048  }
0xb5: {  	_ =	swait.ge [sflag:s29], $0x1  }
0xb6: {  	[sflag:s29] =	ssyncadd.s32 $0xFFFFFFFF  }
0xb7: {  	_ =	strace $0x90000048  }
0xb8: {  	_ =	sfence  }
0xb9: {  	s30 =	sld [smem:$0x0];
	_ =	sdelay $0x2  }
0xba: {  	s31 =	sshll.u32 s1, $0xD;
	s1 =	sshrl.u32 s1, $0x2  }
0xbb: {  	s3 =	sand.u32 $0x4000, s31;
	s1 =	sadd.s32 s1, s30  }
0xbc: {  	s0 =	sor.u32 s3, s0;
	s1 =	sshll.u32 s1, $0x11  }
0xbd: {  	s0 =	sor.u32 s1, s0  }
0xbe: {  	s0 =	sadd.s32 $0x8F2B, s0  }
0xbf: {  	[sflag:s0] =	ssyncadd.remote.s32 $0x1  }
0xc0: {  	_ =	sfence.sel $0xFFFF  }
0xc1: {  	[dreg:$0x0] =	wrdreg $0xFFFFFFFF;
	(pc) =	sbr.abs _section_cstart, $3  }
0xc2: {  	[dreg:$0x1] =	wrdreg $0xFFFFFFFF  }
0xc3: {  	_ =	task.clear_ibuf [dreg:s7], $0x2FFFF;
	_ =	strace $0x9FFFFFFF  }
0xc4: {  	(tm) =	ssettm $0x7FFFFFFF  }
0xc5: {  	_ =	shalt  }
tec
execute0_lowered:
.L_overlay_start_1:
0x0: {  	(tag) =	ssettag $0x1  }
0x1: {  	s0 =	rddreg [dreg:$0x0]  }
0x2: {  	s3 =	rddreg [dreg:$0x1]  }
0x3: {  	s1 =	rddreg [dreg:$0x2]  }
0x4: {  	s2 =	rddreg [dreg:$0x3]  }
0x5: {  	s4 =	srdreg.scid;
	s11 =	stileid.u32  }
0x6: {  	s19 =	simm.s32 $0x2800;
	s28 =	simm.s32 $0x2;
	s29 =	simm.s32 $0x3  }
0x7: {  	s30 =	simm.s32 $0x1480;
	s31 =	simm.s32 $0x100;
	s8 =	smul.u32 $0x14000, s11  }
0x8: {  	s6 =	sand.u32 $0x1, s4;
	s4 =	simm.s32 $0x0;
	s9 =	smul.u32 $0x500, s11  }
0x9: {  	s5 =	sadd.s32 $0x2800, s0;
	s15 =	sadd.s32 $0x2A800, s0;
	s10 =	smul.u32 $0x50000, s11  }
0xa: {  	s7 =	smul.u32 $0x140000, s6;
	[smem:$0x7FF] =	sst s4;
	s20 =	sshll.u32 s6, $0x7  }
0xb: {  	s21 =	ssub.s32 $0x2, s6;
	s6 =	sshll.u32 s6, $0x4;
	_ =	strace $0x80000047  }
0xc: {  	s22 =	sshrl.u32 s21, $0x1;
	s23 =	sshrl.u32 s10, $0x2;
	s24 =	sor.u32 s11, s6  }
0xd: {  	s11 =	smul.u32 $0xA00, s11;
	s7 =	sadd.s32 s8, s7;
	s8 =	sor.u32 s20, s9  }
0xe: {  	s18 =	ssub.s32 s21, s22;
	s6 =	sadd.s32 s23, s1;
	s12 =	smul.u32 $0x2800, s24  }
0xf: {  	s13 =	smul.u32 $0x500, s24;
	s20 =	simm.s32 $0x5;
	s22 =	simm.s32 $0x1400  }
0x10: {  	s23 =	simm.s32 $0x80;
	s24 =	simm.s32 $0x1;
	s21 =	simm.s32 $0x0  }
0x11: {  	s9 =	simm.s32 $0x10;
	s7 =	sshrl.u32 s7, $0x3;
	s8 =	sshrl.u32 s8, $0x3  }
0x12: {  	s25 =	sadd.s32 $0x8000, s6;
	s26 =	sadd.s32 $0xC000, s6;
	s11 =	sshrl.u32 s11, $0x2  }
0x13: {  	s10 =	sadd.s32 $0x10000, s6;
	s18 =	smax.u32 s18, $0x1;
	s7 =	sadd.s32 s7, s0  }
0x14: {  	s0 =	sadd.s32 s8, s0;
	s8 =	sadd.s32 $0x4000, s6;
	[dreg:$0x6] =	wrdreg s25  }
.Ltmp0:
0x15: {  	[dreg:$0x7] =	wrdreg s26;
	s11 =	sadd.s32 s11, s2;
	(pc) =	sbr.rel .LBB2_1-.Ltmp0, $4  }
0x16: {  	s14 =	sshrl.u32 s12, $0x3;
	s12 =	sadd.s32 s3, s13;
	s13 =	sadd.s32 s15, s13  }
0x17: {  	s25 =	simm.s32 $0xA800;
	s26 =	simm.s32 $0x6800;
	[dreg:$0x5] =	wrdreg s8  }
0x18: {  	s16 =	sadd.s32 $0x280, s14;
	s17 =	sadd.s32 $0x84800, s0;
	s0 =	simm.s32 $0x4  }
0x19: {  	v0 =	vimm.f32 $0.0e+00;
	v1 =	vimm.f32 $1.000000000e+00;
	s14 =	sadd.s32 s3, s16;
	s15 =	sadd.s32 s15, s16;
	s16 =	sadd.s32 $0x34800, s7  }
.LBB2_9:
0x1a: {  	_ =	swait.ge [sflag:s0], $0x4000  }
0x1b: {  	[sflag:s0] =	ssyncset.done $0x0  }
0x1c: {  	[sflag:s0] =	ssyncadd.s32 $0xFFFFC000  }
0x1d: {  	_ =	swait.ge [sflag:s0], $0x80  }
0x1e: {  	s3 =	stileid.u32;
	[sflag:s0] =	ssyncset.done $0x0  }
0x1f: {  	s3 =	sshll.u32 s3, $0x6;
	[sflag:s0] =	ssyncadd.s32 $0xFFFFFF80  }
0x20: {  	s7 =	sshrl.u32 s6, $0x3;
	s3 =	sor.u32 $0x1C05, s3;
	[bflag:$0x0] =	sbarrier.arrive $0xFFFF  }
0x21: {  	[hbm:s16], [sflag:s3] =	dma.local [spmem:s7], $0x2800  }
0x22: {  	s21 =	sadd.s32 $0x1, s21;
	_ =	swait.ge [sflag:s20], $0x2800  }
0x23: {  	s8 =	simm.s32 $0x20;
	p0 =	sne.s32 s21, s18;
	[sflag:s20] =	ssyncset.done $0x0  }
.Ltmp1:
0x24: {  	s7 =	sshrl.u32 s11, $0x3;
	[sflag:s20] =	ssyncadd.s32 $0xFFFFD800;
	(pc) =	sbr.rel @!p0 .LBB2_10-.Ltmp1, $4  }
0x25: {  	[hbm:s17@s8], [sflag:s3] =	dma.strided [spmem:s7@s9], $0x50, s24, $0x10   }
0x26: {  	_ =	swait.ge [sflag:s20], $0x50  }
0x27: {  	[sflag:s20] =	ssyncset.done $0x0  }
0x28: {  	[sflag:s20] =	ssyncadd.s32 $0xFFFFFFB0  }
.LBB2_1:
0x29: {  	s3 =	simm.s32 $0x0;
	s7 =	simm.s32 $0x200  }
.LBB2_2:
0x2a: {  	p0 =	sne.s32 s7, $0xFE00;
	[tilespmem:s3+$0x2870] =	vst v0  }
0x2b: {  	[tilespmem:s3+$0x2800] =	vst v0  }
0x2c: {  	[tilespmem:s3+$0x2810] =	vst v0  }
.Ltmp2:
0x2d: {  	[tilespmem:s3+$0x2820] =	vst v0;
	(pc) =	sbr.rel @p0 .LBB2_2-.Ltmp2, $4  }
0x2e: {  	[tilespmem:s3+$0x2830] =	vst v0  }
0x2f: {  	[tilespmem:s3+$0x2840] =	vst v0  }
0x30: {  	[tilespmem:s3+$0x2850] =	vst v0  }
0x31: {  	[tilespmem:s3+$0x2860] =	vst v0;
	s3 =	sshra.s32 s7, $0x2;
	s7 =	sadd.s32 $0x200, s7  }
0x32: {  	[tilespmem:s3+$0x2870] =	vst v0  }
0x33: {  	[tilespmem:s3+$0x2800] =	vst v0  }
0x34: {  	[tilespmem:s3+$0x2810] =	vst v0  }
0x35: {  	[tilespmem:s3+$0x2820] =	vst v0  }
0x36: {  	[tilespmem:s3+$0x2830] =	vst v0  }
0x37: {  	[tilespmem:s3+$0x2840] =	vst v0  }
0x38: {  	[tilespmem:s3+$0x2850] =	vst v0  }
0x39: {  	[tilespmem:s3+$0x2860] =	vst v0  }
0x3a: {  	[tilespmem:$0xA880] =	vst v0  }
0x3b: {  	[tilespmem:$0xA890] =	vst v0  }
0x3c: {  	[tilespmem:$0xA8A0] =	vst v0  }
0x3d: {  	[tilespmem:$0xA8B0] =	vst v0  }
0x3e: {  	[tilespmem:$0xA8C0] =	vst v0  }
0x3f: {  	[tilespmem:$0xA8D0] =	vst v0  }
0x40: {  	[tilespmem:$0xA8E0] =	vst v0  }
0x41: {  	[tilespmem:$0xA8F0] =	vst v0  }
0x42: {  	[tilespmem:$0xA900] =	vst v0  }
0x43: {  	[tilespmem:$0xA910] =	vst v0  }
0x44: {  	[tilespmem:$0xA920] =	vst v0  }
0x45: {  	[tilespmem:$0xA930] =	vst v0  }
0x46: {  	[tilespmem:$0xA940] =	vst v0  }
0x47: {  	[tilespmem:$0xA950] =	vst v0  }
0x48: {  	[tilespmem:$0xA960] =	vst v0  }
0x49: {  	[tilespmem:$0xA970] =	vst v0  }
0x4a: {  	[tilespmem:$0xA980] =	vst v0  }
0x4b: {  	[tilespmem:$0xA990] =	vst v0  }
0x4c: {  	[tilespmem:$0xA9A0] =	vst v0  }
0x4d: {  	[tilespmem:$0xA9B0] =	vst v0  }
0x4e: {  	[tilespmem:$0xA9C0] =	vst v0  }
0x4f: {  	[tilespmem:$0xA9D0] =	vst v0  }
0x50: {  	[tilespmem:$0xA9E0] =	vst v0  }
0x51: {  	[tilespmem:$0xA9F0] =	vst v0  }
0x52: {  	[tilespmem:$0xAA00] =	vst v0  }
0x53: {  	[tilespmem:$0xAA10] =	vst v0  }
0x54: {  	[tilespmem:$0xAA20] =	vst v0  }
0x55: {  	[tilespmem:$0xAA30] =	vst v0  }
0x56: {  	[tilespmem:$0xAA40] =	vst v0  }
0x57: {  	[tilespmem:$0xAA50] =	vst v0  }
0x58: {  	[tilespmem:$0xAA60] =	vst v0  }
0x59: {  	[tilespmem:$0xAA70] =	vst v0  }
0x5a: {  	[tilespmem:$0xAA80] =	vst v0  }
0x5b: {  	[tilespmem:$0xAA90] =	vst v0  }
0x5c: {  	[tilespmem:$0xAAA0] =	vst v0  }
0x5d: {  	[tilespmem:$0xAAB0] =	vst v0  }
0x5e: {  	[tilespmem:$0xAAC0] =	vst v0  }
0x5f: {  	[tilespmem:$0xAAD0] =	vst v0  }
0x60: {  	[tilespmem:$0xAAE0] =	vst v0  }
0x61: {  	[tilespmem:$0xAAF0] =	vst v0  }
0x62: {  	[tilespmem:$0xA800] =	vst v1  }
0x63: {  	[tilespmem:$0xA810] =	vst v1  }
0x64: {  	[tilespmem:$0xA820] =	vst v1  }
0x65: {  	[tilespmem:$0xA830] =	vst v1  }
0x66: {  	[tilespmem:$0xA840] =	vst v1  }
0x67: {  	[tilespmem:$0xA850] =	vst v1  }
0x68: {  	[tilespmem:$0xA860] =	vst v1  }
0x69: {  	[tilespmem:$0xA870] =	vst v1  }
0x6a: {  	[spmem:s6] =	stream.linear.scatter [tilespmem:s19], [sflag:$0x5], $0x4000, $0x38;
	[tilespmem:$0x1ED80] =	vst v63  }
0x6b: {  	_ =	swait.ge [sflag:s20], $0x4000  }
0x6c: {  	[sflag:s20] =	ssyncset.done $0x0  }
0x6d: {  	s7 =	rddreg [dreg:$0x5];
	[sflag:s20] =	ssyncadd.s32 $0xFFFFC000  }
0x6e: {  	[spmem:s7] =	stream.linear.scatter [tilespmem:s19], [sflag:$0x5], $0x4000, $0x38;
	[tilespmem:$0x1ED80] =	vst v63  }
0x6f: {  	_ =	swait.ge [sflag:s20], $0x4000  }
0x70: {  	[sflag:s20] =	ssyncset.done $0x0  }
0x71: {  	s8 =	rddreg [dreg:$0x6];
	[sflag:s20] =	ssyncadd.s32 $0xFFFFC000  }
0x72: {  	[spmem:s8] =	stream.linear.scatter [tilespmem:s19], [sflag:$0x5], $0x4000, $0x38;
	[tilespmem:$0x1ED80] =	vst v63  }
0x73: {  	_ =	swait.ge [sflag:s20], $0x4000  }
0x74: {  	[sflag:s20] =	ssyncset.done $0x0  }
0x75: {  	s7 =	rddreg [dreg:$0x7];
	[sflag:s20] =	ssyncadd.s32 $0xFFFFC000  }
0x76: {  	[spmem:s7] =	stream.linear.scatter [tilespmem:s19], [sflag:$0x5], $0x4000, $0x38;
	[tilespmem:$0x1ED80] =	vst v63  }
0x77: {  	_ =	swait.ge [sflag:s20], $0x4000  }
0x78: {  	[sflag:s20] =	ssyncset.done $0x0  }
0x79: {  	[sflag:s20] =	ssyncadd.s32 $0xFFFFC000  }
0x7a: {  	[spmem:s10] =	stream.linear.scatter [tilespmem:s19], [sflag:$0x5], $0x4000, $0x38;
	[tilespmem:$0x1ED80] =	vst v63  }
0x7b: {  	_ =	swait.ge [sflag:s20], $0x4000  }
0x7c: {  	[sflag:s20] =	ssyncset.done $0x0  }
0x7d: {  	s8 =	simm.s32 $0xA880;
	[sflag:s20] =	ssyncadd.s32 $0xFFFFC000  }
0x7e: {  	[spmem:s11] =	stream.linear.scatter [tilespmem:s8], [sflag:$0x5], $0x280, $0x38;
	[tilespmem:$0x1ED80] =	vst v63  }
0x7f: {  	_ =	swait.ge [sflag:s20], $0x280  }
0x80: {  	[sflag:s20] =	ssyncset.done $0x0  }
0x81: {  	[sflag:s20] =	ssyncadd.s32 $0xFFFFFD80  }
0x82: {  	[bflag:$0x0] =	sbarrier.arrive $0xFFFF  }
0x83: {  	[tilespmem:s4], [sflag:$0x5] =	stream.linear.gather [hbm4b:s12+s4], $0x1400, $0x38;
	[tilespmem:$0x1ED80] =	vst v63  }
0x84: {  	_ =	swait.ge [sflag:s20], $0x1400  }
0x85: {  	[sflag:s20] =	ssyncset.done $0x0  }
0x86: {  	[sflag:s20] =	ssyncadd.s32 $0xFFFFEC00  }
0x87: {  	[tilespmem:s22], [sflag:$0x5] =	stream.linear.gather [hbm4b:s13+s4], $0x1400, $0x38;
	[tilespmem:$0x1ED80] =	vst v63  }
0x88: {  	_ =	swait.ge [sflag:s20], $0x1400  }
0x89: {  	[sflag:s20] =	ssyncset.done $0x0  }
0x8a: {  	[sflag:s20] =	ssyncadd.s32 $0xFFFFEC00  }
0x8b: {  	[tilespmem:s19], [sflag:$0x1] =	stream.indirect.gather [hbm4b:s5+s23], $0x80, s4, s23, $0xb8;
	[tilespmem:$0x1ED80] =	vst v63  }
0x8c: {  	_ =	swait.ge [sflag:s24], $0x4000  }
0x8d: {  	[sflag:s24] =	ssyncset.done $0x0  }
0x8e: {  	[sflag:s24] =	ssyncadd.s32 $0xFFFFC000  }
0x8f: {  	[spmem:s1] =	stream.indirect.scatter.add.f32 [tilespmem:s19], [sflag:$0x3], $0x80, s22, s23, $0xb8;
	[tilespmem:$0x1ED80] =	vst v63  }
0x90: {  	_ = 	snop  }
0x91: {  	[spmem:s2] =	stream.indirect.scatter.add.f32 [tilespmem:s25], [sflag:$0x3], $0x1, s22, s23, $0xb8;
	[tilespmem:$0x1ED80] =	vst v63  }
0x92: {  	_ = 	snop  }
0x93: {  	[tilespmem:s26], [sflag:$0x2] =	stream.indirect.gather [hbm4b:s5+s23], $0x80, s23, s23, $0xb8;
	[tilespmem:$0x1ED80] =	vst v63  }
0x94: {  	_ =	swait.ge [sflag:s28], $0x4000  }
0x95: {  	[sflag:s28] =	ssyncset.done $0x0  }
0x96: {  	[sflag:s28] =	ssyncadd.s32 $0xFFFFC000  }
0x97: {  	_ =	swait.ge [sflag:s29], $0x4000  }
0x98: {  	[sflag:s29] =	ssyncset.done $0x0  }
0x99: {  	[sflag:s29] =	ssyncadd.s32 $0xFFFFC000  }
0x9a: {  	_ =	swait.ge [sflag:s29], $0x80  }
0x9b: {  	[sflag:s29] =	ssyncset.done $0x0  }
0x9c: {  	[sflag:s29] =	ssyncadd.s32 $0xFFFFFF80  }
0x9d: {  	[spmem:s1] =	stream.indirect.scatter.add.f32 [tilespmem:s26], [sflag:$0x4], $0x80, s30, s23, $0xb8;
	[tilespmem:$0x1ED80] =	vst v63  }
0x9e: {  	_ = 	snop  }
0x9f: {  	[spmem:s2] =	stream.indirect.scatter.add.f32 [tilespmem:s25], [sflag:$0x4], $0x1, s30, s23, $0xb8;
	[tilespmem:$0x1ED80] =	vst v63  }
0xa0: {  	s3 =	simm.s32 $0xFFFFB800  }
0xa1: {  	[tilespmem:s19], [sflag:$0x1] =	stream.indirect.gather [hbm4b:s5+s23], $0x80, s31, s23, $0xb8;
	[tilespmem:$0x1ED80] =	vst v63  }
.LBB2_4:
0xa2: {  	_ =	swait.ge [sflag:s24], $0x4000  }
0xa3: {  	[sflag:s24] =	ssyncset.done $0x0  }
0xa4: {  	[sflag:s24] =	ssyncadd.s32 $0xFFFFC000  }
0xa5: {  	_ =	swait.ge [sflag:s0], $0x4000  }
0xa6: {  	[sflag:s0] =	ssyncset.done $0x0  }
0xa7: {  	[sflag:s0] =	ssyncadd.s32 $0xFFFFC000  }
0xa8: {  	_ =	swait.ge [sflag:s0], $0x80  }
0xa9: {  	s7 =	sshra.s32 s3, $0x2;
	[sflag:s0] =	ssyncset.done $0x0  }
0xaa: {  	s8 =	sadd.s32 $0x2700, s7;
	[sflag:s0] =	ssyncadd.s32 $0xFFFFFF80  }
0xab: {  	[spmem:s1] =	stream.indirect.scatter.add.f32 [tilespmem:s19], [sflag:$0x3], $0x80, s8, s23, $0xb8;
	[tilespmem:$0x1ED80] =	vst v63  }
0xac: {  	_ = 	snop  }
0xad: {  	[spmem:s2] =	stream.indirect.scatter.add.f32 [tilespmem:s25], [sflag:$0x3], $0x1, s8, s23, $0xb8;
	[tilespmem:$0x1ED80] =	vst v63  }
0xae: {  	s8 =	sadd.s32 $0x1380, s7  }
0xaf: {  	[tilespmem:s26], [sflag:$0x2] =	stream.indirect.gather [hbm4b:s5+s23], $0x80, s8, s23, $0xb8;
	[tilespmem:$0x1ED80] =	vst v63  }
0xb0: {  	_ =	swait.ge [sflag:s28], $0x4000  }
0xb1: {  	[sflag:s28] =	ssyncset.done $0x0  }
0xb2: {  	[sflag:s28] =	ssyncadd.s32 $0xFFFFC000  }
0xb3: {  	_ =	swait.ge [sflag:s29], $0x4000  }
0xb4: {  	[sflag:s29] =	ssyncset.done $0x0  }
0xb5: {  	[sflag:s29] =	ssyncadd.s32 $0xFFFFC000  }
0xb6: {  	p0 =	seq.s32 s3, $0x0;
	_ =	swait.ge [sflag:s29], $0x80  }
.Ltmp3:
0xb7: {  	[sflag:s29] =	ssyncset.done $0x0;
	(pc) =	sbr.rel @p0 .LBB2_6-.Ltmp3, $4  }
0xb8: {  	s8 =	sadd.s32 $0x2780, s7;
	[sflag:s29] =	ssyncadd.s32 $0xFFFFFF80  }
0xb9: {  	[spmem:s1] =	stream.indirect.scatter.add.f32 [tilespmem:s26], [sflag:$0x4], $0x80, s8, s23, $0xb8;
	[tilespmem:$0x1ED80] =	vst v63  }
0xba: {  	_ = 	snop  }
0xbb: {  	[spmem:s2] =	stream.indirect.scatter.add.f32 [tilespmem:s25], [sflag:$0x4], $0x1, s8, s23, $0xb8;
	[tilespmem:$0x1ED80] =	vst v63  }
.Ltmp4:
0xbc: {  	(pc) =	sbr.rel .LBB2_4-.Ltmp4, $3  }
0xbd: {  	_ =	sdelay $0x1  }
0xbe: {  	s7 =	sadd.s32 $0x1400, s7;
	s3 =	sadd.s32 $0x400, s3  }
0xbf: {  	[tilespmem:s19], [sflag:$0x1] =	stream.indirect.gather [hbm4b:s5+s23], $0x80, s7, s23, $0xb8;
	[tilespmem:$0x1ED80] =	vst v63  }
.LBB2_6:
0xc0: {  	_ =	swait.ge [sflag:s0], $0x4000  }
0xc1: {  	[sflag:s0] =	ssyncset.done $0x0  }
0xc2: {  	[sflag:s0] =	ssyncadd.s32 $0xFFFFC000  }
0xc3: {  	_ =	swait.ge [sflag:s0], $0x80  }
0xc4: {  	[sflag:s0] =	ssyncset.done $0x0  }
0xc5: {  	[sflag:s0] =	ssyncadd.s32 $0xFFFFFF80  }
0xc6: {  	[tilespmem:s4], [sflag:$0x5] =	stream.linear.gather [hbm4b:s14+s4], $0x1400, $0x38;
	[tilespmem:$0x1ED80] =	vst v63  }
0xc7: {  	_ =	swait.ge [sflag:s20], $0x1400  }
0xc8: {  	[sflag:s20] =	ssyncset.done $0x0  }
0xc9: {  	[sflag:s20] =	ssyncadd.s32 $0xFFFFEC00  }
0xca: {  	[tilespmem:s22], [sflag:$0x5] =	stream.linear.gather [hbm4b:s15+s4], $0x1400, $0x38;
	[tilespmem:$0x1ED80] =	vst v63  }
0xcb: {  	_ =	swait.ge [sflag:s20], $0x1400  }
0xcc: {  	[sflag:s20] =	ssyncset.done $0x0  }
0xcd: {  	[sflag:s20] =	ssyncadd.s32 $0xFFFFEC00  }
0xce: {  	[tilespmem:s19], [sflag:$0x1] =	stream.indirect.gather [hbm4b:s5+s23], $0x80, s4, s23, $0xb8;
	[tilespmem:$0x1ED80] =	vst v63  }
0xcf: {  	_ =	swait.ge [sflag:s24], $0x4000  }
0xd0: {  	[sflag:s24] =	ssyncset.done $0x0  }
0xd1: {  	[sflag:s24] =	ssyncadd.s32 $0xFFFFC000  }
0xd2: {  	[spmem:s1] =	stream.indirect.scatter.add.f32 [tilespmem:s19], [sflag:$0x3], $0x80, s22, s23, $0xb8;
	[tilespmem:$0x1ED80] =	vst v63  }
0xd3: {  	_ = 	snop  }
0xd4: {  	[spmem:s2] =	stream.indirect.scatter.add.f32 [tilespmem:s25], [sflag:$0x3], $0x1, s22, s23, $0xb8;
	[tilespmem:$0x1ED80] =	vst v63  }
0xd5: {  	_ = 	snop  }
0xd6: {  	[tilespmem:s26], [sflag:$0x2] =	stream.indirect.gather [hbm4b:s5+s23], $0x80, s23, s23, $0xb8;
	[tilespmem:$0x1ED80] =	vst v63  }
0xd7: {  	_ =	swait.ge [sflag:s28], $0x4000  }
0xd8: {  	[sflag:s28] =	ssyncset.done $0x0  }
0xd9: {  	[sflag:s28] =	ssyncadd.s32 $0xFFFFC000  }
0xda: {  	_ =	swait.ge [sflag:s29], $0x4000  }
0xdb: {  	[sflag:s29] =	ssyncset.done $0x0  }
0xdc: {  	[sflag:s29] =	ssyncadd.s32 $0xFFFFC000  }
0xdd: {  	_ =	swait.ge [sflag:s29], $0x80  }
0xde: {  	[sflag:s29] =	ssyncset.done $0x0  }
0xdf: {  	[sflag:s29] =	ssyncadd.s32 $0xFFFFFF80  }
0xe0: {  	[spmem:s1] =	stream.indirect.scatter.add.f32 [tilespmem:s26], [sflag:$0x4], $0x80, s30, s23, $0xb8;
	[tilespmem:$0x1ED80] =	vst v63  }
0xe1: {  	_ = 	snop  }
0xe2: {  	[spmem:s2] =	stream.indirect.scatter.add.f32 [tilespmem:s25], [sflag:$0x4], $0x1, s30, s23, $0xb8;
	[tilespmem:$0x1ED80] =	vst v63  }
0xe3: {  	s3 =	simm.s32 $0xFFFFB800  }
0xe4: {  	[tilespmem:s19], [sflag:$0x1] =	stream.indirect.gather [hbm4b:s5+s23], $0x80, s31, s23, $0xb8;
	[tilespmem:$0x1ED80] =	vst v63  }
.LBB2_7:
0xe5: {  	_ =	swait.ge [sflag:s24], $0x4000  }
0xe6: {  	[sflag:s24] =	ssyncset.done $0x0  }
0xe7: {  	[sflag:s24] =	ssyncadd.s32 $0xFFFFC000  }
0xe8: {  	_ =	swait.ge [sflag:s0], $0x4000  }
0xe9: {  	[sflag:s0] =	ssyncset.done $0x0  }
0xea: {  	[sflag:s0] =	ssyncadd.s32 $0xFFFFC000  }
0xeb: {  	_ =	swait.ge [sflag:s0], $0x80  }
0xec: {  	s7 =	sshra.s32 s3, $0x2;
	[sflag:s0] =	ssyncset.done $0x0  }
0xed: {  	s8 =	sadd.s32 $0x2700, s7;
	[sflag:s0] =	ssyncadd.s32 $0xFFFFFF80  }
0xee: {  	[spmem:s1] =	stream.indirect.scatter.add.f32 [tilespmem:s19], [sflag:$0x3], $0x80, s8, s23, $0xb8;
	[tilespmem:$0x1ED80] =	vst v63  }
0xef: {  	_ = 	snop  }
0xf0: {  	[spmem:s2] =	stream.indirect.scatter.add.f32 [tilespmem:s25], [sflag:$0x3], $0x1, s8, s23, $0xb8;
	[tilespmem:$0x1ED80] =	vst v63  }
0xf1: {  	s8 =	sadd.s32 $0x1380, s7  }
0xf2: {  	[tilespmem:s26], [sflag:$0x2] =	stream.indirect.gather [hbm4b:s5+s23], $0x80, s8, s23, $0xb8;
	[tilespmem:$0x1ED80] =	vst v63  }
0xf3: {  	_ =	swait.ge [sflag:s28], $0x4000  }
0xf4: {  	[sflag:s28] =	ssyncset.done $0x0  }
0xf5: {  	[sflag:s28] =	ssyncadd.s32 $0xFFFFC000  }
0xf6: {  	_ =	swait.ge [sflag:s29], $0x4000  }
0xf7: {  	[sflag:s29] =	ssyncset.done $0x0  }
0xf8: {  	[sflag:s29] =	ssyncadd.s32 $0xFFFFC000  }
0xf9: {  	p0 =	seq.s32 s3, $0x0;
	_ =	swait.ge [sflag:s29], $0x80  }
.Ltmp5:
0xfa: {  	[sflag:s29] =	ssyncset.done $0x0;
	(pc) =	sbr.rel @p0 .LBB2_9-.Ltmp5, $4  }
0xfb: {  	s8 =	sadd.s32 $0x2780, s7;
	[sflag:s29] =	ssyncadd.s32 $0xFFFFFF80  }
0xfc: {  	[spmem:s1] =	stream.indirect.scatter.add.f32 [tilespmem:s26], [sflag:$0x4], $0x80, s8, s23, $0xb8;
	[tilespmem:$0x1ED80] =	vst v63  }
0xfd: {  	_ = 	snop  }
0xfe: {  	[spmem:s2] =	stream.indirect.scatter.add.f32 [tilespmem:s25], [sflag:$0x4], $0x1, s8, s23, $0xb8;
	[tilespmem:$0x1ED80] =	vst v63  }
.Ltmp6:
0xff: {  	(pc) =	sbr.rel .LBB2_7-.Ltmp6, $3  }
0x100: {  	_ =	sdelay $0x1  }
0x101: {  	s7 =	sadd.s32 $0x1400, s7;
	s3 =	sadd.s32 $0x400, s3  }
0x102: {  	[tilespmem:s19], [sflag:$0x1] =	stream.indirect.gather [hbm4b:s5+s23], $0x80, s7, s23, $0xb8;
	[tilespmem:$0x1ED80] =	vst v63  }
.LBB2_10:
0x103: {  	_ =	sfence.sel $0x180000  }
0x104: {  	[bflag:$0x0] =	sbarrier.arrive $0xFFFF  }
0x105: {  	_ =	strace $0x90000047  }
0x106: {  	s0 =	stileid.u32;
	[bflag:$0x2] =	sbarrier.arrive $0xFFFF  }
0x107: {  	p0 =	sne.s32 s0, $0x0;
	s0 =	rddreg [dreg:$0x4]  }
0x108: {  	s0 =	sadd.s32 @!p0 $0x100000, s0  }
0x109: {  	[sflag:s0] =	ssyncadd.tile.s32 @!p0 $0x1;
	_ =	shalt  }
.Lfunc_end2:
_tile_overlayer_lowered:
.L_overlay_start_2:
0x10a: {  	(tag) =	ssettag $0x2  }
0x10b: {  	s0 =	rddreg [dreg:$0x0];
	s2 =	stileid.u32  }
0x10c: {  	s1 =	rddreg [dreg:$0x1];
	p0 =	sne.s32 s2, $0x0  }
0x10d: {  	s3 =	rddreg [dreg:$0x2];
	[bflag:$0x3] =	sbarrier.arrive $0xFFFF;
	s2 =	simm.s32 @!p0 $0x1C05  }
0x10e: {  	[timem:s3], [sflag:s2] =	dma.local @!p0 [hbm:s0], s1  }
0x10f: {  	s0 =	simm.s32 @!p0 $0x5  }
0x110: {  	_ =	swait.ge @!p0 [sflag:s0], s1  }
0x111: {  	s1 =	ssub.s32 @!p0 $0x0, s1;
	[sflag:s0] =	ssyncset.done @!p0 $0x0  }
0x112: {  	[sflag:s0] =	ssyncadd.s32 @!p0 s1  }
0x113: {  	[bflag:$0x3] =	sbarrier.arrive $0xFFFF  }
0x114: {  	_ =	shalt  }

// kernel: kernel.9.cloned.1.call-start
scs
__scs_entry_jumppad:
0x0: {  	(pc) =	sbr.rel $0x88, $3  }
0x1: {  	(tag) =	ssettag $0x0;
	lr =	simm.s32 $0x1  }
0x2: {  	[smem:$0x3F99] =	sst lr;
	_ =	strace $0xD0000000  }
0x3: {  	_ = 	snop  }
0x4: {  	_ = 	snop  }
0x5: {  	_ = 	snop  }
0x6: {  	_ = 	snop  }
0x7: {  	_ = 	snop  }
__scs_overlays_trampoline_lowered:
0x8: {  	[smem:$0x3FA8] =	sst s0  }
0x9: {  	[smem:$0x3FA9] =	sst s1  }
0xa: {  	[smem:$0x3FAA] =	sst s2  }
0xb: {  	[smem:$0x3FAB] =	sst s3  }
0xc: {  	[smem:$0x3FAC] =	sst s4  }
0xd: {  	[smem:$0x3FAD] =	sst s5  }
0xe: {  	[smem:$0x3FAE] =	sst s6  }
0xf: {  	[smem:$0x3FAF] =	sst s7  }
0x10: {  	[smem:$0x3FB0] =	sst s8  }
0x11: {  	[smem:$0x3FB1] =	sst s9;
	s0 =	simm.s32 @!p0 $0x0  }
0x12: {  	s1 =	sld [smem:$0x3F97];
	s0 =	simm.s32 @p0 $0x1  }
0x13: {  	[smem:$0x3FB2] =	sst s0;
	s0 =	simm.s32 @!p1 $0x0  }
0x14: {  	s2 =	sld [smem:$0x3F96];
	s0 =	simm.s32 @p1 $0x1  }
0x15: {  	[smem:$0x3FB3] =	sst s0;
	s0 =	simm.s32 @!p2 $0x0  }
0x16: {  	s3 =	sld [smem:$0x3FDB];
	s0 =	simm.s32 @p2 $0x1  }
0x17: {  	s4 =	simm.s32 $0x1BF5;
	[smem:$0x3FB5] =	sst s0  }
0x18: {  	s0 =	sld [smem:$0x3F98];
	_ =	swait.ge [sflag:s4], $0x0  }
0x19: {  	s7 =	sld [smem:$0x3F99]  }
0x1a: {  	s8 =	sadd.s32 $0xFFFFE003, lr  }
0x1b: {  	s9 =	sadd.s32 $0xFFFFFEF7, lr;
	s5 =	simm.s32 $0xFFFFFFFF;
	p2 =	slt.u32 s8, $0xFFFFF086  }
0x1c: {  	p1 =	slt.u32 s9, $0xF7A;
	s5 =	simm.s32 @!p2 $0x0  }
0x1d: {  	s5 =	simm.s32 @p1 $0x1;
	p0 =	seq.s32 s7, s2  }
0x1e: {  	s7 =	smul.u32 @!p0 $0xF7A, s2;
	p2 =	seq.s32 @!p0 s5, $0x0  }
0x1f: {  	s9 =	smul.u32 $0xF7A, s1;
	s8 =	simm.s32 @!p0 $0x1BF5;
	p2 =	por !p2, p0  }
0x20: {  	[sflag:s8] =	ssyncset.s32 @!p0 $0xFFFFF086;
	s6 =	sadd.s32 @!p0 s3, s7;
	s7 =	simm.s32 @!p0 $0x108  }
0x21: {  	s3 =	sadd.s32 s3, s9;
	s6 =	sadd.s32 @!p0 $0x88, s6;
	s7 =	simm.s32 @p2 $0x1082  }
0x22: {  	[simem:s7], [sflag:s8] =	dma.local @!p0 [hbm:s6], $0xF7A  }
0x23: {  	s9 =	sor.u32 $0xD0000000, s2;
	s6 =	simm.s32 $0x108;
	_ =	swait.ge @!p0 [sflag:s8], $0x0  }
0x24: {  	s3 =	sadd.s32 $0x88, s3;
	s6 =	simm.s32 @!p1 $0x1082;
	[sflag:s4] =	ssyncset.s32 $0xFFFFF086  }
0x25: {  	[simem:s6], [sflag:s4] =	dma.local [hbm:s3], $0xF7A  }
0x26: {  	[smem:$0x3F99] =	sst s1;
	(tag) =	ssettag s2;
	_ =	strace s9  }
0x27: {  	s1 =	sld [smem:$0x3FA9]  }
0x28: {  	s2 =	sld [smem:$0x3FAA]  }
0x29: {  	s4 =	sld [smem:$0x3FAC]  }
0x2a: {  	p0 =	seq.s32 s5, $0x0;
	s5 =	sld [smem:$0x3FAD]  }
0x2b: {  	s6 =	sld [smem:$0x3FAE]  }
0x2c: {  	s7 =	sld [smem:$0x3FAF]  }
0x2d: {  	s3 =	simm.s32 $0x108;
	s8 =	sld [smem:$0x3FB0]  }
0x2e: {  	s3 =	simm.s32 @!p0 $0x1082;
	s9 =	sld [smem:$0x3FB1]  }
0x2f: {  	lr =	sadd.s32 s0, s3;
	s0 =	sld [smem:$0x3FA8]  }
0x30: {  	s3 =	sld [smem:$0x3FAB]  }
0x31: {  	[smem:$0x3FB4] =	sst s10  }
0x32: {  	s10 =	sld [smem:$0x3FB2];
	_ =	sdelay $0x3  }
0x33: {  	p0 =	seq.s32 s10, $0x1;
	s10 =	sld [smem:$0x3FB4];
	_ =	sdelay $0x3  }
0x34: {  	[smem:$0x3FB4] =	sst s10  }
0x35: {  	s10 =	sld [smem:$0x3FB3];
	_ =	sdelay $0x3  }
0x36: {  	p1 =	seq.s32 s10, $0x1;
	s10 =	sld [smem:$0x3FB4];
	_ =	sdelay $0x3  }
0x37: {  	[smem:$0x3FB4] =	sst s10  }
0x38: {  	s10 =	sld [smem:$0x3FB5]  }
0x39: {  	_ = 	snop;
	(pc) =	sbr.ind lr, $3  }
0x3a: {  	_ = 	snop  }
0x3b: {  	_ = 	snop  }
0x3c: {  	p2 =	seq.s32 s10, $0x1;
	s10 =	sld [smem:$0x3FB4]  }
0x3d: {  	_ =	shalt  }
0x3e: {  	_ =	shalt  }
0x3f: {  	_ =	shalt  }
0x40: {  	_ =	shalt  }
0x41: {  	_ =	shalt  }
0x42: {  	_ =	shalt  }
0x43: {  	_ =	shalt  }
0x44: {  	_ =	shalt  }
0x45: {  	_ =	shalt  }
0x46: {  	_ =	shalt  }
0x47: {  	_ =	shalt  }
0x48: {  	_ =	shalt  }
0x49: {  	_ =	shalt  }
0x4a: {  	_ =	shalt  }
0x4b: {  	_ =	shalt  }
0x4c: {  	_ =	shalt  }
0x4d: {  	_ =	shalt  }
0x4e: {  	_ =	shalt  }
0x4f: {  	_ =	shalt  }
0x50: {  	_ =	shalt  }
0x51: {  	_ =	shalt  }
0x52: {  	_ =	shalt  }
0x53: {  	_ =	shalt  }
0x54: {  	_ =	shalt  }
0x55: {  	_ =	shalt  }
0x56: {  	_ =	shalt  }
0x57: {  	_ =	shalt  }
0x58: {  	_ =	shalt  }
0x59: {  	_ =	shalt  }
0x5a: {  	_ =	shalt  }
0x5b: {  	_ =	shalt  }
0x5c: {  	_ =	shalt  }
0x5d: {  	_ =	shalt  }
0x5e: {  	_ =	shalt  }
0x5f: {  	_ =	shalt  }
0x60: {  	_ =	shalt  }
0x61: {  	_ =	shalt  }
0x62: {  	_ =	shalt  }
0x63: {  	_ =	shalt  }
0x64: {  	_ =	shalt  }
0x65: {  	_ =	shalt  }
0x66: {  	_ =	shalt  }
0x67: {  	_ =	shalt  }
0x68: {  	_ =	shalt  }
0x69: {  	_ =	shalt  }
0x6a: {  	_ =	shalt  }
0x6b: {  	_ =	shalt  }
0x6c: {  	_ =	shalt  }
0x6d: {  	_ =	shalt  }
0x6e: {  	_ =	shalt  }
0x6f: {  	_ =	shalt  }
0x70: {  	_ =	shalt  }
0x71: {  	_ =	shalt  }
0x72: {  	_ =	shalt  }
0x73: {  	_ =	shalt  }
0x74: {  	_ =	shalt  }
0x75: {  	_ =	shalt  }
0x76: {  	_ =	shalt  }
0x77: {  	_ =	shalt  }
0x78: {  	_ =	shalt  }
0x79: {  	_ =	shalt  }
0x7a: {  	_ =	shalt  }
0x7b: {  	_ =	shalt  }
0x7c: {  	_ =	shalt  }
0x7d: {  	_ =	shalt  }
0x7e: {  	_ =	shalt  }
0x7f: {  	_ =	shalt  }
0x80: {  	_ =	shalt  }
0x81: {  	_ =	shalt  }
0x82: {  	_ =	shalt  }
0x83: {  	_ =	shalt  }
0x84: {  	_ =	shalt  }
0x85: {  	_ =	shalt  }
0x86: {  	_ =	shalt  }
0x87: {  	_ =	shalt  }
.Lfunc_end0:
.L_simem_size_0:
called_computation.1_lowered:
.L_overlay_start_0:
0x88: {  	s2 =	sld [smem:$0x3FD9]  }
0x89: {  	s3 =	sld [smem:$0x3FFE];
	_ =	sdelay $0x1  }
0x8a: {  	s1 =	srdreg.scid  }
0x8b: {  	s0 =	sand.u32 $0x1, s1  }
0x8c: {  	s17 =	sshll.u32 s0, $0xA;
	s2 =	sadd.s32 s3, s2  }
0x8d: {  	s2 =	sadd.s32 s2, s17  }
0x8e: {  	[smem:$0x3FC0] =	sst s2  }
0x8f: {  	_ = 	snop  }
0x90: {  	s2 =	sld [smem:$0x3FD0];
	(tm) =	ssettm $0x1  }
0x91: {  	s18 =	sld [smem:$0x3FFB];
	_ =	sdelay $0x3  }
0x92: {  	_ =	strace s18  }
0x93: {  	s3 =	sld [smem:$0x3FFC];
	_ =	sdelay $0x3  }
0x94: {  	_ =	strace s3  }
0x95: {  	s3 =	sld [smem:$0x3FFD];
	_ =	sdelay $0x3  }
0x96: {  	_ =	strace s3  }
0x97: {  	_ =	strace $0x8FFFFFFF  }
0x98: {  	s19 =	sld [smem:$0x3FDB];
	_ =	sdelay $0x1  }
0x99: {  	s4 =	simm.s32 $_scs_section_size  }
0x9a: {  	s5 =	simm.s32 $_size__tile_overlayer_lowered;
	s6 =	simm.s32 $_tile_overlayer_lowered  }
0x9b: {  	s22 =	simm.s32 $0x1BFF;
	s21 =	sshll.u32 s6, $0x1;
	s3 =	sadd.s32 s4, s19  }
0x9c: {  	s7 =	simm.s32 $0x0;
	s20 =	sshll.u32 s5, $0x1;
	s5 =	sadd.s32 s21, s3  }
0x9d: {  	[timem:s7], [sflag:s22] =	dma.local [hbm:s5], s20  }
0x9e: {  	_ =	swait.ge [sflag:s22], s20  }
0x9f: {  	s4 =	ssub.s32 $0x0, s20;
	[sflag:s22] =	ssyncset.done $0x0  }
0xa0: {  	[sflag:s22] =	ssyncadd.s32 s4;
	_ =	sdelay $0x1  }
0xa1: {  	s23 =	simm.s32 $0x1B8B  }
0xa2: {  	_ =	swait.ge [sflag:s23], $0x1  }
0xa3: {  	[sflag:s23] =	ssyncset.done $0x0  }
0xa4: {  	s25 =	simm.s32 $0x1B8E;
	s24 =	sld [smem:$0x3FFE];
	[sflag:s23] =	ssyncadd.s32 $0xFFFFFFFF  }
0xa5: {  	s26 =	simm.s32 $execute0_lowered;
	[smem:$0x3FD2] =	sst s25  }
0xa6: {  	s5 =	sshll.u32 s26, $0x1;
	_ =	strace $0x80000049;
	[dreg:$0x1] =	wrdreg $0xFFFFFFFF  }
0xa7: {  	s28 =	simm.s32 $_size_execute0_lowered;
	s3 =	sadd.s32 s3, s5;
	[dreg:$0x0] =	wrdreg $0x0  }
0xa8: {  	s5 =	sshll.u32 s28, $0x1;
	[dreg:$0x2] =	wrdreg s3  }
0xa9: {  	[dreg:$0x3] =	wrdreg s5  }
0xaa: {  	[dreg:$0x4] =	wrdreg $0xC0  }
0xab: {  	_ =	task [dreg:s7], $0x5FFFF  }
0xac: {  	[dreg:$0x1] =	wrdreg $0xFFFFFFFF  }
0xad: {  	[dreg:$0x0] =	wrdreg $0x60  }
0xae: {  	[dreg:$0x2] =	wrdreg s24  }
0xaf: {  	[dreg:$0x3] =	wrdreg s2  }
0xb0: {  	[dreg:$0x4] =	wrdreg $0xAB000  }
0xb1: {  	[dreg:$0x5] =	wrdreg $0x1EB000  }
0xb2: {  	[dreg:$0x6] =	wrdreg $0x9  }
0xb3: {  	_ =	task.clear_ibuf [dreg:s7], $0x7FFFF;
	_ =	strace $0x90000049  }
0xb4: {  	s29 =	simm.s32 $0x9;
	_ =	strace $0x8000004B  }
0xb5: {  	_ =	swait.ge [sflag:s29], $0x1  }
0xb6: {  	[sflag:s29] =	ssyncadd.s32 $0xFFFFFFFF  }
0xb7: {  	_ =	strace $0x9000004B  }
0xb8: {  	_ =	sfence  }
0xb9: {  	s30 =	sld [smem:$0x0];
	_ =	sdelay $0x2  }
0xba: {  	s31 =	sshll.u32 s1, $0xD;
	s1 =	sshrl.u32 s1, $0x2  }
0xbb: {  	s3 =	sand.u32 $0x4000, s31;
	s1 =	sadd.s32 s1, s30  }
0xbc: {  	s0 =	sor.u32 s3, s0;
	s1 =	sshll.u32 s1, $0x11  }
0xbd: {  	s0 =	sor.u32 s1, s0  }
0xbe: {  	s0 =	sadd.s32 $0x8F2B, s0  }
0xbf: {  	[sflag:s0] =	ssyncadd.remote.s32 $0x1  }
0xc0: {  	_ =	sfence.sel $0xFFFF  }
0xc1: {  	[dreg:$0x0] =	wrdreg $0xFFFFFFFF;
	(pc) =	sbr.abs _section_cstart, $3  }
0xc2: {  	[dreg:$0x1] =	wrdreg $0xFFFFFFFF  }
0xc3: {  	_ =	task.clear_ibuf [dreg:s7], $0x2FFFF;
	_ =	strace $0x9FFFFFFF  }
0xc4: {  	(tm) =	ssettm $0x7FFFFFFF  }
0xc5: {  	_ =	shalt  }
tec
execute0_lowered:
.L_overlay_start_1:
0x0: {  	(tag) =	ssettag $0x1  }
0x1: {  	s0 =	rddreg [dreg:$0x0]  }
0x2: {  	s13 =	rddreg [dreg:$0x1]  }
0x3: {  	s2 =	rddreg [dreg:$0x2]  }
0x4: {  	s1 =	srdreg.scid;
	s10 =	rddreg [dreg:$0x3]  }
0x5: {  	s26 =	stileid.u32;
	s3 =	simm.s32 $0x0;
	s18 =	simm.s32 $0x5  }
0x6: {  	s19 =	simm.s32 $0xA880;
	s20 =	simm.s32 $0x1400;
	s21 =	simm.s32 $0x80  }
0x7: {  	s22 =	simm.s32 $0x1;
	s23 =	simm.s32 $0x6800;
	s24 =	simm.s32 $0x2  }
0x8: {  	s25 =	simm.s32 $0x3;
	s28 =	simm.s32 $0x100;
	s6 =	smul.u32 $0x14000, s26  }
0x9: {  	s29 =	simm.s32 $0x4;
	s30 =	simm.s32 $0x0;
	s7 =	smul.u32 $0x50000, s26  }
0xa: {  	s5 =	sand.u32 $0x1, s1;
	[smem:$0x7FF] =	sst s3;
	s11 =	smul.u32 $0xA00, s26  }
0xb: {  	s14 =	sadd.s32 $0x2A800, s0;
	s4 =	smul.u32 $0x140000, s5;
	s31 =	ssub.s32 $0x2, s5  }
0xc: {  	_ =	strace $0x8000004A;
	s5 =	sshll.u32 s5, $0x4;
	s8 =	sshrl.u32 s31, $0x1  }
0xd: {  	s7 =	sshrl.u32 s7, $0x2;
	s9 =	sor.u32 s26, s5;
	s11 =	sshrl.u32 s11, $0x2  }
0xe: {  	s26 =	simm.s32 $0x1480;
	s6 =	sadd.s32 s6, s4;
	s4 =	sadd.s32 $0x2800, s0  }
0xf: {  	s5 =	sadd.s32 s7, s2;
	s16 =	ssub.s32 s31, s8;
	s12 =	smul.u32 $0x2800, s9  }
0x10: {  	s15 =	smul.u32 $0x500, s9;
	s10 =	sadd.s32 s11, s10;
	s6 =	sshrl.u32 s6, $0x3  }
.Ltmp0:
0x11: {  	s7 =	sadd.s32 $0x8000, s5;
	s8 =	sadd.s32 $0xC000, s5;
	(pc) =	sbr.rel .LBB2_1-.Ltmp0, $4  }
0x12: {  	s9 =	sadd.s32 $0x10000, s5;
	s16 =	smax.u32 s16, $0x1;
	s0 =	sadd.s32 s6, s0  }
0x13: {  	s6 =	sadd.s32 $0x4000, s5;
	s12 =	sshrl.u32 s12, $0x3;
	s11 =	sadd.s32 s13, s15  }
0x14: {  	s17 =	sadd.s32 $0x280, s12;
	s12 =	sadd.s32 s14, s15;
	s15 =	sadd.s32 $0x34800, s0  }
0x15: {  	v0 =	vimm.f32 $0.0e+00;
	v1 =	vimm.f32 $1.000000000e+00;
	s13 =	sadd.s32 s13, s17;
	s14 =	sadd.s32 s14, s17;
	s17 =	simm.s32 $0x2800  }
.LBB2_9:
0x16: {  	_ =	swait.ge [sflag:s29], $0x4000;
	s0 =	stileid.u32  }
0x17: {  	s1 =	sshrl.u32 s5, $0x3;
	s30 =	sadd.s32 $0x1, s30;
	[sflag:s29] =	ssyncset.done $0x0  }
0x18: {  	s0 =	sshll.u32 s0, $0x6;
	p0 =	sne.s32 s30, s16;
	[sflag:s29] =	ssyncadd.s32 $0xFFFFC000  }
.Ltmp1:
0x19: {  	s0 =	sor.u32 $0x1C05, s0;
	[bflag:$0x0] =	sbarrier.arrive $0xFFFF;
	(pc) =	sbr.rel @!p0 .LBB2_10-.Ltmp1, $4  }
0x1a: {  	[hbm:s15], [sflag:s0] =	dma.local [spmem:s1], $0x2800  }
0x1b: {  	_ =	swait.ge [sflag:s18], $0x2800  }
0x1c: {  	[sflag:s18] =	ssyncset.done $0x0  }
0x1d: {  	[sflag:s18] =	ssyncadd.s32 $0xFFFFD800  }
.LBB2_1:
0x1e: {  	s31 =	simm.s32 $0x0;
	s0 =	simm.s32 $0x200  }
.LBB2_2:
0x1f: {  	p0 =	sne.s32 s0, $0xFE00;
	[tilespmem:s31+$0x2870] =	vst v0  }
0x20: {  	[tilespmem:s31+$0x2800] =	vst v0  }
0x21: {  	[tilespmem:s31+$0x2810] =	vst v0  }
.Ltmp2:
0x22: {  	[tilespmem:s31+$0x2820] =	vst v0;
	(pc) =	sbr.rel @p0 .LBB2_2-.Ltmp2, $4  }
0x23: {  	[tilespmem:s31+$0x2830] =	vst v0  }
0x24: {  	[tilespmem:s31+$0x2840] =	vst v0  }
0x25: {  	[tilespmem:s31+$0x2850] =	vst v0  }
0x26: {  	[tilespmem:s31+$0x2860] =	vst v0;
	s31 =	sshra.s32 s0, $0x2;
	s0 =	sadd.s32 $0x200, s0  }
0x27: {  	[tilespmem:s31+$0x2870] =	vst v0  }
0x28: {  	[tilespmem:s31+$0x2800] =	vst v0  }
0x29: {  	[tilespmem:s31+$0x2810] =	vst v0  }
0x2a: {  	[tilespmem:s31+$0x2820] =	vst v0  }
0x2b: {  	[tilespmem:s31+$0x2830] =	vst v0  }
0x2c: {  	[tilespmem:s31+$0x2840] =	vst v0  }
0x2d: {  	[tilespmem:s31+$0x2850] =	vst v0  }
0x2e: {  	[tilespmem:s31+$0x2860] =	vst v0  }
0x2f: {  	[tilespmem:$0xA880] =	vst v0  }
0x30: {  	[tilespmem:$0xA890] =	vst v0  }
0x31: {  	[tilespmem:$0xA8A0] =	vst v0  }
0x32: {  	[tilespmem:$0xA8B0] =	vst v0  }
0x33: {  	[tilespmem:$0xA8C0] =	vst v0  }
0x34: {  	[tilespmem:$0xA8D0] =	vst v0  }
0x35: {  	[tilespmem:$0xA8E0] =	vst v0  }
0x36: {  	[tilespmem:$0xA8F0] =	vst v0  }
0x37: {  	[tilespmem:$0xA900] =	vst v0  }
0x38: {  	[tilespmem:$0xA910] =	vst v0  }
0x39: {  	[tilespmem:$0xA920] =	vst v0  }
0x3a: {  	[tilespmem:$0xA930] =	vst v0  }
0x3b: {  	[tilespmem:$0xA940] =	vst v0  }
0x3c: {  	[tilespmem:$0xA950] =	vst v0  }
0x3d: {  	[tilespmem:$0xA960] =	vst v0  }
0x3e: {  	[tilespmem:$0xA970] =	vst v0  }
0x3f: {  	[tilespmem:$0xA980] =	vst v0  }
0x40: {  	[tilespmem:$0xA990] =	vst v0  }
0x41: {  	[tilespmem:$0xA9A0] =	vst v0  }
0x42: {  	[tilespmem:$0xA9B0] =	vst v0  }
0x43: {  	[tilespmem:$0xA9C0] =	vst v0  }
0x44: {  	[tilespmem:$0xA9D0] =	vst v0  }
0x45: {  	[tilespmem:$0xA9E0] =	vst v0  }
0x46: {  	[tilespmem:$0xA9F0] =	vst v0  }
0x47: {  	[tilespmem:$0xAA00] =	vst v0  }
0x48: {  	[tilespmem:$0xAA10] =	vst v0  }
0x49: {  	[tilespmem:$0xAA20] =	vst v0  }
0x4a: {  	[tilespmem:$0xAA30] =	vst v0  }
0x4b: {  	[tilespmem:$0xAA40] =	vst v0  }
0x4c: {  	[tilespmem:$0xAA50] =	vst v0  }
0x4d: {  	[tilespmem:$0xAA60] =	vst v0  }
0x4e: {  	[tilespmem:$0xAA70] =	vst v0  }
0x4f: {  	[tilespmem:$0xAA80] =	vst v0  }
0x50: {  	[tilespmem:$0xAA90] =	vst v0  }
0x51: {  	[tilespmem:$0xAAA0] =	vst v0  }
0x52: {  	[tilespmem:$0xAAB0] =	vst v0  }
0x53: {  	[tilespmem:$0xAAC0] =	vst v0  }
0x54: {  	[tilespmem:$0xAAD0] =	vst v0  }
0x55: {  	[tilespmem:$0xAAE0] =	vst v0  }
0x56: {  	[tilespmem:$0xAAF0] =	vst v0  }
0x57: {  	[tilespmem:$0xA800] =	vst v1  }
0x58: {  	[tilespmem:$0xA810] =	vst v1  }
0x59: {  	[tilespmem:$0xA820] =	vst v1  }
0x5a: {  	[tilespmem:$0xA830] =	vst v1  }
0x5b: {  	[tilespmem:$0xA840] =	vst v1  }
0x5c: {  	[tilespmem:$0xA850] =	vst v1  }
0x5d: {  	[tilespmem:$0xA860] =	vst v1  }
0x5e: {  	[tilespmem:$0xA870] =	vst v1  }
0x5f: {  	[spmem:s5] =	stream.linear.scatter [tilespmem:s17], [sflag:$0x5], $0x4000, $0x38;
	[tilespmem:$0x1ED80] =	vst v63  }
0x60: {  	_ =	swait.ge [sflag:s18], $0x4000  }
0x61: {  	[sflag:s18] =	ssyncset.done $0x0  }
0x62: {  	[sflag:s18] =	ssyncadd.s32 $0xFFFFC000  }
0x63: {  	[spmem:s6] =	stream.linear.scatter [tilespmem:s17], [sflag:$0x5], $0x4000, $0x38;
	[tilespmem:$0x1ED80] =	vst v63  }
0x64: {  	_ =	swait.ge [sflag:s18], $0x4000  }
0x65: {  	[sflag:s18] =	ssyncset.done $0x0  }
0x66: {  	[sflag:s18] =	ssyncadd.s32 $0xFFFFC000  }
0x67: {  	[spmem:s7] =	stream.linear.scatter [tilespmem:s17], [sflag:$0x5], $0x4000, $0x38;
	[tilespmem:$0x1ED80] =	vst v63  }
0x68: {  	_ =	swait.ge [sflag:s18], $0x4000  }
0x69: {  	[sflag:s18] =	ssyncset.done $0x0  }
0x6a: {  	[sflag:s18] =	ssyncadd.s32 $0xFFFFC000  }
0x6b: {  	[spmem:s8] =	stream.linear.scatter [tilespmem:s17], [sflag:$0x5], $0x4000, $0x38;
	[tilespmem:$0x1ED80] =	vst v63  }
0x6c: {  	_ =	swait.ge [sflag:s18], $0x4000  }
0x6d: {  	[sflag:s18] =	ssyncset.done $0x0  }
0x6e: {  	[sflag:s18] =	ssyncadd.s32 $0xFFFFC000  }
0x6f: {  	[spmem:s9] =	stream.linear.scatter [tilespmem:s17], [sflag:$0x5], $0x4000, $0x38;
	[tilespmem:$0x1ED80] =	vst v63  }
0x70: {  	_ =	swait.ge [sflag:s18], $0x4000  }
0x71: {  	[sflag:s18] =	ssyncset.done $0x0  }
0x72: {  	[sflag:s18] =	ssyncadd.s32 $0xFFFFC000  }
0x73: {  	[spmem:s10] =	stream.linear.scatter [tilespmem:s19], [sflag:$0x5], $0x280, $0x38;
	[tilespmem:$0x1ED80] =	vst v63  }
0x74: {  	_ =	swait.ge [sflag:s18], $0x280  }
0x75: {  	[sflag:s18] =	ssyncset.done $0x0  }
0x76: {  	[sflag:s18] =	ssyncadd.s32 $0xFFFFFD80  }
0x77: {  	[bflag:$0x0] =	sbarrier.arrive $0xFFFF  }
0x78: {  	[tilespmem:s3], [sflag:$0x5] =	stream.linear.gather [hbm4b:s11+s3], $0x1400, $0x38;
	[tilespmem:$0x1ED80] =	vst v63  }
0x79: {  	_ =	swait.ge [sflag:s18], $0x1400  }
0x7a: {  	[sflag:s18] =	ssyncset.done $0x0  }
0x7b: {  	[sflag:s18] =	ssyncadd.s32 $0xFFFFEC00  }
0x7c: {  	[tilespmem:s20], [sflag:$0x5] =	stream.linear.gather [hbm4b:s12+s3], $0x1400, $0x38;
	[tilespmem:$0x1ED80] =	vst v63  }
0x7d: {  	_ =	swait.ge [sflag:s18], $0x1400  }
0x7e: {  	[sflag:s18] =	ssyncset.done $0x0  }
0x7f: {  	[sflag:s18] =	ssyncadd.s32 $0xFFFFEC00  }
0x80: {  	[tilespmem:s17], [sflag:$0x1] =	stream.indirect.gather [hbm4b:s4+s21], $0x80, s3, s21, $0xb8;
	[tilespmem:$0x1ED80] =	vst v63  }
0x81: {  	_ =	swait.ge [sflag:s22], $0x4000  }
0x82: {  	[sflag:s22] =	ssyncset.done $0x0  }
0x83: {  	[sflag:s22] =	ssyncadd.s32 $0xFFFFC000  }
0x84: {  	[spmem:s2] =	stream.indirect.scatter.add.f32 [tilespmem:s17], [sflag:$0x3], $0x80, s20, s21, $0xb8;
	[tilespmem:$0x1ED80] =	vst v63  }
0x85: {  	_ = 	snop  }
0x86: {  	[tilespmem:s23], [sflag:$0x2] =	stream.indirect.gather [hbm4b:s4+s21], $0x80, s21, s21, $0xb8;
	[tilespmem:$0x1ED80] =	vst v63  }
0x87: {  	_ =	swait.ge [sflag:s24], $0x4000  }
0x88: {  	[sflag:s24] =	ssyncset.done $0x0  }
0x89: {  	[sflag:s24] =	ssyncadd.s32 $0xFFFFC000  }
0x8a: {  	_ =	swait.ge [sflag:s25], $0x4000  }
0x8b: {  	[sflag:s25] =	ssyncset.done $0x0  }
0x8c: {  	[sflag:s25] =	ssyncadd.s32 $0xFFFFC000  }
0x8d: {  	[spmem:s2] =	stream.indirect.scatter.add.f32 [tilespmem:s23], [sflag:$0x4], $0x80, s26, s21, $0xb8;
	[tilespmem:$0x1ED80] =	vst v63  }
0x8e: {  	s31 =	simm.s32 $0xFFFFB800  }
0x8f: {  	[tilespmem:s17], [sflag:$0x1] =	stream.indirect.gather [hbm4b:s4+s21], $0x80, s28, s21, $0xb8;
	[tilespmem:$0x1ED80] =	vst v63  }
.LBB2_4:
0x90: {  	_ =	swait.ge [sflag:s22], $0x4000  }
0x91: {  	[sflag:s22] =	ssyncset.done $0x0  }
0x92: {  	[sflag:s22] =	ssyncadd.s32 $0xFFFFC000  }
0x93: {  	_ =	swait.ge [sflag:s29], $0x4000  }
0x94: {  	s0 =	sshra.s32 s31, $0x2;
	[sflag:s29] =	ssyncset.done $0x0  }
0x95: {  	s1 =	sadd.s32 $0x2700, s0;
	[sflag:s29] =	ssyncadd.s32 $0xFFFFC000  }
0x96: {  	[spmem:s2] =	stream.indirect.scatter.add.f32 [tilespmem:s17], [sflag:$0x3], $0x80, s1, s21, $0xb8;
	[tilespmem:$0x1ED80] =	vst v63  }
0x97: {  	s1 =	sadd.s32 $0x1380, s0  }
0x98: {  	[tilespmem:s23], [sflag:$0x2] =	stream.indirect.gather [hbm4b:s4+s21], $0x80, s1, s21, $0xb8;
	[tilespmem:$0x1ED80] =	vst v63  }
0x99: {  	_ =	swait.ge [sflag:s24], $0x4000  }
0x9a: {  	p0 =	seq.s32 s31, $0x0;
	[sflag:s24] =	ssyncset.done $0x0  }
.Ltmp3:
0x9b: {  	[sflag:s24] =	ssyncadd.s32 $0xFFFFC000;
	(pc) =	sbr.rel @p0 .LBB2_6-.Ltmp3, $4  }
0x9c: {  	_ =	swait.ge [sflag:s25], $0x4000  }
0x9d: {  	[sflag:s25] =	ssyncset.done $0x0  }
0x9e: {  	s1 =	sadd.s32 $0x2780, s0;
	[sflag:s25] =	ssyncadd.s32 $0xFFFFC000  }
0x9f: {  	[spmem:s2] =	stream.indirect.scatter.add.f32 [tilespmem:s23], [sflag:$0x4], $0x80, s1, s21, $0xb8;
	[tilespmem:$0x1ED80] =	vst v63  }
.Ltmp4:
0xa0: {  	(pc) =	sbr.rel .LBB2_4-.Ltmp4, $3  }
0xa1: {  	_ =	sdelay $0x1  }
0xa2: {  	s0 =	sadd.s32 $0x1400, s0;
	s31 =	sadd.s32 $0x400, s31  }
0xa3: {  	[tilespmem:s17], [sflag:$0x1] =	stream.indirect.gather [hbm4b:s4+s21], $0x80, s0, s21, $0xb8;
	[tilespmem:$0x1ED80] =	vst v63  }
.LBB2_6:
0xa4: {  	_ =	swait.ge [sflag:s29], $0x4000  }
0xa5: {  	[sflag:s29] =	ssyncset.done $0x0  }
0xa6: {  	[sflag:s29] =	ssyncadd.s32 $0xFFFFC000  }
0xa7: {  	[tilespmem:s3], [sflag:$0x5] =	stream.linear.gather [hbm4b:s13+s3], $0x1400, $0x38;
	[tilespmem:$0x1ED80] =	vst v63  }
0xa8: {  	_ =	swait.ge [sflag:s18], $0x1400  }
0xa9: {  	[sflag:s18] =	ssyncset.done $0x0  }
0xaa: {  	[sflag:s18] =	ssyncadd.s32 $0xFFFFEC00  }
0xab: {  	[tilespmem:s20], [sflag:$0x5] =	stream.linear.gather [hbm4b:s14+s3], $0x1400, $0x38;
	[tilespmem:$0x1ED80] =	vst v63  }
0xac: {  	_ =	swait.ge [sflag:s18], $0x1400  }
0xad: {  	[sflag:s18] =	ssyncset.done $0x0  }
0xae: {  	[sflag:s18] =	ssyncadd.s32 $0xFFFFEC00  }
0xaf: {  	[tilespmem:s17], [sflag:$0x1] =	stream.indirect.gather [hbm4b:s4+s21], $0x80, s3, s21, $0xb8;
	[tilespmem:$0x1ED80] =	vst v63  }
0xb0: {  	_ =	swait.ge [sflag:s22], $0x4000  }
0xb1: {  	[sflag:s22] =	ssyncset.done $0x0  }
0xb2: {  	[sflag:s22] =	ssyncadd.s32 $0xFFFFC000  }
0xb3: {  	[spmem:s2] =	stream.indirect.scatter.add.f32 [tilespmem:s17], [sflag:$0x3], $0x80, s20, s21, $0xb8;
	[tilespmem:$0x1ED80] =	vst v63  }
0xb4: {  	_ = 	snop  }
0xb5: {  	[tilespmem:s23], [sflag:$0x2] =	stream.indirect.gather [hbm4b:s4+s21], $0x80, s21, s21, $0xb8;
	[tilespmem:$0x1ED80] =	vst v63  }
0xb6: {  	_ =	swait.ge [sflag:s24], $0x4000  }
0xb7: {  	[sflag:s24] =	ssyncset.done $0x0  }
0xb8: {  	[sflag:s24] =	ssyncadd.s32 $0xFFFFC000  }
0xb9: {  	_ =	swait.ge [sflag:s25], $0x4000  }
0xba: {  	[sflag:s25] =	ssyncset.done $0x0  }
0xbb: {  	[sflag:s25] =	ssyncadd.s32 $0xFFFFC000  }
0xbc: {  	[spmem:s2] =	stream.indirect.scatter.add.f32 [tilespmem:s23], [sflag:$0x4], $0x80, s26, s21, $0xb8;
	[tilespmem:$0x1ED80] =	vst v63  }
0xbd: {  	s31 =	simm.s32 $0xFFFFB800  }
0xbe: {  	[tilespmem:s17], [sflag:$0x1] =	stream.indirect.gather [hbm4b:s4+s21], $0x80, s28, s21, $0xb8;
	[tilespmem:$0x1ED80] =	vst v63  }
.LBB2_7:
0xbf: {  	_ =	swait.ge [sflag:s22], $0x4000  }
0xc0: {  	[sflag:s22] =	ssyncset.done $0x0  }
0xc1: {  	[sflag:s22] =	ssyncadd.s32 $0xFFFFC000  }
0xc2: {  	_ =	swait.ge [sflag:s29], $0x4000  }
0xc3: {  	s0 =	sshra.s32 s31, $0x2;
	[sflag:s29] =	ssyncset.done $0x0  }
0xc4: {  	s1 =	sadd.s32 $0x2700, s0;
	[sflag:s29] =	ssyncadd.s32 $0xFFFFC000  }
0xc5: {  	[spmem:s2] =	stream.indirect.scatter.add.f32 [tilespmem:s17], [sflag:$0x3], $0x80, s1, s21, $0xb8;
	[tilespmem:$0x1ED80] =	vst v63  }
0xc6: {  	s1 =	sadd.s32 $0x1380, s0  }
0xc7: {  	[tilespmem:s23], [sflag:$0x2] =	stream.indirect.gather [hbm4b:s4+s21], $0x80, s1, s21, $0xb8;
	[tilespmem:$0x1ED80] =	vst v63  }
0xc8: {  	_ =	swait.ge [sflag:s24], $0x4000  }
0xc9: {  	p0 =	seq.s32 s31, $0x0;
	[sflag:s24] =	ssyncset.done $0x0  }
.Ltmp5:
0xca: {  	[sflag:s24] =	ssyncadd.s32 $0xFFFFC000;
	(pc) =	sbr.rel @p0 .LBB2_9-.Ltmp5, $4  }
0xcb: {  	_ =	swait.ge [sflag:s25], $0x4000  }
0xcc: {  	[sflag:s25] =	ssyncset.done $0x0  }
0xcd: {  	s1 =	sadd.s32 $0x2780, s0;
	[sflag:s25] =	ssyncadd.s32 $0xFFFFC000  }
0xce: {  	[spmem:s2] =	stream.indirect.scatter.add.f32 [tilespmem:s23], [sflag:$0x4], $0x80, s1, s21, $0xb8;
	[tilespmem:$0x1ED80] =	vst v63  }
.Ltmp6:
0xcf: {  	(pc) =	sbr.rel .LBB2_7-.Ltmp6, $3  }
0xd0: {  	_ =	sdelay $0x1  }
0xd1: {  	s0 =	sadd.s32 $0x1400, s0;
	s31 =	sadd.s32 $0x400, s31  }
0xd2: {  	[tilespmem:s17], [sflag:$0x1] =	stream.indirect.gather [hbm4b:s4+s21], $0x80, s0, s21, $0xb8;
	[tilespmem:$0x1ED80] =	vst v63  }
.LBB2_10:
0xd3: {  	_ =	sfence.sel $0x180000  }
0xd4: {  	[bflag:$0x0] =	sbarrier.arrive $0xFFFF  }
0xd5: {  	_ =	strace $0x9000004A  }
0xd6: {  	s0 =	stileid.u32;
	[bflag:$0x2] =	sbarrier.arrive $0xFFFF  }
0xd7: {  	p0 =	sne.s32 s0, $0x0;
	s0 =	rddreg [dreg:$0x4]  }
0xd8: {  	s0 =	sadd.s32 @!p0 $0x100000, s0  }
0xd9: {  	[sflag:s0] =	ssyncadd.tile.s32 @!p0 $0x1;
	_ =	shalt  }
.Lfunc_end2:
_tile_overlayer_lowered:
.L_overlay_start_2:
0xda: {  	(tag) =	ssettag $0x2  }
0xdb: {  	s0 =	rddreg [dreg:$0x0];
	s2 =	stileid.u32  }
0xdc: {  	s1 =	rddreg [dreg:$0x1];
	p0 =	sne.s32 s2, $0x0  }
0xdd: {  	s3 =	rddreg [dreg:$0x2];
	[bflag:$0x3] =	sbarrier.arrive $0xFFFF;
	s2 =	simm.s32 @!p0 $0x1C05  }
0xde: {  	[timem:s3], [sflag:s2] =	dma.local @!p0 [hbm:s0], s1  }
0xdf: {  	s0 =	simm.s32 @!p0 $0x5  }
0xe0: {  	_ =	swait.ge @!p0 [sflag:s0], s1  }
0xe1: {  	s1 =	ssub.s32 @!p0 $0x0, s1;
	[sflag:s0] =	ssyncset.done @!p0 $0x0  }
0xe2: {  	[sflag:s0] =	ssyncadd.s32 @!p0 s1  }
0xe3: {  	[bflag:$0x3] =	sbarrier.arrive $0xFFFF  }
0xe4: {  	_ =	shalt  }

</sc_bundles>
